<compile_context>
chip_gen: v7x
topology: tpu7x:2x2x1
jax: 0.10.2.dev20260603
libtpu: 0.0.44.dev20260713+nightly
codegen_flags: <defaults>
</compile_context>

<pallas_src>
import functools

import jax
import jax.numpy as jnp
from jax import lax
from jax.experimental import pallas as pl
from jax.experimental.pallas import tpu as pltpu
from jax.experimental.pallas import tpu_sc as plsc

MEMBERS = 32
NSEL = 36
TOPK_N = 32
ROWS_PER_STEP = 64


def _topk_body(x_ref, idx_ref, cs_ref):
    R = x_ref.shape[0]
    NM = x_ref.shape[1]
    G = NM // MEMBERS
    x = x_ref[...]
    xr = x.reshape(R, MEMBERS, G)

    gmax = jnp.max(xr, axis=1)

    lane_f = lax.broadcasted_iota(jnp.int32, (R, G), 1).astype(jnp.float32)
    neg = jnp.float32(-1e30)

    cur = gmax
    picks = []
    for _ in range(NSEL):
        m = jnp.max(cur, axis=1, keepdims=True)
        ji = jnp.min(jnp.where(cur == m, lane_f, jnp.float32(G)),
                     axis=1, keepdims=True)
        picks.append(ji)
        cur = jnp.where(lane_f == ji, neg, cur)
    jstar = jnp.concatenate(picks, axis=1)

    jg = lax.broadcasted_iota(jnp.int32, (G, NSEL), 0)
    jstar_i = jstar.astype(jnp.int32)
    QS = MEMBERS // 8
    cands = []
    for r in range(R):
        ot_r = (jg == jstar_i[r][None, :]).astype(jnp.float32)
        c = lax.dot_general(xr[r], ot_r, (((1,), (0,)), ((), ())),
                            precision=lax.Precision.HIGHEST,
                            preferred_element_type=jnp.float32)
        crow = jnp.concatenate([c[q * 8:(q + 1) * 8] for q in range(QS)],
                               axis=1)
        cands.append(crow[None])
    cand = jnp.concatenate(cands, axis=0)

    W = QS * NSEL
    l_io = lax.broadcasted_iota(jnp.int32, (R, 8, W), 2)
    sp_io = lax.broadcasted_iota(jnp.int32, (R, 8, W), 1)
    s_idx = (l_io // NSEL) * 8 + sp_io
    jre = jnp.concatenate(
        [jnp.broadcast_to(jstar[:, None, :], (R, 8, NSEL))] * QS, axis=2)
    gi = s_idx.astype(jnp.float32) * jnp.float32(G) + jre
    p = jax.nn.sigmoid(cand)

    big = jnp.float32(1e9)
    out_idx = []
    out_val = []
    curp = p
    for _ in range(TOPK_N):
        m2 = jnp.max(jnp.max(curp, axis=2), axis=1)
        m2 = m2[:, None, None]
        tied = curp == m2
        mi = jnp.min(jnp.min(jnp.where(tied, gi, big), axis=2), axis=1)
        mi = mi[:, None, None]
        out_idx.append(mi[:, :, 0])
        out_val.append(m2[:, :, 0])
        curp = jnp.where(gi == mi, -1.0, curp)
    idxs = jnp.concatenate(out_idx, axis=1).astype(jnp.int32)
    vals = jnp.concatenate(out_val, axis=1)
    idx_ref[...] = idxs

    li = lax.broadcasted_iota(jnp.int32, (TOPK_N, TOPK_N * MEMBERS), 1)
    ti = lax.broadcasted_iota(jnp.int32, (TOPK_N, TOPK_N * MEMBERS), 0)
    E = (li // MEMBERS == ti).astype(jnp.float32)
    cs_ref[...] = lax.dot_general(vals, E, (((1,), (0,)), ((), ())),
                                  precision=lax.Precision.HIGHEST,
                                  preferred_element_type=jnp.float32)


def _run_topk(scores):
    B, NM = scores.shape
    R = ROWS_PER_STEP
    return pl.pallas_call(
        _topk_body,
        grid=(B // R,),
        in_specs=[pl.BlockSpec((R, NM), lambda i: (i, 0))],
        out_specs=[
            pl.BlockSpec((R, TOPK_N), lambda i: (i, 0)),
            pl.BlockSpec((R, TOPK_N * MEMBERS), lambda i: (i, 0)),
        ],
        out_shape=[
            jax.ShapeDtypeStruct((B, TOPK_N), jnp.int32),
            jax.ShapeDtypeStruct((B, TOPK_N * MEMBERS), jnp.float32),
        ],
    )(scores)


def _sc_gather(table, idx_flat):
    n = idx_flat.shape[0]
    d = table.shape[1]
    nw = 32
    bpw = n // nw
    mesh = plsc.VectorSubcoreMesh(core_axis_name="c", subcore_axis_name="s")

    @functools.partial(
        pl.kernel,
        mesh=mesh,
        compiler_params=pltpu.CompilerParams(use_tc_tiling_on_sc=False),
        out_type=jax.ShapeDtypeStruct((n, d), jnp.int32),
        scratch_types=[
            pltpu.VMEM((bpw,), jnp.int32),
            pltpu.VMEM((bpw, d), jnp.int32),
            pltpu.SemaphoreType.DMA,
        ],
    )
    def k(table_hbm, idx_hbm, out_hbm, idx_v, rows_v, sem):
        wid = lax.axis_index("s") * 2 + lax.axis_index("c")
        base = wid * bpw
        pltpu.sync_copy(idx_hbm.at[pl.ds(base, bpw)], idx_v)
        pltpu.async_copy(table_hbm.at[idx_v], rows_v, sem).wait()
        pltpu.sync_copy(rows_v, out_hbm.at[pl.ds(base, bpw)])

    return k(table, idx_flat)


def kernel(scores, label_clusters, k):
    b = scores.shape[0]
    idxs, cscores = _run_topk(scores)
    idxs = idxs + (k - k)
    rows = _sc_gather(label_clusters, idxs.reshape(-1))
    candidates = rows.reshape(b, -1)
    return idxs, candidates, cscores

# --- scband reference (transcript-rebuilt; emitter-appended) ---
"""Pipeline reference for scband-inception-plus-17093969838162 (READ-ONLY COPY).

The authoritative reference and input builder live on the scoring server;
editing this copy changes nothing except your own understanding.
"""

import jax, jax.numpy as jnp
import numpy as np

NUM_LABELS = 1000000
BATCH = 1024
NUM_META = 32768
CLUSTER_SIZE = 32
TOPK = 32


def setup_inputs(seed: int = 0) -> dict:
    key = jax.random.key(seed)
    k1, k2 = jax.random.split(key)
    scores = jax.random.normal(k1, (BATCH, NUM_META), dtype=jnp.float32)
    label_clusters = jax.random.randint(k2, (NUM_META, CLUSTER_SIZE), 0, NUM_LABELS, dtype=jnp.int32)
    return {"scores": scores, "label_clusters": label_clusters, "k": TOPK}


def reference(scores, label_clusters, k):
    # Faithful to InceptionPlus.get_candidates (inference path, group_gd=None):
    #   group_logits = sigmoid(meta_logits.detach())
    #   scores, indices = topk(group_logits, k)
    #   candidates = label_clusters[indices]
    #   candidates_scores = ones_like(candidates) * scores[..., None]
    #   return indices, candidates.flatten(1), candidates_scores.flatten(1)
    probs = jax.nn.sigmoid(scores)
    topk_scores, indices = jax.lax.top_k(probs, TOPK)
    indices = indices + (k - k)
    candidates = jnp.take(label_clusters, indices, axis=0)  # [B, k, cluster_size]
    candidates_scores = jnp.ones(candidates.shape, dtype=topk_scores.dtype) * topk_scores[..., None]
    b = scores.shape[0]
    return indices, candidates.reshape(b, -1), candidates_scores.reshape(b, -1)

if __name__ == "__main__":
    import jax
    _d = setup_inputs()
    print(jax.jit(kernel)(*tuple(_d.values())))

</pallas_src>

<mosaic_0001>
#map = affine_map<(d0, d1) -> (0, 0)>
#map1 = affine_map<(d0, d1) -> (0)>
module attributes {stable_mosaic.version = 14 : i64} {
  func.func @k(%arg0: i32, %arg1: i32, %arg2: memref<32768x32xi32, #tpu.memory_space<hbm>>, %arg3: memref<32768xi32, #tpu.memory_space<hbm>>, %arg4: memref<32768x32xi32, #tpu.memory_space<hbm>>, %arg5: memref<1024xi32, #tpu.memory_space<vmem>>, %arg6: memref<1024x32xi32, #tpu.memory_space<vmem>>, %arg7: memref<!tpu.dma_semaphore, #tpu.memory_space<semaphore_mem>>) attributes {dimension_semantics = [#tpu.dimension_semantics<core_parallel>, #tpu.dimension_semantics<subcore_parallel>], iteration_bounds = array<i64: 2, 16>, scalar_prefetch = 0 : i64, scratch_operands = 3 : i64, tpu.core_type = #tpu.core_type<sc_vector_subcore>, window_params = [{transform_indices = #map}, {transform_indices = #map1}, {transform_indices = #map}]} {
    %mul3A = arith.constant 2 : i32
    %mul3A_0 = arith.muli %arg1, %mul3A : i32
    %add3A = arith.addi %mul3A_0, %arg0 : i32
    %mul3A_1 = arith.constant 1024 : i32
    %mul3A_2 = arith.muli %add3A, %mul3A_1 : i32
    "tpu.region"() ({
      %run_scoped3A = tpu.sem_alloc : memref<!tpu.dma_semaphore, #tpu.memory_space<semaphore_mem>>
      %dma_start3A_7 = tpu.memref_slice %arg3[%mul3A_2] : memref<32768xi32, #tpu.memory_space<hbm>> -> memref<1024xi32, #tpu.memory_space<hbm>>
      %dma_start3A_8 = tpu.memref_slice %arg3[%mul3A_2] : memref<32768xi32, #tpu.memory_space<hbm>> -> memref<1024xi32, #tpu.memory_space<hbm>>
      tpu.enqueue_dma source(%dma_start3A_8 : memref<1024xi32, #tpu.memory_space<hbm>>) target(%arg5 : memref<1024xi32, #tpu.memory_space<vmem>>) target_semaphore(%run_scoped3A : memref<!tpu.dma_semaphore, #tpu.memory_space<semaphore_mem>>)
      %dma_wait3A_9 = tpu.memref_slice %arg3[%mul3A_2] : memref<32768xi32, #tpu.memory_space<hbm>> -> memref<1024xi32, #tpu.memory_space<hbm>>
      %dma_wait3A_10 = tpu.memref_slice %arg3[%mul3A_2] : memref<32768xi32, #tpu.memory_space<hbm>> -> memref<1024xi32, #tpu.memory_space<hbm>>
      tpu.wait_dma2 semaphore(%run_scoped3A : memref<!tpu.dma_semaphore, #tpu.memory_space<semaphore_mem>>) src(%dma_wait3A_10 : memref<1024xi32, #tpu.memory_space<hbm>>) dst(%arg5 : memref<1024xi32, #tpu.memory_space<vmem>>)
      tpu.yield
    }) : () -> ()
    %dma_start3A = arith.constant 0 : i32
    %dma_start3A_3 = arith.constant 0 : i32
    %dma_start3A_4 = tpu.memref_slice %arg2[%dma_start3A, %dma_start3A_3] : memref<32768x32xi32, #tpu.memory_space<hbm>> -> memref<32768x32xi32, #tpu.memory_space<hbm>>
    tpu.enqueue_indirect_dma source(%dma_start3A_4 : memref<32768x32xi32, #tpu.memory_space<hbm>>) target(%arg6 : memref<1024x32xi32, #tpu.memory_space<vmem>>) offsets(%arg5 : memref<1024xi32, #tpu.memory_space<vmem>>) semaphore(%arg7 : memref<!tpu.dma_semaphore, #tpu.memory_space<semaphore_mem>>)
    %dma_wait3A = arith.constant 0 : i32
    %dma_wait3A_5 = arith.constant 0 : i32
    %dma_wait3A_6 = tpu.memref_slice %arg2[%dma_wait3A, %dma_wait3A_5] : memref<32768x32xi32, #tpu.memory_space<hbm>> -> memref<32768x32xi32, #tpu.memory_space<hbm>>
    tpu.wait_indirect_dma semaphore(%arg7 : memref<!tpu.dma_semaphore, #tpu.memory_space<semaphore_mem>>) src(%dma_wait3A_6 : memref<32768x32xi32, #tpu.memory_space<hbm>>) dst(%arg6 : memref<1024x32xi32, #tpu.memory_space<vmem>>)
    "tpu.region"() ({
      %run_scoped3A = tpu.sem_alloc : memref<!tpu.dma_semaphore, #tpu.memory_space<semaphore_mem>>
      %dma_start3A_7 = arith.constant 0 : i32
      %dma_start3A_8 = tpu.memref_slice %arg4[%mul3A_2, %dma_start3A_7] : memref<32768x32xi32, #tpu.memory_space<hbm>> -> memref<1024x32xi32, #tpu.memory_space<hbm>>
      %dma_start3A_9 = arith.constant 0 : i32
      %dma_start3A_10 = tpu.memref_slice %arg4[%mul3A_2, %dma_start3A_9] : memref<32768x32xi32, #tpu.memory_space<hbm>> -> memref<1024x32xi32, #tpu.memory_space<hbm>>
      tpu.enqueue_dma source(%arg6 : memref<1024x32xi32, #tpu.memory_space<vmem>>) target(%dma_start3A_10 : memref<1024x32xi32, #tpu.memory_space<hbm>>) target_semaphore(%run_scoped3A : memref<!tpu.dma_semaphore, #tpu.memory_space<semaphore_mem>>)
      %dma_wait3A_11 = arith.constant 0 : i32
      %dma_wait3A_12 = tpu.memref_slice %arg4[%mul3A_2, %dma_wait3A_11] : memref<32768x32xi32, #tpu.memory_space<hbm>> -> memref<1024x32xi32, #tpu.memory_space<hbm>>
      %dma_wait3A_13 = arith.constant 0 : i32
      %dma_wait3A_14 = tpu.memref_slice %arg4[%mul3A_2, %dma_wait3A_13] : memref<32768x32xi32, #tpu.memory_space<hbm>> -> memref<1024x32xi32, #tpu.memory_space<hbm>>
      tpu.wait_dma2 semaphore(%run_scoped3A : memref<!tpu.dma_semaphore, #tpu.memory_space<semaphore_mem>>) src(%arg6 : memref<1024x32xi32, #tpu.memory_space<vmem>>) dst(%dma_wait3A_14 : memref<1024x32xi32, #tpu.memory_space<hbm>>)
      tpu.yield
    }) : () -> ()
    return
  }
}

module attributes {stable_mosaic.version = 14 : i64} {
  func.func @_topk_body(%arg0: i32, %arg1: memref<64x32768xf32, #tpu.memory_space<vmem>>, %arg2: memref<64x32xi32, #tpu.memory_space<vmem>>, %arg3: memref<64x1024xf32, #tpu.memory_space<vmem>>) attributes {dimension_semantics = [#tpu.dimension_semantics<arbitrary>], iteration_bounds = array<i64: 16>, scalar_prefetch = 0 : i64, scratch_operands = 0 : i64, tpu.core_type = #tpu.core_type<tc>, window_params = [{transform_indices = @transform_0, window_bounds = array<i64: 64, 32768>}, {transform_indices = @transform_1, window_bounds = array<i64: 64, 32>}, {transform_indices = @transform_2, window_bounds = array<i64: 64, 1024>}]} {
    %get3A = arith.constant 0 : index
    %get3A_0 = arith.constant 0 : index
    %get3A_1 = vector.load %arg1[%get3A, %get3A_0] : memref<64x32768xf32, #tpu.memory_space<vmem>>, vector<64x32768xf32>
    %reshape3A = vector.shape_cast %get3A_1 : vector<64x32768xf32> to vector<64x32x1024xf32>
    %reduce_max3A = arith.constant dense<0xFF800000> : vector<64x1024xf32>
    %reduce_max3A_2 = vector.multi_reduction <maximumf>, %reshape3A, %reduce_max3A [1] : vector<64x32x1024xf32> to vector<64x1024xf32>
    %iota3A = tpu.iota {dimensions = array<i32: 1>} : vector<64x1024xi32>
    %convert_element_type3A = arith.sitofp %iota3A : vector<64x1024xi32> to vector<64x1024xf32>
    %reduce_max3A_3 = arith.constant dense<0xFF800000> : vector<64xf32>
    %reduce_max3A_4 = vector.multi_reduction <maximumf>, %reduce_max3A_2, %reduce_max3A_3 [1] : vector<64x1024xf32> to vector<64xf32>
    %broadcast_in_dim3A = vector.shape_cast %reduce_max3A_4 : vector<64xf32> to vector<64x1xf32>
    %eq3A = vector.broadcast %broadcast_in_dim3A : vector<64x1xf32> to vector<64x1024xf32>
    %eq3A_5 = arith.cmpf oeq, %reduce_max3A_2, %eq3A : vector<64x1024xf32>
    %jit3A = arith.constant 1.024000e+03 : f32
    %broadcast_in_dim3A_6 = vector.broadcast %jit3A : f32 to vector<64x1024xf32>
    %select_n3A = arith.select %eq3A_5, %convert_element_type3A, %broadcast_in_dim3A_6 : vector<64x1024xi1>, vector<64x1024xf32>
    %reduce_min3A = arith.constant dense<0x7F800000> : vector<64xf32>
    %reduce_min3A_7 = vector.multi_reduction <minimumf>, %select_n3A, %reduce_min3A [1] : vector<64x1024xf32> to vector<64xf32>
    %broadcast_in_dim3A_8 = vector.shape_cast %reduce_min3A_7 : vector<64xf32> to vector<64x1xf32>
    %eq3A_9 = vector.broadcast %broadcast_in_dim3A_8 : vector<64x1xf32> to vector<64x1024xf32>
    %eq3A_10 = arith.cmpf oeq, %convert_element_type3A, %eq3A_9 : vector<64x1024xf32>
    %jit3A_11 = arith.constant -1.000000e+30 : f32
    %broadcast_in_dim3A_12 = vector.broadcast %jit3A_11 : f32 to vector<64x1024xf32>
    %select_n3A_13 = arith.select %eq3A_10, %broadcast_in_dim3A_12, %reduce_max3A_2 : vector<64x1024xi1>, vector<64x1024xf32>
    %reduce_max3A_14 = arith.constant dense<0xFF800000> : vector<64xf32>
    %reduce_max3A_15 = vector.multi_reduction <maximumf>, %select_n3A_13, %reduce_max3A_14 [1] : vector<64x1024xf32> to vector<64xf32>
    %broadcast_in_dim3A_16 = vector.shape_cast %reduce_max3A_15 : vector<64xf32> to vector<64x1xf32>
    %eq3A_17 = vector.broadcast %broadcast_in_dim3A_16 : vector<64x1xf32> to vector<64x1024xf32>
    %eq3A_18 = arith.cmpf oeq, %select_n3A_13, %eq3A_17 : vector<64x1024xf32>
    %jit3A_19 = arith.constant 1.024000e+03 : f32
    %broadcast_in_dim3A_20 = vector.broadcast %jit3A_19 : f32 to vector<64x1024xf32>
    %select_n3A_21 = arith.select %eq3A_18, %convert_element_type3A, %broadcast_in_dim3A_20 : vector<64x1024xi1>, vector<64x1024xf32>
    %reduce_min3A_22 = arith.constant dense<0x7F800000> : vector<64xf32>
    %reduce_min3A_23 = vector.multi_reduction <minimumf>, %select_n3A_21, %reduce_min3A_22 [1] : vector<64x1024xf32> to vector<64xf32>
    %broadcast_in_dim3A_24 = vector.shape_cast %reduce_min3A_23 : vector<64xf32> to vector<64x1xf32>
    %eq3A_25 = vector.broadcast %broadcast_in_dim3A_24 : vector<64x1xf32> to vector<64x1024xf32>
    %eq3A_26 = arith.cmpf oeq, %convert_element_type3A, %eq3A_25 : vector<64x1024xf32>
    %jit3A_27 = arith.constant -1.000000e+30 : f32
    %broadcast_in_dim3A_28 = vector.broadcast %jit3A_27 : f32 to vector<64x1024xf32>
    %select_n3A_29 = arith.select %eq3A_26, %broadcast_in_dim3A_28, %select_n3A_13 : vector<64x1024xi1>, vector<64x1024xf32>
    %reduce_max3A_30 = arith.constant dense<0xFF800000> : vector<64xf32>
    %reduce_max3A_31 = vector.multi_reduction <maximumf>, %select_n3A_29, %reduce_max3A_30 [1] : vector<64x1024xf32> to vector<64xf32>
    %broadcast_in_dim3A_32 = vector.shape_cast %reduce_max3A_31 : vector<64xf32> to vector<64x1xf32>
    %eq3A_33 = vector.broadcast %broadcast_in_dim3A_32 : vector<64x1xf32> to vector<64x1024xf32>
    %eq3A_34 = arith.cmpf oeq, %select_n3A_29, %eq3A_33 : vector<64x1024xf32>
    %jit3A_35 = arith.constant 1.024000e+03 : f32
    %broadcast_in_dim3A_36 = vector.broadcast %jit3A_35 : f32 to vector<64x1024xf32>
    %select_n3A_37 = arith.select %eq3A_34, %convert_element_type3A, %broadcast_in_dim3A_36 : vector<64x1024xi1>, vector<64x1024xf32>
    %reduce_min3A_38 = arith.constant dense<0x7F800000> : vector<64xf32>
    %reduce_min3A_39 = vector.multi_reduction <minimumf>, %select_n3A_37, %reduce_min3A_38 [1] : vector<64x1024xf32> to vector<64xf32>
    %broadcast_in_dim3A_40 = vector.shape_cast %reduce_min3A_39 : vector<64xf32> to vector<64x1xf32>
    %eq3A_41 = vector.broadcast %broadcast_in_dim3A_40 : vector<64x1xf32> to vector<64x1024xf32>
    %eq3A_42 = arith.cmpf oeq, %convert_element_type3A, %eq3A_41 : vector<64x1024xf32>
    %jit3A_43 = arith.constant -1.000000e+30 : f32
    %broadcast_in_dim3A_44 = vector.broadcast %jit3A_43 : f32 to vector<64x1024xf32>
    %select_n3A_45 = arith.select %eq3A_42, %broadcast_in_dim3A_44, %select_n3A_29 : vector<64x1024xi1>, vector<64x1024xf32>
    %reduce_max3A_46 = arith.constant dense<0xFF800000> : vector<64xf32>
    %reduce_max3A_47 = vector.multi_reduction <maximumf>, %select_n3A_45, %reduce_max3A_46 [1] : vector<64x1024xf32> to vector<64xf32>
    %broadcast_in_dim3A_48 = vector.shape_cast %reduce_max3A_47 : vector<64xf32> to vector<64x1xf32>
    %eq3A_49 = vector.broadcast %broadcast_in_dim3A_48 : vector<64x1xf32> to vector<64x1024xf32>
    %eq3A_50 = arith.cmpf oeq, %select_n3A_45, %eq3A_49 : vector<64x1024xf32>
    %jit3A_51 = arith.constant 1.024000e+03 : f32
    %broadcast_in_dim3A_52 = vector.broadcast %jit3A_51 : f32 to vector<64x1024xf32>
    %select_n3A_53 = arith.select %eq3A_50, %convert_element_type3A, %broadcast_in_dim3A_52 : vector<64x1024xi1>, vector<64x1024xf32>
    %reduce_min3A_54 = arith.constant dense<0x7F800000> : vector<64xf32>
    %reduce_min3A_55 = vector.multi_reduction <minimumf>, %select_n3A_53, %reduce_min3A_54 [1] : vector<64x1024xf32> to vector<64xf32>
    %broadcast_in_dim3A_56 = vector.shape_cast %reduce_min3A_55 : vector<64xf32> to vector<64x1xf32>
    %eq3A_57 = vector.broadcast %broadcast_in_dim3A_56 : vector<64x1xf32> to vector<64x1024xf32>
    %eq3A_58 = arith.cmpf oeq, %convert_element_type3A, %eq3A_57 : vector<64x1024xf32>
    %jit3A_59 = arith.constant -1.000000e+30 : f32
    %broadcast_in_dim3A_60 = vector.broadcast %jit3A_59 : f32 to vector<64x1024xf32>
    %select_n3A_61 = arith.select %eq3A_58, %broadcast_in_dim3A_60, %select_n3A_45 : vector<64x1024xi1>, vector<64x1024xf32>
    %reduce_max3A_62 = arith.constant dense<0xFF800000> : vector<64xf32>
    %reduce_max3A_63 = vector.multi_reduction <maximumf>, %select_n3A_61, %reduce_max3A_62 [1] : vector<64x1024xf32> to vector<64xf32>
    %broadcast_in_dim3A_64 = vector.shape_cast %reduce_max3A_63 : vector<64xf32> to vector<64x1xf32>
    %eq3A_65 = vector.broadcast %broadcast_in_dim3A_64 : vector<64x1xf32> to vector<64x1024xf32>
    %eq3A_66 = arith.cmpf oeq, %select_n3A_61, %eq3A_65 : vector<64x1024xf32>
    %jit3A_67 = arith.constant 1.024000e+03 : f32
    %broadcast_in_dim3A_68 = vector.broadcast %jit3A_67 : f32 to vector<64x1024xf32>
    %select_n3A_69 = arith.select %eq3A_66, %convert_element_type3A, %broadcast_in_dim3A_68 : vector<64x1024xi1>, vector<64x1024xf32>
    %reduce_min3A_70 = arith.constant dense<0x7F800000> : vector<64xf32>
    %reduce_min3A_71 = vector.multi_reduction <minimumf>, %select_n3A_69, %reduce_min3A_70 [1] : vector<64x1024xf32> to vector<64xf32>
    %broadcast_in_dim3A_72 = vector.shape_cast %reduce_min3A_71 : vector<64xf32> to vector<64x1xf32>
    %eq3A_73 = vector.broadcast %broadcast_in_dim3A_72 : vector<64x1xf32> to vector<64x1024xf32>
    %eq3A_74 = arith.cmpf oeq, %convert_element_type3A, %eq3A_73 : vector<64x1024xf32>
    %jit3A_75 = arith.constant -1.000000e+30 : f32
    %broadcast_in_dim3A_76 = vector.broadcast %jit3A_75 : f32 to vector<64x1024xf32>
    %select_n3A_77 = arith.select %eq3A_74, %broadcast_in_dim3A_76, %select_n3A_61 : vector<64x1024xi1>, vector<64x1024xf32>
    %reduce_max3A_78 = arith.constant dense<0xFF800000> : vector<64xf32>
    %reduce_max3A_79 = vector.multi_reduction <maximumf>, %select_n3A_77, %reduce_max3A_78 [1] : vector<64x1024xf32> to vector<64xf32>
    %broadcast_in_dim3A_80 = vector.shape_cast %reduce_max3A_79 : vector<64xf32> to vector<64x1xf32>
    %eq3A_81 = vector.broadcast %broadcast_in_dim3A_80 : vector<64x1xf32> to vector<64x1024xf32>
    %eq3A_82 = arith.cmpf oeq, %select_n3A_77, %eq3A_81 : vector<64x1024xf32>
    %jit3A_83 = arith.constant 1.024000e+03 : f32
    %broadcast_in_dim3A_84 = vector.broadcast %jit3A_83 : f32 to vector<64x1024xf32>
    %select_n3A_85 = arith.select %eq3A_82, %convert_element_type3A, %broadcast_in_dim3A_84 : vector<64x1024xi1>, vector<64x1024xf32>
    %reduce_min3A_86 = arith.constant dense<0x7F800000> : vector<64xf32>
    %reduce_min3A_87 = vector.multi_reduction <minimumf>, %select_n3A_85, %reduce_min3A_86 [1] : vector<64x1024xf32> to vector<64xf32>
    %broadcast_in_dim3A_88 = vector.shape_cast %reduce_min3A_87 : vector<64xf32> to vector<64x1xf32>
    %eq3A_89 = vector.broadcast %broadcast_in_dim3A_88 : vector<64x1xf32> to vector<64x1024xf32>
    %eq3A_90 = arith.cmpf oeq, %convert_element_type3A, %eq3A_89 : vector<64x1024xf32>
    %jit3A_91 = arith.constant -1.000000e+30 : f32
    %broadcast_in_dim3A_92 = vector.broadcast %jit3A_91 : f32 to vector<64x1024xf32>
    %select_n3A_93 = arith.select %eq3A_90, %broadcast_in_dim3A_92, %select_n3A_77 : vector<64x1024xi1>, vector<64x1024xf32>
    %reduce_max3A_94 = arith.constant dense<0xFF800000> : vector<64xf32>
    %reduce_max3A_95 = vector.multi_reduction <maximumf>, %select_n3A_93, %reduce_max3A_94 [1] : vector<64x1024xf32> to vector<64xf32>
    %broadcast_in_dim3A_96 = vector.shape_cast %reduce_max3A_95 : vector<64xf32> to vector<64x1xf32>
    %eq3A_97 = vector.broadcast %broadcast_in_dim3A_96 : vector<64x1xf32> to vector<64x1024xf32>
    %eq3A_98 = arith.cmpf oeq, %select_n3A_93, %eq3A_97 : vector<64x1024xf32>
    %jit3A_99 = arith.constant 1.024000e+03 : f32
    %broadcast_in_dim3A_100 = vector.broadcast %jit3A_99 : f32 to vector<64x1024xf32>
    %select_n3A_101 = arith.select %eq3A_98, %convert_element_type3A, %broadcast_in_dim3A_100 : vector<64x1024xi1>, vector<64x1024xf32>
    %reduce_min3A_102 = arith.constant dense<0x7F800000> : vector<64xf32>
    %reduce_min3A_103 = vector.multi_reduction <minimumf>, %select_n3A_101, %reduce_min3A_102 [1] : vector<64x1024xf32> to vector<64xf32>
    %broadcast_in_dim3A_104 = vector.shape_cast %reduce_min3A_103 : vector<64xf32> to vector<64x1xf32>
    %eq3A_105 = vector.broadcast %broadcast_in_dim3A_104 : vector<64x1xf32> to vector<64x1024xf32>
    %eq3A_106 = arith.cmpf oeq, %convert_element_type3A, %eq3A_105 : vector<64x1024xf32>
    %jit3A_107 = arith.constant -1.000000e+30 : f32
    %broadcast_in_dim3A_108 = vector.broadcast %jit3A_107 : f32 to vector<64x1024xf32>
    %select_n3A_109 = arith.select %eq3A_106, %broadcast_in_dim3A_108, %select_n3A_93 : vector<64x1024xi1>, vector<64x1024xf32>
    %reduce_max3A_110 = arith.constant dense<0xFF800000> : vector<64xf32>
    %reduce_max3A_111 = vector.multi_reduction <maximumf>, %select_n3A_109, %reduce_max3A_110 [1] : vector<64x1024xf32> to vector<64xf32>
    %broadcast_in_dim3A_112 = vector.shape_cast %reduce_max3A_111 : vector<64xf32> to vector<64x1xf32>
    %eq3A_113 = vector.broadcast %broadcast_in_dim3A_112 : vector<64x1xf32> to vector<64x1024xf32>
    %eq3A_114 = arith.cmpf oeq, %select_n3A_109, %eq3A_113 : vector<64x1024xf32>
    %jit3A_115 = arith.constant 1.024000e+03 : f32
    %broadcast_in_dim3A_116 = vector.broadcast %jit3A_115 : f32 to vector<64x1024xf32>
    %select_n3A_117 = arith.select %eq3A_114, %convert_element_type3A, %broadcast_in_dim3A_116 : vector<64x1024xi1>, vector<64x1024xf32>
    %reduce_min3A_118 = arith.constant dense<0x7F800000> : vector<64xf32>
    %reduce_min3A_119 = vector.multi_reduction <minimumf>, %select_n3A_117, %reduce_min3A_118 [1] : vector<64x1024xf32> to vector<64xf32>
    %broadcast_in_dim3A_120 = vector.shape_cast %reduce_min3A_119 : vector<64xf32> to vector<64x1xf32>
    %eq3A_121 = vector.broadcast %broadcast_in_dim3A_120 : vector<64x1xf32> to vector<64x1024xf32>
    %eq3A_122 = arith.cmpf oeq, %convert_element_type3A, %eq3A_121 : vector<64x1024xf32>
    %jit3A_123 = arith.constant -1.000000e+30 : f32
    %broadcast_in_dim3A_124 = vector.broadcast %jit3A_123 : f32 to vector<64x1024xf32>
    %select_n3A_125 = arith.select %eq3A_122, %broadcast_in_dim3A_124, %select_n3A_109 : vector<64x1024xi1>, vector<64x1024xf32>
    %reduce_max3A_126 = arith.constant dense<0xFF800000> : vector<64xf32>
    %reduce_max3A_127 = vector.multi_reduction <maximumf>, %select_n3A_125, %reduce_max3A_126 [1] : vector<64x1024xf32> to vector<64xf32>
    %broadcast_in_dim3A_128 = vector.shape_cast %reduce_max3A_127 : vector<64xf32> to vector<64x1xf32>
    %eq3A_129 = vector.broadcast %broadcast_in_dim3A_128 : vector<64x1xf32> to vector<64x1024xf32>
    %eq3A_130 = arith.cmpf oeq, %select_n3A_125, %eq3A_129 : vector<64x1024xf32>
    %jit3A_131 = arith.constant 1.024000e+03 : f32
    %broadcast_in_dim3A_132 = vector.broadcast %jit3A_131 : f32 to vector<64x1024xf32>
    %select_n3A_133 = arith.select %eq3A_130, %convert_element_type3A, %broadcast_in_dim3A_132 : vector<64x1024xi1>, vector<64x1024xf32>
    %reduce_min3A_134 = arith.constant dense<0x7F800000> : vector<64xf32>
    %reduce_min3A_135 = vector.multi_reduction <minimumf>, %select_n3A_133, %reduce_min3A_134 [1] : vector<64x1024xf32> to vector<64xf32>
    %broadcast_in_dim3A_136 = vector.shape_cast %reduce_min3A_135 : vector<64xf32> to vector<64x1xf32>
    %eq3A_137 = vector.broadcast %broadcast_in_dim3A_136 : vector<64x1xf32> to vector<64x1024xf32>
    %eq3A_138 = arith.cmpf oeq, %convert_element_type3A, %eq3A_137 : vector<64x1024xf32>
    %jit3A_139 = arith.constant -1.000000e+30 : f32
    %broadcast_in_dim3A_140 = vector.broadcast %jit3A_139 : f32 to vector<64x1024xf32>
    %select_n3A_141 = arith.select %eq3A_138, %broadcast_in_dim3A_140, %select_n3A_125 : vector<64x1024xi1>, vector<64x1024xf32>
    %reduce_max3A_142 = arith.constant dense<0xFF800000> : vector<64xf32>
    %reduce_max3A_143 = vector.multi_reduction <maximumf>, %select_n3A_141, %reduce_max3A_142 [1] : vector<64x1024xf32> to vector<64xf32>
    %broadcast_in_dim3A_144 = vector.shape_cast %reduce_max3A_143 : vector<64xf32> to vector<64x1xf32>
    %eq3A_145 = vector.broadcast %broadcast_in_dim3A_144 : vector<64x1xf32> to vector<64x1024xf32>
    %eq3A_146 = arith.cmpf oeq, %select_n3A_141, %eq3A_145 : vector<64x1024xf32>
    %jit3A_147 = arith.constant 1.024000e+03 : f32
    %broadcast_in_dim3A_148 = vector.broadcast %jit3A_147 : f32 to vector<64x1024xf32>
    %select_n3A_149 = arith.select %eq3A_146, %convert_element_type3A, %broadcast_in_dim3A_148 : vector<64x1024xi1>, vector<64x1024xf32>
    %reduce_min3A_150 = arith.constant dense<0x7F800000> : vector<64xf32>
    %reduce_min3A_151 = vector.multi_reduction <minimumf>, %select_n3A_149, %reduce_min3A_150 [1] : vector<64x1024xf32> to vector<64xf32>
    %broadcast_in_dim3A_152 = vector.shape_cast %reduce_min3A_151 : vector<64xf32> to vector<64x1xf32>
    %eq3A_153 = vector.broadcast %broadcast_in_dim3A_152 : vector<64x1xf32> to vector<64x1024xf32>
    %eq3A_154 = arith.cmpf oeq, %convert_element_type3A, %eq3A_153 : vector<64x1024xf32>
    %jit3A_155 = arith.constant -1.000000e+30 : f32
    %broadcast_in_dim3A_156 = vector.broadcast %jit3A_155 : f32 to vector<64x1024xf32>
    %select_n3A_157 = arith.select %eq3A_154, %broadcast_in_dim3A_156, %select_n3A_141 : vector<64x1024xi1>, vector<64x1024xf32>
    %reduce_max3A_158 = arith.constant dense<0xFF800000> : vector<64xf32>
    %reduce_max3A_159 = vector.multi_reduction <maximumf>, %select_n3A_157, %reduce_max3A_158 [1] : vector<64x1024xf32> to vector<64xf32>
    %broadcast_in_dim3A_160 = vector.shape_cast %reduce_max3A_159 : vector<64xf32> to vector<64x1xf32>
    %eq3A_161 = vector.broadcast %broadcast_in_dim3A_160 : vector<64x1xf32> to vector<64x1024xf32>
    %eq3A_162 = arith.cmpf oeq, %select_n3A_157, %eq3A_161 : vector<64x1024xf32>
    %jit3A_163 = arith.constant 1.024000e+03 : f32
    %broadcast_in_dim3A_164 = vector.broadcast %jit3A_163 : f32 to vector<64x1024xf32>
    %select_n3A_165 = arith.select %eq3A_162, %convert_element_type3A, %broadcast_in_dim3A_164 : vector<64x1024xi1>, vector<64x1024xf32>
    %reduce_min3A_166 = arith.constant dense<0x7F800000> : vector<64xf32>
    %reduce_min3A_167 = vector.multi_reduction <minimumf>, %select_n3A_165, %reduce_min3A_166 [1] : vector<64x1024xf32> to vector<64xf32>
    %broadcast_in_dim3A_168 = vector.shape_cast %reduce_min3A_167 : vector<64xf32> to vector<64x1xf32>
    %eq3A_169 = vector.broadcast %broadcast_in_dim3A_168 : vector<64x1xf32> to vector<64x1024xf32>
    %eq3A_170 = arith.cmpf oeq, %convert_element_type3A, %eq3A_169 : vector<64x1024xf32>
    %jit3A_171 = arith.constant -1.000000e+30 : f32
    %broadcast_in_dim3A_172 = vector.broadcast %jit3A_171 : f32 to vector<64x1024xf32>
    %select_n3A_173 = arith.select %eq3A_170, %broadcast_in_dim3A_172, %select_n3A_157 : vector<64x1024xi1>, vector<64x1024xf32>
    %reduce_max3A_174 = arith.constant dense<0xFF800000> : vector<64xf32>
    %reduce_max3A_175 = vector.multi_reduction <maximumf>, %select_n3A_173, %reduce_max3A_174 [1] : vector<64x1024xf32> to vector<64xf32>
    %broadcast_in_dim3A_176 = vector.shape_cast %reduce_max3A_175 : vector<64xf32> to vector<64x1xf32>
    %eq3A_177 = vector.broadcast %broadcast_in_dim3A_176 : vector<64x1xf32> to vector<64x1024xf32>
    %eq3A_178 = arith.cmpf oeq, %select_n3A_173, %eq3A_177 : vector<64x1024xf32>
    %jit3A_179 = arith.constant 1.024000e+03 : f32
    %broadcast_in_dim3A_180 = vector.broadcast %jit3A_179 : f32 to vector<64x1024xf32>
    %select_n3A_181 = arith.select %eq3A_178, %convert_element_type3A, %broadcast_in_dim3A_180 : vector<64x1024xi1>, vector<64x1024xf32>
    %reduce_min3A_182 = arith.constant dense<0x7F800000> : vector<64xf32>
    %reduce_min3A_183 = vector.multi_reduction <minimumf>, %select_n3A_181, %reduce_min3A_182 [1] : vector<64x1024xf32> to vector<64xf32>
    %broadcast_in_dim3A_184 = vector.shape_cast %reduce_min3A_183 : vector<64xf32> to vector<64x1xf32>
    %eq3A_185 = vector.broadcast %broadcast_in_dim3A_184 : vector<64x1xf32> to vector<64x1024xf32>
    %eq3A_186 = arith.cmpf oeq, %convert_element_type3A, %eq3A_185 : vector<64x1024xf32>
    %jit3A_187 = arith.constant -1.000000e+30 : f32
    %broadcast_in_dim3A_188 = vector.broadcast %jit3A_187 : f32 to vector<64x1024xf32>
    %select_n3A_189 = arith.select %eq3A_186, %broadcast_in_dim3A_188, %select_n3A_173 : vector<64x1024xi1>, vector<64x1024xf32>
    %reduce_max3A_190 = arith.constant dense<0xFF800000> : vector<64xf32>
    %reduce_max3A_191 = vector.multi_reduction <maximumf>, %select_n3A_189, %reduce_max3A_190 [1] : vector<64x1024xf32> to vector<64xf32>
    %broadcast_in_dim3A_192 = vector.shape_cast %reduce_max3A_191 : vector<64xf32> to vector<64x1xf32>
    %eq3A_193 = vector.broadcast %broadcast_in_dim3A_192 : vector<64x1xf32> to vector<64x1024xf32>
    %eq3A_194 = arith.cmpf oeq, %select_n3A_189, %eq3A_193 : vector<64x1024xf32>
    %jit3A_195 = arith.constant 1.024000e+03 : f32
    %broadcast_in_dim3A_196 = vector.broadcast %jit3A_195 : f32 to vector<64x1024xf32>
    %select_n3A_197 = arith.select %eq3A_194, %convert_element_type3A, %broadcast_in_dim3A_196 : vector<64x1024xi1>, vector<64x1024xf32>
    %reduce_min3A_198 = arith.constant dense<0x7F800000> : vector<64xf32>
    %reduce_min3A_199 = vector.multi_reduction <minimumf>, %select_n3A_197, %reduce_min3A_198 [1] : vector<64x1024xf32> to vector<64xf32>
    %broadcast_in_dim3A_200 = vector.shape_cast %reduce_min3A_199 : vector<64xf32> to vector<64x1xf32>
    %eq3A_201 = vector.broadcast %broadcast_in_dim3A_200 : vector<64x1xf32> to vector<64x1024xf32>
    %eq3A_202 = arith.cmpf oeq, %convert_element_type3A, %eq3A_201 : vector<64x1024xf32>
    %jit3A_203 = arith.constant -1.000000e+30 : f32
    %broadcast_in_dim3A_204 = vector.broadcast %jit3A_203 : f32 to vector<64x1024xf32>
    %select_n3A_205 = arith.select %eq3A_202, %broadcast_in_dim3A_204, %select_n3A_189 : vector<64x1024xi1>, vector<64x1024xf32>
    %reduce_max3A_206 = arith.constant dense<0xFF800000> : vector<64xf32>
    %reduce_max3A_207 = vector.multi_reduction <maximumf>, %select_n3A_205, %reduce_max3A_206 [1] : vector<64x1024xf32> to vector<64xf32>
    %broadcast_in_dim3A_208 = vector.shape_cast %reduce_max3A_207 : vector<64xf32> to vector<64x1xf32>
    %eq3A_209 = vector.broadcast %broadcast_in_dim3A_208 : vector<64x1xf32> to vector<64x1024xf32>
    %eq3A_210 = arith.cmpf oeq, %select_n3A_205, %eq3A_209 : vector<64x1024xf32>
    %jit3A_211 = arith.constant 1.024000e+03 : f32
    %broadcast_in_dim3A_212 = vector.broadcast %jit3A_211 : f32 to vector<64x1024xf32>
    %select_n3A_213 = arith.select %eq3A_210, %convert_element_type3A, %broadcast_in_dim3A_212 : vector<64x1024xi1>, vector<64x1024xf32>
    %reduce_min3A_214 = arith.constant dense<0x7F800000> : vector<64xf32>
    %reduce_min3A_215 = vector.multi_reduction <minimumf>, %select_n3A_213, %reduce_min3A_214 [1] : vector<64x1024xf32> to vector<64xf32>
    %broadcast_in_dim3A_216 = vector.shape_cast %reduce_min3A_215 : vector<64xf32> to vector<64x1xf32>
    %eq3A_217 = vector.broadcast %broadcast_in_dim3A_216 : vector<64x1xf32> to vector<64x1024xf32>
    %eq3A_218 = arith.cmpf oeq, %convert_element_type3A, %eq3A_217 : vector<64x1024xf32>
    %jit3A_219 = arith.constant -1.000000e+30 : f32
    %broadcast_in_dim3A_220 = vector.broadcast %jit3A_219 : f32 to vector<64x1024xf32>
    %select_n3A_221 = arith.select %eq3A_218, %broadcast_in_dim3A_220, %select_n3A_205 : vector<64x1024xi1>, vector<64x1024xf32>
    %reduce_max3A_222 = arith.constant dense<0xFF800000> : vector<64xf32>
    %reduce_max3A_223 = vector.multi_reduction <maximumf>, %select_n3A_221, %reduce_max3A_222 [1] : vector<64x1024xf32> to vector<64xf32>
    %broadcast_in_dim3A_224 = vector.shape_cast %reduce_max3A_223 : vector<64xf32> to vector<64x1xf32>
    %eq3A_225 = vector.broadcast %broadcast_in_dim3A_224 : vector<64x1xf32> to vector<64x1024xf32>
    %eq3A_226 = arith.cmpf oeq, %select_n3A_221, %eq3A_225 : vector<64x1024xf32>
    %jit3A_227 = arith.constant 1.024000e+03 : f32
    %broadcast_in_dim3A_228 = vector.broadcast %jit3A_227 : f32 to vector<64x1024xf32>
    %select_n3A_229 = arith.select %eq3A_226, %convert_element_type3A, %broadcast_in_dim3A_228 : vector<64x1024xi1>, vector<64x1024xf32>
    %reduce_min3A_230 = arith.constant dense<0x7F800000> : vector<64xf32>
    %reduce_min3A_231 = vector.multi_reduction <minimumf>, %select_n3A_229, %reduce_min3A_230 [1] : vector<64x1024xf32> to vector<64xf32>
    %broadcast_in_dim3A_232 = vector.shape_cast %reduce_min3A_231 : vector<64xf32> to vector<64x1xf32>
    %eq3A_233 = vector.broadcast %broadcast_in_dim3A_232 : vector<64x1xf32> to vector<64x1024xf32>
    %eq3A_234 = arith.cmpf oeq, %convert_element_type3A, %eq3A_233 : vector<64x1024xf32>
    %jit3A_235 = arith.constant -1.000000e+30 : f32
    %broadcast_in_dim3A_236 = vector.broadcast %jit3A_235 : f32 to vector<64x1024xf32>
    %select_n3A_237 = arith.select %eq3A_234, %broadcast_in_dim3A_236, %select_n3A_221 : vector<64x1024xi1>, vector<64x1024xf32>
    %reduce_max3A_238 = arith.constant dense<0xFF800000> : vector<64xf32>
    %reduce_max3A_239 = vector.multi_reduction <maximumf>, %select_n3A_237, %reduce_max3A_238 [1] : vector<64x1024xf32> to vector<64xf32>
    %broadcast_in_dim3A_240 = vector.shape_cast %reduce_max3A_239 : vector<64xf32> to vector<64x1xf32>
    %eq3A_241 = vector.broadcast %broadcast_in_dim3A_240 : vector<64x1xf32> to vector<64x1024xf32>
    %eq3A_242 = arith.cmpf oeq, %select_n3A_237, %eq3A_241 : vector<64x1024xf32>
    %jit3A_243 = arith.constant 1.024000e+03 : f32
    %broadcast_in_dim3A_244 = vector.broadcast %jit3A_243 : f32 to vector<64x1024xf32>
    %select_n3A_245 = arith.select %eq3A_242, %convert_element_type3A, %broadcast_in_dim3A_244 : vector<64x1024xi1>, vector<64x1024xf32>
    %reduce_min3A_246 = arith.constant dense<0x7F800000> : vector<64xf32>
    %reduce_min3A_247 = vector.multi_reduction <minimumf>, %select_n3A_245, %reduce_min3A_246 [1] : vector<64x1024xf32> to vector<64xf32>
    %broadcast_in_dim3A_248 = vector.shape_cast %reduce_min3A_247 : vector<64xf32> to vector<64x1xf32>
    %eq3A_249 = vector.broadcast %broadcast_in_dim3A_248 : vector<64x1xf32> to vector<64x1024xf32>
    %eq3A_250 = arith.cmpf oeq, %convert_element_type3A, %eq3A_249 : vector<64x1024xf32>
    %jit3A_251 = arith.constant -1.000000e+30 : f32
    %broadcast_in_dim3A_252 = vector.broadcast %jit3A_251 : f32 to vector<64x1024xf32>
    %select_n3A_253 = arith.select %eq3A_250, %broadcast_in_dim3A_252, %select_n3A_237 : vector<64x1024xi1>, vector<64x1024xf32>
    %reduce_max3A_254 = arith.constant dense<0xFF800000> : vector<64xf32>
    %reduce_max3A_255 = vector.multi_reduction <maximumf>, %select_n3A_253, %reduce_max3A_254 [1] : vector<64x1024xf32> to vector<64xf32>
    %broadcast_in_dim3A_256 = vector.shape_cast %reduce_max3A_255 : vector<64xf32> to vector<64x1xf32>
    %eq3A_257 = vector.broadcast %broadcast_in_dim3A_256 : vector<64x1xf32> to vector<64x1024xf32>
    %eq3A_258 = arith.cmpf oeq, %select_n3A_253, %eq3A_257 : vector<64x1024xf32>
    %jit3A_259 = arith.constant 1.024000e+03 : f32
    %broadcast_in_dim3A_260 = vector.broadcast %jit3A_259 : f32 to vector<64x1024xf32>
    %select_n3A_261 = arith.select %eq3A_258, %convert_element_type3A, %broadcast_in_dim3A_260 : vector<64x1024xi1>, vector<64x1024xf32>
    %reduce_min3A_262 = arith.constant dense<0x7F800000> : vector<64xf32>
    %reduce_min3A_263 = vector.multi_reduction <minimumf>, %select_n3A_261, %reduce_min3A_262 [1] : vector<64x1024xf32> to vector<64xf32>
    %broadcast_in_dim3A_264 = vector.shape_cast %reduce_min3A_263 : vector<64xf32> to vector<64x1xf32>
    %eq3A_265 = vector.broadcast %broadcast_in_dim3A_264 : vector<64x1xf32> to vector<64x1024xf32>
    %eq3A_266 = arith.cmpf oeq, %convert_element_type3A, %eq3A_265 : vector<64x1024xf32>
    %jit3A_267 = arith.constant -1.000000e+30 : f32
    %broadcast_in_dim3A_268 = vector.broadcast %jit3A_267 : f32 to vector<64x1024xf32>
    %select_n3A_269 = arith.select %eq3A_266, %broadcast_in_dim3A_268, %select_n3A_253 : vector<64x1024xi1>, vector<64x1024xf32>
    %reduce_max3A_270 = arith.constant dense<0xFF800000> : vector<64xf32>
    %reduce_max3A_271 = vector.multi_reduction <maximumf>, %select_n3A_269, %reduce_max3A_270 [1] : vector<64x1024xf32> to vector<64xf32>
    %broadcast_in_dim3A_272 = vector.shape_cast %reduce_max3A_271 : vector<64xf32> to vector<64x1xf32>
    %eq3A_273 = vector.broadcast %broadcast_in_dim3A_272 : vector<64x1xf32> to vector<64x1024xf32>
    %eq3A_274 = arith.cmpf oeq, %select_n3A_269, %eq3A_273 : vector<64x1024xf32>
    %jit3A_275 = arith.constant 1.024000e+03 : f32
    %broadcast_in_dim3A_276 = vector.broadcast %jit3A_275 : f32 to vector<64x1024xf32>
    %select_n3A_277 = arith.select %eq3A_274, %convert_element_type3A, %broadcast_in_dim3A_276 : vector<64x1024xi1>, vector<64x1024xf32>
    %reduce_min3A_278 = arith.constant dense<0x7F800000> : vector<64xf32>
    %reduce_min3A_279 = vector.multi_reduction <minimumf>, %select_n3A_277, %reduce_min3A_278 [1] : vector<64x1024xf32> to vector<64xf32>
    %broadcast_in_dim3A_280 = vector.shape_cast %reduce_min3A_279 : vector<64xf32> to vector<64x1xf32>
    %eq3A_281 = vector.broadcast %broadcast_in_dim3A_280 : vector<64x1xf32> to vector<64x1024xf32>
    %eq3A_282 = arith.cmpf oeq, %convert_element_type3A, %eq3A_281 : vector<64x1024xf32>
    %jit3A_283 = arith.constant -1.000000e+30 : f32
    %broadcast_in_dim3A_284 = vector.broadcast %jit3A_283 : f32 to vector<64x1024xf32>
    %select_n3A_285 = arith.select %eq3A_282, %broadcast_in_dim3A_284, %select_n3A_269 : vector<64x1024xi1>, vector<64x1024xf32>
    %reduce_max3A_286 = arith.constant dense<0xFF800000> : vector<64xf32>
    %reduce_max3A_287 = vector.multi_reduction <maximumf>, %select_n3A_285, %reduce_max3A_286 [1] : vector<64x1024xf32> to vector<64xf32>
    %broadcast_in_dim3A_288 = vector.shape_cast %reduce_max3A_287 : vector<64xf32> to vector<64x1xf32>
    %eq3A_289 = vector.broadcast %broadcast_in_dim3A_288 : vector<64x1xf32> to vector<64x1024xf32>
    %eq3A_290 = arith.cmpf oeq, %select_n3A_285, %eq3A_289 : vector<64x1024xf32>
    %jit3A_291 = arith.constant 1.024000e+03 : f32
    %broadcast_in_dim3A_292 = vector.broadcast %jit3A_291 : f32 to vector<64x1024xf32>
    %select_n3A_293 = arith.select %eq3A_290, %convert_element_type3A, %broadcast_in_dim3A_292 : vector<64x1024xi1>, vector<64x1024xf32>
    %reduce_min3A_294 = arith.constant dense<0x7F800000> : vector<64xf32>
    %reduce_min3A_295 = vector.multi_reduction <minimumf>, %select_n3A_293, %reduce_min3A_294 [1] : vector<64x1024xf32> to vector<64xf32>
    %broadcast_in_dim3A_296 = vector.shape_cast %reduce_min3A_295 : vector<64xf32> to vector<64x1xf32>
    %eq3A_297 = vector.broadcast %broadcast_in_dim3A_296 : vector<64x1xf32> to vector<64x1024xf32>
    %eq3A_298 = arith.cmpf oeq, %convert_element_type3A, %eq3A_297 : vector<64x1024xf32>
    %jit3A_299 = arith.constant -1.000000e+30 : f32
    %broadcast_in_dim3A_300 = vector.broadcast %jit3A_299 : f32 to vector<64x1024xf32>
    %select_n3A_301 = arith.select %eq3A_298, %broadcast_in_dim3A_300, %select_n3A_285 : vector<64x1024xi1>, vector<64x1024xf32>
    %reduce_max3A_302 = arith.constant dense<0xFF800000> : vector<64xf32>
    %reduce_max3A_303 = vector.multi_reduction <maximumf>, %select_n3A_301, %reduce_max3A_302 [1] : vector<64x1024xf32> to vector<64xf32>
    %broadcast_in_dim3A_304 = vector.shape_cast %reduce_max3A_303 : vector<64xf32> to vector<64x1xf32>
    %eq3A_305 = vector.broadcast %broadcast_in_dim3A_304 : vector<64x1xf32> to vector<64x1024xf32>
    %eq3A_306 = arith.cmpf oeq, %select_n3A_301, %eq3A_305 : vector<64x1024xf32>
    %jit3A_307 = arith.constant 1.024000e+03 : f32
    %broadcast_in_dim3A_308 = vector.broadcast %jit3A_307 : f32 to vector<64x1024xf32>
    %select_n3A_309 = arith.select %eq3A_306, %convert_element_type3A, %broadcast_in_dim3A_308 : vector<64x1024xi1>, vector<64x1024xf32>
    %reduce_min3A_310 = arith.constant dense<0x7F800000> : vector<64xf32>
    %reduce_min3A_311 = vector.multi_reduction <minimumf>, %select_n3A_309, %reduce_min3A_310 [1] : vector<64x1024xf32> to vector<64xf32>
    %broadcast_in_dim3A_312 = vector.shape_cast %reduce_min3A_311 : vector<64xf32> to vector<64x1xf32>
    %eq3A_313 = vector.broadcast %broadcast_in_dim3A_312 : vector<64x1xf32> to vector<64x1024xf32>
    %eq3A_314 = arith.cmpf oeq, %convert_element_type3A, %eq3A_313 : vector<64x1024xf32>
    %jit3A_315 = arith.constant -1.000000e+30 : f32
    %broadcast_in_dim3A_316 = vector.broadcast %jit3A_315 : f32 to vector<64x1024xf32>
    %select_n3A_317 = arith.select %eq3A_314, %broadcast_in_dim3A_316, %select_n3A_301 : vector<64x1024xi1>, vector<64x1024xf32>
    %reduce_max3A_318 = arith.constant dense<0xFF800000> : vector<64xf32>
    %reduce_max3A_319 = vector.multi_reduction <maximumf>, %select_n3A_317, %reduce_max3A_318 [1] : vector<64x1024xf32> to vector<64xf32>
    %broadcast_in_dim3A_320 = vector.shape_cast %reduce_max3A_319 : vector<64xf32> to vector<64x1xf32>
    %eq3A_321 = vector.broadcast %broadcast_in_dim3A_320 : vector<64x1xf32> to vector<64x1024xf32>
    %eq3A_322 = arith.cmpf oeq, %select_n3A_317, %eq3A_321 : vector<64x1024xf32>
    %jit3A_323 = arith.constant 1.024000e+03 : f32
    %broadcast_in_dim3A_324 = vector.broadcast %jit3A_323 : f32 to vector<64x1024xf32>
    %select_n3A_325 = arith.select %eq3A_322, %convert_element_type3A, %broadcast_in_dim3A_324 : vector<64x1024xi1>, vector<64x1024xf32>
    %reduce_min3A_326 = arith.constant dense<0x7F800000> : vector<64xf32>
    %reduce_min3A_327 = vector.multi_reduction <minimumf>, %select_n3A_325, %reduce_min3A_326 [1] : vector<64x1024xf32> to vector<64xf32>
    %broadcast_in_dim3A_328 = vector.shape_cast %reduce_min3A_327 : vector<64xf32> to vector<64x1xf32>
    %eq3A_329 = vector.broadcast %broadcast_in_dim3A_328 : vector<64x1xf32> to vector<64x1024xf32>
    %eq3A_330 = arith.cmpf oeq, %convert_element_type3A, %eq3A_329 : vector<64x1024xf32>
    %jit3A_331 = arith.constant -1.000000e+30 : f32
    %broadcast_in_dim3A_332 = vector.broadcast %jit3A_331 : f32 to vector<64x1024xf32>
    %select_n3A_333 = arith.select %eq3A_330, %broadcast_in_dim3A_332, %select_n3A_317 : vector<64x1024xi1>, vector<64x1024xf32>
    %reduce_max3A_334 = arith.constant dense<0xFF800000> : vector<64xf32>
    %reduce_max3A_335 = vector.multi_reduction <maximumf>, %select_n3A_333, %reduce_max3A_334 [1] : vector<64x1024xf32> to vector<64xf32>
    %broadcast_in_dim3A_336 = vector.shape_cast %reduce_max3A_335 : vector<64xf32> to vector<64x1xf32>
    %eq3A_337 = vector.broadcast %broadcast_in_dim3A_336 : vector<64x1xf32> to vector<64x1024xf32>
    %eq3A_338 = arith.cmpf oeq, %select_n3A_333, %eq3A_337 : vector<64x1024xf32>
    %jit3A_339 = arith.constant 1.024000e+03 : f32
    %broadcast_in_dim3A_340 = vector.broadcast %jit3A_339 : f32 to vector<64x1024xf32>
    %select_n3A_341 = arith.select %eq3A_338, %convert_element_type3A, %broadcast_in_dim3A_340 : vector<64x1024xi1>, vector<64x1024xf32>
    %reduce_min3A_342 = arith.constant dense<0x7F800000> : vector<64xf32>
    %reduce_min3A_343 = vector.multi_reduction <minimumf>, %select_n3A_341, %reduce_min3A_342 [1] : vector<64x1024xf32> to vector<64xf32>
    %broadcast_in_dim3A_344 = vector.shape_cast %reduce_min3A_343 : vector<64xf32> to vector<64x1xf32>
    %eq3A_345 = vector.broadcast %broadcast_in_dim3A_344 : vector<64x1xf32> to vector<64x1024xf32>
    %eq3A_346 = arith.cmpf oeq, %convert_element_type3A, %eq3A_345 : vector<64x1024xf32>
    %jit3A_347 = arith.constant -1.000000e+30 : f32
    %broadcast_in_dim3A_348 = vector.broadcast %jit3A_347 : f32 to vector<64x1024xf32>
    %select_n3A_349 = arith.select %eq3A_346, %broadcast_in_dim3A_348, %select_n3A_333 : vector<64x1024xi1>, vector<64x1024xf32>
    %reduce_max3A_350 = arith.constant dense<0xFF800000> : vector<64xf32>
    %reduce_max3A_351 = vector.multi_reduction <maximumf>, %select_n3A_349, %reduce_max3A_350 [1] : vector<64x1024xf32> to vector<64xf32>
    %broadcast_in_dim3A_352 = vector.shape_cast %reduce_max3A_351 : vector<64xf32> to vector<64x1xf32>
    %eq3A_353 = vector.broadcast %broadcast_in_dim3A_352 : vector<64x1xf32> to vector<64x1024xf32>
    %eq3A_354 = arith.cmpf oeq, %select_n3A_349, %eq3A_353 : vector<64x1024xf32>
    %jit3A_355 = arith.constant 1.024000e+03 : f32
    %broadcast_in_dim3A_356 = vector.broadcast %jit3A_355 : f32 to vector<64x1024xf32>
    %select_n3A_357 = arith.select %eq3A_354, %convert_element_type3A, %broadcast_in_dim3A_356 : vector<64x1024xi1>, vector<64x1024xf32>
    %reduce_min3A_358 = arith.constant dense<0x7F800000> : vector<64xf32>
    %reduce_min3A_359 = vector.multi_reduction <minimumf>, %select_n3A_357, %reduce_min3A_358 [1] : vector<64x1024xf32> to vector<64xf32>
    %broadcast_in_dim3A_360 = vector.shape_cast %reduce_min3A_359 : vector<64xf32> to vector<64x1xf32>
    %eq3A_361 = vector.broadcast %broadcast_in_dim3A_360 : vector<64x1xf32> to vector<64x1024xf32>
    %eq3A_362 = arith.cmpf oeq, %convert_element_type3A, %eq3A_361 : vector<64x1024xf32>
    %jit3A_363 = arith.constant -1.000000e+30 : f32
    %broadcast_in_dim3A_364 = vector.broadcast %jit3A_363 : f32 to vector<64x1024xf32>
    %select_n3A_365 = arith.select %eq3A_362, %broadcast_in_dim3A_364, %select_n3A_349 : vector<64x1024xi1>, vector<64x1024xf32>
    %reduce_max3A_366 = arith.constant dense<0xFF800000> : vector<64xf32>
    %reduce_max3A_367 = vector.multi_reduction <maximumf>, %select_n3A_365, %reduce_max3A_366 [1] : vector<64x1024xf32> to vector<64xf32>
    %broadcast_in_dim3A_368 = vector.shape_cast %reduce_max3A_367 : vector<64xf32> to vector<64x1xf32>
    %eq3A_369 = vector.broadcast %broadcast_in_dim3A_368 : vector<64x1xf32> to vector<64x1024xf32>
    %eq3A_370 = arith.cmpf oeq, %select_n3A_365, %eq3A_369 : vector<64x1024xf32>
    %jit3A_371 = arith.constant 1.024000e+03 : f32
    %broadcast_in_dim3A_372 = vector.broadcast %jit3A_371 : f32 to vector<64x1024xf32>
    %select_n3A_373 = arith.select %eq3A_370, %convert_element_type3A, %broadcast_in_dim3A_372 : vector<64x1024xi1>, vector<64x1024xf32>
    %reduce_min3A_374 = arith.constant dense<0x7F800000> : vector<64xf32>
    %reduce_min3A_375 = vector.multi_reduction <minimumf>, %select_n3A_373, %reduce_min3A_374 [1] : vector<64x1024xf32> to vector<64xf32>
    %broadcast_in_dim3A_376 = vector.shape_cast %reduce_min3A_375 : vector<64xf32> to vector<64x1xf32>
    %eq3A_377 = vector.broadcast %broadcast_in_dim3A_376 : vector<64x1xf32> to vector<64x1024xf32>
    %eq3A_378 = arith.cmpf oeq, %convert_element_type3A, %eq3A_377 : vector<64x1024xf32>
    %jit3A_379 = arith.constant -1.000000e+30 : f32
    %broadcast_in_dim3A_380 = vector.broadcast %jit3A_379 : f32 to vector<64x1024xf32>
    %select_n3A_381 = arith.select %eq3A_378, %broadcast_in_dim3A_380, %select_n3A_365 : vector<64x1024xi1>, vector<64x1024xf32>
    %reduce_max3A_382 = arith.constant dense<0xFF800000> : vector<64xf32>
    %reduce_max3A_383 = vector.multi_reduction <maximumf>, %select_n3A_381, %reduce_max3A_382 [1] : vector<64x1024xf32> to vector<64xf32>
    %broadcast_in_dim3A_384 = vector.shape_cast %reduce_max3A_383 : vector<64xf32> to vector<64x1xf32>
    %eq3A_385 = vector.broadcast %broadcast_in_dim3A_384 : vector<64x1xf32> to vector<64x1024xf32>
    %eq3A_386 = arith.cmpf oeq, %select_n3A_381, %eq3A_385 : vector<64x1024xf32>
    %jit3A_387 = arith.constant 1.024000e+03 : f32
    %broadcast_in_dim3A_388 = vector.broadcast %jit3A_387 : f32 to vector<64x1024xf32>
    %select_n3A_389 = arith.select %eq3A_386, %convert_element_type3A, %broadcast_in_dim3A_388 : vector<64x1024xi1>, vector<64x1024xf32>
    %reduce_min3A_390 = arith.constant dense<0x7F800000> : vector<64xf32>
    %reduce_min3A_391 = vector.multi_reduction <minimumf>, %select_n3A_389, %reduce_min3A_390 [1] : vector<64x1024xf32> to vector<64xf32>
    %broadcast_in_dim3A_392 = vector.shape_cast %reduce_min3A_391 : vector<64xf32> to vector<64x1xf32>
    %eq3A_393 = vector.broadcast %broadcast_in_dim3A_392 : vector<64x1xf32> to vector<64x1024xf32>
    %eq3A_394 = arith.cmpf oeq, %convert_element_type3A, %eq3A_393 : vector<64x1024xf32>
    %jit3A_395 = arith.constant -1.000000e+30 : f32
    %broadcast_in_dim3A_396 = vector.broadcast %jit3A_395 : f32 to vector<64x1024xf32>
    %select_n3A_397 = arith.select %eq3A_394, %broadcast_in_dim3A_396, %select_n3A_381 : vector<64x1024xi1>, vector<64x1024xf32>
    %reduce_max3A_398 = arith.constant dense<0xFF800000> : vector<64xf32>
    %reduce_max3A_399 = vector.multi_reduction <maximumf>, %select_n3A_397, %reduce_max3A_398 [1] : vector<64x1024xf32> to vector<64xf32>
    %broadcast_in_dim3A_400 = vector.shape_cast %reduce_max3A_399 : vector<64xf32> to vector<64x1xf32>
    %eq3A_401 = vector.broadcast %broadcast_in_dim3A_400 : vector<64x1xf32> to vector<64x1024xf32>
    %eq3A_402 = arith.cmpf oeq, %select_n3A_397, %eq3A_401 : vector<64x1024xf32>
    %jit3A_403 = arith.constant 1.024000e+03 : f32
    %broadcast_in_dim3A_404 = vector.broadcast %jit3A_403 : f32 to vector<64x1024xf32>
    %select_n3A_405 = arith.select %eq3A_402, %convert_element_type3A, %broadcast_in_dim3A_404 : vector<64x1024xi1>, vector<64x1024xf32>
    %reduce_min3A_406 = arith.constant dense<0x7F800000> : vector<64xf32>
    %reduce_min3A_407 = vector.multi_reduction <minimumf>, %select_n3A_405, %reduce_min3A_406 [1] : vector<64x1024xf32> to vector<64xf32>
    %broadcast_in_dim3A_408 = vector.shape_cast %reduce_min3A_407 : vector<64xf32> to vector<64x1xf32>
    %eq3A_409 = vector.broadcast %broadcast_in_dim3A_408 : vector<64x1xf32> to vector<64x1024xf32>
    %eq3A_410 = arith.cmpf oeq, %convert_element_type3A, %eq3A_409 : vector<64x1024xf32>
    %jit3A_411 = arith.constant -1.000000e+30 : f32
    %broadcast_in_dim3A_412 = vector.broadcast %jit3A_411 : f32 to vector<64x1024xf32>
    %select_n3A_413 = arith.select %eq3A_410, %broadcast_in_dim3A_412, %select_n3A_397 : vector<64x1024xi1>, vector<64x1024xf32>
    %reduce_max3A_414 = arith.constant dense<0xFF800000> : vector<64xf32>
    %reduce_max3A_415 = vector.multi_reduction <maximumf>, %select_n3A_413, %reduce_max3A_414 [1] : vector<64x1024xf32> to vector<64xf32>
    %broadcast_in_dim3A_416 = vector.shape_cast %reduce_max3A_415 : vector<64xf32> to vector<64x1xf32>
    %eq3A_417 = vector.broadcast %broadcast_in_dim3A_416 : vector<64x1xf32> to vector<64x1024xf32>
    %eq3A_418 = arith.cmpf oeq, %select_n3A_413, %eq3A_417 : vector<64x1024xf32>
    %jit3A_419 = arith.constant 1.024000e+03 : f32
    %broadcast_in_dim3A_420 = vector.broadcast %jit3A_419 : f32 to vector<64x1024xf32>
    %select_n3A_421 = arith.select %eq3A_418, %convert_element_type3A, %broadcast_in_dim3A_420 : vector<64x1024xi1>, vector<64x1024xf32>
    %reduce_min3A_422 = arith.constant dense<0x7F800000> : vector<64xf32>
    %reduce_min3A_423 = vector.multi_reduction <minimumf>, %select_n3A_421, %reduce_min3A_422 [1] : vector<64x1024xf32> to vector<64xf32>
    %broadcast_in_dim3A_424 = vector.shape_cast %reduce_min3A_423 : vector<64xf32> to vector<64x1xf32>
    %eq3A_425 = vector.broadcast %broadcast_in_dim3A_424 : vector<64x1xf32> to vector<64x1024xf32>
    %eq3A_426 = arith.cmpf oeq, %convert_element_type3A, %eq3A_425 : vector<64x1024xf32>
    %jit3A_427 = arith.constant -1.000000e+30 : f32
    %broadcast_in_dim3A_428 = vector.broadcast %jit3A_427 : f32 to vector<64x1024xf32>
    %select_n3A_429 = arith.select %eq3A_426, %broadcast_in_dim3A_428, %select_n3A_413 : vector<64x1024xi1>, vector<64x1024xf32>
    %reduce_max3A_430 = arith.constant dense<0xFF800000> : vector<64xf32>
    %reduce_max3A_431 = vector.multi_reduction <maximumf>, %select_n3A_429, %reduce_max3A_430 [1] : vector<64x1024xf32> to vector<64xf32>
    %broadcast_in_dim3A_432 = vector.shape_cast %reduce_max3A_431 : vector<64xf32> to vector<64x1xf32>
    %eq3A_433 = vector.broadcast %broadcast_in_dim3A_432 : vector<64x1xf32> to vector<64x1024xf32>
    %eq3A_434 = arith.cmpf oeq, %select_n3A_429, %eq3A_433 : vector<64x1024xf32>
    %jit3A_435 = arith.constant 1.024000e+03 : f32
    %broadcast_in_dim3A_436 = vector.broadcast %jit3A_435 : f32 to vector<64x1024xf32>
    %select_n3A_437 = arith.select %eq3A_434, %convert_element_type3A, %broadcast_in_dim3A_436 : vector<64x1024xi1>, vector<64x1024xf32>
    %reduce_min3A_438 = arith.constant dense<0x7F800000> : vector<64xf32>
    %reduce_min3A_439 = vector.multi_reduction <minimumf>, %select_n3A_437, %reduce_min3A_438 [1] : vector<64x1024xf32> to vector<64xf32>
    %broadcast_in_dim3A_440 = vector.shape_cast %reduce_min3A_439 : vector<64xf32> to vector<64x1xf32>
    %eq3A_441 = vector.broadcast %broadcast_in_dim3A_440 : vector<64x1xf32> to vector<64x1024xf32>
    %eq3A_442 = arith.cmpf oeq, %convert_element_type3A, %eq3A_441 : vector<64x1024xf32>
    %jit3A_443 = arith.constant -1.000000e+30 : f32
    %broadcast_in_dim3A_444 = vector.broadcast %jit3A_443 : f32 to vector<64x1024xf32>
    %select_n3A_445 = arith.select %eq3A_442, %broadcast_in_dim3A_444, %select_n3A_429 : vector<64x1024xi1>, vector<64x1024xf32>
    %reduce_max3A_446 = arith.constant dense<0xFF800000> : vector<64xf32>
    %reduce_max3A_447 = vector.multi_reduction <maximumf>, %select_n3A_445, %reduce_max3A_446 [1] : vector<64x1024xf32> to vector<64xf32>
    %broadcast_in_dim3A_448 = vector.shape_cast %reduce_max3A_447 : vector<64xf32> to vector<64x1xf32>
    %eq3A_449 = vector.broadcast %broadcast_in_dim3A_448 : vector<64x1xf32> to vector<64x1024xf32>
    %eq3A_450 = arith.cmpf oeq, %select_n3A_445, %eq3A_449 : vector<64x1024xf32>
    %jit3A_451 = arith.constant 1.024000e+03 : f32
    %broadcast_in_dim3A_452 = vector.broadcast %jit3A_451 : f32 to vector<64x1024xf32>
    %select_n3A_453 = arith.select %eq3A_450, %convert_element_type3A, %broadcast_in_dim3A_452 : vector<64x1024xi1>, vector<64x1024xf32>
    %reduce_min3A_454 = arith.constant dense<0x7F800000> : vector<64xf32>
    %reduce_min3A_455 = vector.multi_reduction <minimumf>, %select_n3A_453, %reduce_min3A_454 [1] : vector<64x1024xf32> to vector<64xf32>
    %broadcast_in_dim3A_456 = vector.shape_cast %reduce_min3A_455 : vector<64xf32> to vector<64x1xf32>
    %eq3A_457 = vector.broadcast %broadcast_in_dim3A_456 : vector<64x1xf32> to vector<64x1024xf32>
    %eq3A_458 = arith.cmpf oeq, %convert_element_type3A, %eq3A_457 : vector<64x1024xf32>
    %jit3A_459 = arith.constant -1.000000e+30 : f32
    %broadcast_in_dim3A_460 = vector.broadcast %jit3A_459 : f32 to vector<64x1024xf32>
    %select_n3A_461 = arith.select %eq3A_458, %broadcast_in_dim3A_460, %select_n3A_445 : vector<64x1024xi1>, vector<64x1024xf32>
    %reduce_max3A_462 = arith.constant dense<0xFF800000> : vector<64xf32>
    %reduce_max3A_463 = vector.multi_reduction <maximumf>, %select_n3A_461, %reduce_max3A_462 [1] : vector<64x1024xf32> to vector<64xf32>
    %broadcast_in_dim3A_464 = vector.shape_cast %reduce_max3A_463 : vector<64xf32> to vector<64x1xf32>
    %eq3A_465 = vector.broadcast %broadcast_in_dim3A_464 : vector<64x1xf32> to vector<64x1024xf32>
    %eq3A_466 = arith.cmpf oeq, %select_n3A_461, %eq3A_465 : vector<64x1024xf32>
    %jit3A_467 = arith.constant 1.024000e+03 : f32
    %broadcast_in_dim3A_468 = vector.broadcast %jit3A_467 : f32 to vector<64x1024xf32>
    %select_n3A_469 = arith.select %eq3A_466, %convert_element_type3A, %broadcast_in_dim3A_468 : vector<64x1024xi1>, vector<64x1024xf32>
    %reduce_min3A_470 = arith.constant dense<0x7F800000> : vector<64xf32>
    %reduce_min3A_471 = vector.multi_reduction <minimumf>, %select_n3A_469, %reduce_min3A_470 [1] : vector<64x1024xf32> to vector<64xf32>
    %broadcast_in_dim3A_472 = vector.shape_cast %reduce_min3A_471 : vector<64xf32> to vector<64x1xf32>
    %eq3A_473 = vector.broadcast %broadcast_in_dim3A_472 : vector<64x1xf32> to vector<64x1024xf32>
    %eq3A_474 = arith.cmpf oeq, %convert_element_type3A, %eq3A_473 : vector<64x1024xf32>
    %jit3A_475 = arith.constant -1.000000e+30 : f32
    %broadcast_in_dim3A_476 = vector.broadcast %jit3A_475 : f32 to vector<64x1024xf32>
    %select_n3A_477 = arith.select %eq3A_474, %broadcast_in_dim3A_476, %select_n3A_461 : vector<64x1024xi1>, vector<64x1024xf32>
    %reduce_max3A_478 = arith.constant dense<0xFF800000> : vector<64xf32>
    %reduce_max3A_479 = vector.multi_reduction <maximumf>, %select_n3A_477, %reduce_max3A_478 [1] : vector<64x1024xf32> to vector<64xf32>
    %broadcast_in_dim3A_480 = vector.shape_cast %reduce_max3A_479 : vector<64xf32> to vector<64x1xf32>
    %eq3A_481 = vector.broadcast %broadcast_in_dim3A_480 : vector<64x1xf32> to vector<64x1024xf32>
    %eq3A_482 = arith.cmpf oeq, %select_n3A_477, %eq3A_481 : vector<64x1024xf32>
    %jit3A_483 = arith.constant 1.024000e+03 : f32
    %broadcast_in_dim3A_484 = vector.broadcast %jit3A_483 : f32 to vector<64x1024xf32>
    %select_n3A_485 = arith.select %eq3A_482, %convert_element_type3A, %broadcast_in_dim3A_484 : vector<64x1024xi1>, vector<64x1024xf32>
    %reduce_min3A_486 = arith.constant dense<0x7F800000> : vector<64xf32>
    %reduce_min3A_487 = vector.multi_reduction <minimumf>, %select_n3A_485, %reduce_min3A_486 [1] : vector<64x1024xf32> to vector<64xf32>
    %broadcast_in_dim3A_488 = vector.shape_cast %reduce_min3A_487 : vector<64xf32> to vector<64x1xf32>
    %eq3A_489 = vector.broadcast %broadcast_in_dim3A_488 : vector<64x1xf32> to vector<64x1024xf32>
    %eq3A_490 = arith.cmpf oeq, %convert_element_type3A, %eq3A_489 : vector<64x1024xf32>
    %jit3A_491 = arith.constant -1.000000e+30 : f32
    %broadcast_in_dim3A_492 = vector.broadcast %jit3A_491 : f32 to vector<64x1024xf32>
    %select_n3A_493 = arith.select %eq3A_490, %broadcast_in_dim3A_492, %select_n3A_477 : vector<64x1024xi1>, vector<64x1024xf32>
    %reduce_max3A_494 = arith.constant dense<0xFF800000> : vector<64xf32>
    %reduce_max3A_495 = vector.multi_reduction <maximumf>, %select_n3A_493, %reduce_max3A_494 [1] : vector<64x1024xf32> to vector<64xf32>
    %broadcast_in_dim3A_496 = vector.shape_cast %reduce_max3A_495 : vector<64xf32> to vector<64x1xf32>
    %eq3A_497 = vector.broadcast %broadcast_in_dim3A_496 : vector<64x1xf32> to vector<64x1024xf32>
    %eq3A_498 = arith.cmpf oeq, %select_n3A_493, %eq3A_497 : vector<64x1024xf32>
    %jit3A_499 = arith.constant 1.024000e+03 : f32
    %broadcast_in_dim3A_500 = vector.broadcast %jit3A_499 : f32 to vector<64x1024xf32>
    %select_n3A_501 = arith.select %eq3A_498, %convert_element_type3A, %broadcast_in_dim3A_500 : vector<64x1024xi1>, vector<64x1024xf32>
    %reduce_min3A_502 = arith.constant dense<0x7F800000> : vector<64xf32>
    %reduce_min3A_503 = vector.multi_reduction <minimumf>, %select_n3A_501, %reduce_min3A_502 [1] : vector<64x1024xf32> to vector<64xf32>
    %broadcast_in_dim3A_504 = vector.shape_cast %reduce_min3A_503 : vector<64xf32> to vector<64x1xf32>
    %eq3A_505 = vector.broadcast %broadcast_in_dim3A_504 : vector<64x1xf32> to vector<64x1024xf32>
    %eq3A_506 = arith.cmpf oeq, %convert_element_type3A, %eq3A_505 : vector<64x1024xf32>
    %jit3A_507 = arith.constant -1.000000e+30 : f32
    %broadcast_in_dim3A_508 = vector.broadcast %jit3A_507 : f32 to vector<64x1024xf32>
    %select_n3A_509 = arith.select %eq3A_506, %broadcast_in_dim3A_508, %select_n3A_493 : vector<64x1024xi1>, vector<64x1024xf32>
    %reduce_max3A_510 = arith.constant dense<0xFF800000> : vector<64xf32>
    %reduce_max3A_511 = vector.multi_reduction <maximumf>, %select_n3A_509, %reduce_max3A_510 [1] : vector<64x1024xf32> to vector<64xf32>
    %broadcast_in_dim3A_512 = vector.shape_cast %reduce_max3A_511 : vector<64xf32> to vector<64x1xf32>
    %eq3A_513 = vector.broadcast %broadcast_in_dim3A_512 : vector<64x1xf32> to vector<64x1024xf32>
    %eq3A_514 = arith.cmpf oeq, %select_n3A_509, %eq3A_513 : vector<64x1024xf32>
    %jit3A_515 = arith.constant 1.024000e+03 : f32
    %broadcast_in_dim3A_516 = vector.broadcast %jit3A_515 : f32 to vector<64x1024xf32>
    %select_n3A_517 = arith.select %eq3A_514, %convert_element_type3A, %broadcast_in_dim3A_516 : vector<64x1024xi1>, vector<64x1024xf32>
    %reduce_min3A_518 = arith.constant dense<0x7F800000> : vector<64xf32>
    %reduce_min3A_519 = vector.multi_reduction <minimumf>, %select_n3A_517, %reduce_min3A_518 [1] : vector<64x1024xf32> to vector<64xf32>
    %broadcast_in_dim3A_520 = vector.shape_cast %reduce_min3A_519 : vector<64xf32> to vector<64x1xf32>
    %eq3A_521 = vector.broadcast %broadcast_in_dim3A_520 : vector<64x1xf32> to vector<64x1024xf32>
    %eq3A_522 = arith.cmpf oeq, %convert_element_type3A, %eq3A_521 : vector<64x1024xf32>
    %jit3A_523 = arith.constant -1.000000e+30 : f32
    %broadcast_in_dim3A_524 = vector.broadcast %jit3A_523 : f32 to vector<64x1024xf32>
    %select_n3A_525 = arith.select %eq3A_522, %broadcast_in_dim3A_524, %select_n3A_509 : vector<64x1024xi1>, vector<64x1024xf32>
    %reduce_max3A_526 = arith.constant dense<0xFF800000> : vector<64xf32>
    %reduce_max3A_527 = vector.multi_reduction <maximumf>, %select_n3A_525, %reduce_max3A_526 [1] : vector<64x1024xf32> to vector<64xf32>
    %broadcast_in_dim3A_528 = vector.shape_cast %reduce_max3A_527 : vector<64xf32> to vector<64x1xf32>
    %eq3A_529 = vector.broadcast %broadcast_in_dim3A_528 : vector<64x1xf32> to vector<64x1024xf32>
    %eq3A_530 = arith.cmpf oeq, %select_n3A_525, %eq3A_529 : vector<64x1024xf32>
    %jit3A_531 = arith.constant 1.024000e+03 : f32
    %broadcast_in_dim3A_532 = vector.broadcast %jit3A_531 : f32 to vector<64x1024xf32>
    %select_n3A_533 = arith.select %eq3A_530, %convert_element_type3A, %broadcast_in_dim3A_532 : vector<64x1024xi1>, vector<64x1024xf32>
    %reduce_min3A_534 = arith.constant dense<0x7F800000> : vector<64xf32>
    %reduce_min3A_535 = vector.multi_reduction <minimumf>, %select_n3A_533, %reduce_min3A_534 [1] : vector<64x1024xf32> to vector<64xf32>
    %broadcast_in_dim3A_536 = vector.shape_cast %reduce_min3A_535 : vector<64xf32> to vector<64x1xf32>
    %eq3A_537 = vector.broadcast %broadcast_in_dim3A_536 : vector<64x1xf32> to vector<64x1024xf32>
    %eq3A_538 = arith.cmpf oeq, %convert_element_type3A, %eq3A_537 : vector<64x1024xf32>
    %jit3A_539 = arith.constant -1.000000e+30 : f32
    %broadcast_in_dim3A_540 = vector.broadcast %jit3A_539 : f32 to vector<64x1024xf32>
    %select_n3A_541 = arith.select %eq3A_538, %broadcast_in_dim3A_540, %select_n3A_525 : vector<64x1024xi1>, vector<64x1024xf32>
    %reduce_max3A_542 = arith.constant dense<0xFF800000> : vector<64xf32>
    %reduce_max3A_543 = vector.multi_reduction <maximumf>, %select_n3A_541, %reduce_max3A_542 [1] : vector<64x1024xf32> to vector<64xf32>
    %broadcast_in_dim3A_544 = vector.shape_cast %reduce_max3A_543 : vector<64xf32> to vector<64x1xf32>
    %eq3A_545 = vector.broadcast %broadcast_in_dim3A_544 : vector<64x1xf32> to vector<64x1024xf32>
    %eq3A_546 = arith.cmpf oeq, %select_n3A_541, %eq3A_545 : vector<64x1024xf32>
    %jit3A_547 = arith.constant 1.024000e+03 : f32
    %broadcast_in_dim3A_548 = vector.broadcast %jit3A_547 : f32 to vector<64x1024xf32>
    %select_n3A_549 = arith.select %eq3A_546, %convert_element_type3A, %broadcast_in_dim3A_548 : vector<64x1024xi1>, vector<64x1024xf32>
    %reduce_min3A_550 = arith.constant dense<0x7F800000> : vector<64xf32>
    %reduce_min3A_551 = vector.multi_reduction <minimumf>, %select_n3A_549, %reduce_min3A_550 [1] : vector<64x1024xf32> to vector<64xf32>
    %broadcast_in_dim3A_552 = vector.shape_cast %reduce_min3A_551 : vector<64xf32> to vector<64x1xf32>
    %eq3A_553 = vector.broadcast %broadcast_in_dim3A_552 : vector<64x1xf32> to vector<64x1024xf32>
    %eq3A_554 = arith.cmpf oeq, %convert_element_type3A, %eq3A_553 : vector<64x1024xf32>
    %jit3A_555 = arith.constant -1.000000e+30 : f32
    %broadcast_in_dim3A_556 = vector.broadcast %jit3A_555 : f32 to vector<64x1024xf32>
    %select_n3A_557 = arith.select %eq3A_554, %broadcast_in_dim3A_556, %select_n3A_541 : vector<64x1024xi1>, vector<64x1024xf32>
    %reduce_max3A_558 = arith.constant dense<0xFF800000> : vector<64xf32>
    %reduce_max3A_559 = vector.multi_reduction <maximumf>, %select_n3A_557, %reduce_max3A_558 [1] : vector<64x1024xf32> to vector<64xf32>
    %broadcast_in_dim3A_560 = vector.shape_cast %reduce_max3A_559 : vector<64xf32> to vector<64x1xf32>
    %eq3A_561 = vector.broadcast %broadcast_in_dim3A_560 : vector<64x1xf32> to vector<64x1024xf32>
    %eq3A_562 = arith.cmpf oeq, %select_n3A_557, %eq3A_561 : vector<64x1024xf32>
    %jit3A_563 = arith.constant 1.024000e+03 : f32
    %broadcast_in_dim3A_564 = vector.broadcast %jit3A_563 : f32 to vector<64x1024xf32>
    %select_n3A_565 = arith.select %eq3A_562, %convert_element_type3A, %broadcast_in_dim3A_564 : vector<64x1024xi1>, vector<64x1024xf32>
    %reduce_min3A_566 = arith.constant dense<0x7F800000> : vector<64xf32>
    %reduce_min3A_567 = vector.multi_reduction <minimumf>, %select_n3A_565, %reduce_min3A_566 [1] : vector<64x1024xf32> to vector<64xf32>
    %broadcast_in_dim3A_568 = vector.shape_cast %reduce_min3A_567 : vector<64xf32> to vector<64x1xf32>
    %concatenate3A = tpu.concatenate %broadcast_in_dim3A_8, %broadcast_in_dim3A_24, %broadcast_in_dim3A_40, %broadcast_in_dim3A_56, %broadcast_in_dim3A_72, %broadcast_in_dim3A_88, %broadcast_in_dim3A_104, %broadcast_in_dim3A_120, %broadcast_in_dim3A_136, %broadcast_in_dim3A_152, %broadcast_in_dim3A_168, %broadcast_in_dim3A_184, %broadcast_in_dim3A_200, %broadcast_in_dim3A_216, %broadcast_in_dim3A_232, %broadcast_in_dim3A_248, %broadcast_in_dim3A_264, %broadcast_in_dim3A_280, %broadcast_in_dim3A_296, %broadcast_in_dim3A_312, %broadcast_in_dim3A_328, %broadcast_in_dim3A_344, %broadcast_in_dim3A_360, %broadcast_in_dim3A_376, %broadcast_in_dim3A_392, %broadcast_in_dim3A_408, %broadcast_in_dim3A_424, %broadcast_in_dim3A_440, %broadcast_in_dim3A_456, %broadcast_in_dim3A_472, %broadcast_in_dim3A_488, %broadcast_in_dim3A_504, %broadcast_in_dim3A_520, %broadcast_in_dim3A_536, %broadcast_in_dim3A_552, %broadcast_in_dim3A_568 in 1 : vector<64x1xf32>, vector<64x1xf32>, vector<64x1xf32>, vector<64x1xf32>, vector<64x1xf32>, vector<64x1xf32>, vector<64x1xf32>, vector<64x1xf32>, vector<64x1xf32>, vector<64x1xf32>, vector<64x1xf32>, vector<64x1xf32>, vector<64x1xf32>, vector<64x1xf32>, vector<64x1xf32>, vector<64x1xf32>, vector<64x1xf32>, vector<64x1xf32>, vector<64x1xf32>, vector<64x1xf32>, vector<64x1xf32>, vector<64x1xf32>, vector<64x1xf32>, vector<64x1xf32>, vector<64x1xf32>, vector<64x1xf32>, vector<64x1xf32>, vector<64x1xf32>, vector<64x1xf32>, vector<64x1xf32>, vector<64x1xf32>, vector<64x1xf32>, vector<64x1xf32>, vector<64x1xf32>, vector<64x1xf32>, vector<64x1xf32> -> vector<64x36xf32>
    %iota3A_569 = tpu.iota {dimensions = array<i32: 0>} : vector<1024x36xi32>
    %convert_element_type3A_570 = arith.fptosi %concatenate3A : vector<64x36xf32> to vector<64x36xi32>
    %slice3A = vector.extract_strided_slice %convert_element_type3A_570 {offsets = [0, 0], sizes = [1, 36], strides = [1, 1]} : vector<64x36xi32> to vector<1x36xi32>
    %squeeze3A = vector.shape_cast %slice3A : vector<1x36xi32> to vector<36xi32>
    %broadcast_in_dim3A_571 = vector.shape_cast %squeeze3A : vector<36xi32> to vector<1x36xi32>
    %eq3A_572 = vector.broadcast %broadcast_in_dim3A_571 : vector<1x36xi32> to vector<1024x36xi32>
    %eq3A_573 = arith.cmpi eq, %iota3A_569, %eq3A_572 : vector<1024x36xi32>
    %convert_element_type3A_574 = arith.extui %eq3A_573 : vector<1024x36xi1> to vector<1024x36xi32>
    %convert_element_type3A_575 = arith.sitofp %convert_element_type3A_574 : vector<1024x36xi32> to vector<1024x36xf32>
    %slice3A_576 = vector.extract_strided_slice %reshape3A {offsets = [0, 0, 0], sizes = [1, 32, 1024], strides = [1, 1, 1]} : vector<64x32x1024xf32> to vector<1x32x1024xf32>
    %squeeze3A_577 = vector.shape_cast %slice3A_576 : vector<1x32x1024xf32> to vector<32x1024xf32>
    %dot_general3A = arith.constant dense<0.000000e+00> : vector<32x36xf32>
    %dot_general3A_578 = tpu.matmul %squeeze3A_577, %convert_element_type3A_575, %dot_general3A {dimension_numbers = #tpu.dot_dimension_numbers<[1], [0], [0], [1], [0, 0, 1, 1], [], []>, precision = #tpu.contract_precision<fp32>, transpose_lhs_hint = false} : vector<32x1024xf32>, vector<1024x36xf32>, vector<32x36xf32> -> vector<32x36xf32>
    %slice3A_579 = vector.extract_strided_slice %dot_general3A_578 {offsets = [0, 0], sizes = [8, 36], strides = [1, 1]} : vector<32x36xf32> to vector<8x36xf32>
    %slice3A_580 = vector.extract_strided_slice %dot_general3A_578 {offsets = [8, 0], sizes = [8, 36], strides = [1, 1]} : vector<32x36xf32> to vector<8x36xf32>
    %slice3A_581 = vector.extract_strided_slice %dot_general3A_578 {offsets = [16, 0], sizes = [8, 36], strides = [1, 1]} : vector<32x36xf32> to vector<8x36xf32>
    %slice3A_582 = vector.extract_strided_slice %dot_general3A_578 {offsets = [24, 0], sizes = [8, 36], strides = [1, 1]} : vector<32x36xf32> to vector<8x36xf32>
    %concatenate3A_583 = tpu.concatenate %slice3A_579, %slice3A_580, %slice3A_581, %slice3A_582 in 1 : vector<8x36xf32>, vector<8x36xf32>, vector<8x36xf32>, vector<8x36xf32> -> vector<8x144xf32>
    %broadcast_in_dim3A_584 = vector.shape_cast %concatenate3A_583 : vector<8x144xf32> to vector<1x8x144xf32>
    %slice3A_585 = vector.extract_strided_slice %convert_element_type3A_570 {offsets = [1, 0], sizes = [1, 36], strides = [1, 1]} : vector<64x36xi32> to vector<1x36xi32>
    %squeeze3A_586 = vector.shape_cast %slice3A_585 : vector<1x36xi32> to vector<36xi32>
    %broadcast_in_dim3A_587 = vector.shape_cast %squeeze3A_586 : vector<36xi32> to vector<1x36xi32>
    %eq3A_588 = vector.broadcast %broadcast_in_dim3A_587 : vector<1x36xi32> to vector<1024x36xi32>
    %eq3A_589 = arith.cmpi eq, %iota3A_569, %eq3A_588 : vector<1024x36xi32>
    %convert_element_type3A_590 = arith.extui %eq3A_589 : vector<1024x36xi1> to vector<1024x36xi32>
    %convert_element_type3A_591 = arith.sitofp %convert_element_type3A_590 : vector<1024x36xi32> to vector<1024x36xf32>
    %slice3A_592 = vector.extract_strided_slice %reshape3A {offsets = [1, 0, 0], sizes = [1, 32, 1024], strides = [1, 1, 1]} : vector<64x32x1024xf32> to vector<1x32x1024xf32>
    %squeeze3A_593 = vector.shape_cast %slice3A_592 : vector<1x32x1024xf32> to vector<32x1024xf32>
    %dot_general3A_594 = arith.constant dense<0.000000e+00> : vector<32x36xf32>
    %dot_general3A_595 = tpu.matmul %squeeze3A_593, %convert_element_type3A_591, %dot_general3A_594 {dimension_numbers = #tpu.dot_dimension_numbers<[1], [0], [0], [1], [0, 0, 1, 1], [], []>, precision = #tpu.contract_precision<fp32>, transpose_lhs_hint = false} : vector<32x1024xf32>, vector<1024x36xf32>, vector<32x36xf32> -> vector<32x36xf32>
    %slice3A_596 = vector.extract_strided_slice %dot_general3A_595 {offsets = [0, 0], sizes = [8, 36], strides = [1, 1]} : vector<32x36xf32> to vector<8x36xf32>
    %slice3A_597 = vector.extract_strided_slice %dot_general3A_595 {offsets = [8, 0], sizes = [8, 36], strides = [1, 1]} : vector<32x36xf32> to vector<8x36xf32>
    %slice3A_598 = vector.extract_strided_slice %dot_general3A_595 {offsets = [16, 0], sizes = [8, 36], strides = [1, 1]} : vector<32x36xf32> to vector<8x36xf32>
    %slice3A_599 = vector.extract_strided_slice %dot_general3A_595 {offsets = [24, 0], sizes = [8, 36], strides = [1, 1]} : vector<32x36xf32> to vector<8x36xf32>
    %concatenate3A_600 = tpu.concatenate %slice3A_596, %slice3A_597, %slice3A_598, %slice3A_599 in 1 : vector<8x36xf32>, vector<8x36xf32>, vector<8x36xf32>, vector<8x36xf32> -> vector<8x144xf32>
    %broadcast_in_dim3A_601 = vector.shape_cast %concatenate3A_600 : vector<8x144xf32> to vector<1x8x144xf32>
    %slice3A_602 = vector.extract_strided_slice %convert_element_type3A_570 {offsets = [2, 0], sizes = [1, 36], strides = [1, 1]} : vector<64x36xi32> to vector<1x36xi32>
    %squeeze3A_603 = vector.shape_cast %slice3A_602 : vector<1x36xi32> to vector<36xi32>
    %broadcast_in_dim3A_604 = vector.shape_cast %squeeze3A_603 : vector<36xi32> to vector<1x36xi32>
    %eq3A_605 = vector.broadcast %broadcast_in_dim3A_604 : vector<1x36xi32> to vector<1024x36xi32>
    %eq3A_606 = arith.cmpi eq, %iota3A_569, %eq3A_605 : vector<1024x36xi32>
    %convert_element_type3A_607 = arith.extui %eq3A_606 : vector<1024x36xi1> to vector<1024x36xi32>
    %convert_element_type3A_608 = arith.sitofp %convert_element_type3A_607 : vector<1024x36xi32> to vector<1024x36xf32>
    %slice3A_609 = vector.extract_strided_slice %reshape3A {offsets = [2, 0, 0], sizes = [1, 32, 1024], strides = [1, 1, 1]} : vector<64x32x1024xf32> to vector<1x32x1024xf32>
    %squeeze3A_610 = vector.shape_cast %slice3A_609 : vector<1x32x1024xf32> to vector<32x1024xf32>
    %dot_general3A_611 = arith.constant dense<0.000000e+00> : vector<32x36xf32>
    %dot_general3A_612 = tpu.matmul %squeeze3A_610, %convert_element_type3A_608, %dot_general3A_611 {dimension_numbers = #tpu.dot_dimension_numbers<[1], [0], [0], [1], [0, 0, 1, 1], [], []>, precision = #tpu.contract_precision<fp32>, transpose_lhs_hint = false} : vector<32x1024xf32>, vector<1024x36xf32>, vector<32x36xf32> -> vector<32x36xf32>
    %slice3A_613 = vector.extract_strided_slice %dot_general3A_612 {offsets = [0, 0], sizes = [8, 36], strides = [1, 1]} : vector<32x36xf32> to vector<8x36xf32>
    %slice3A_614 = vector.extract_strided_slice %dot_general3A_612 {offsets = [8, 0], sizes = [8, 36], strides = [1, 1]} : vector<32x36xf32> to vector<8x36xf32>
    %slice3A_615 = vector.extract_strided_slice %dot_general3A_612 {offsets = [16, 0], sizes = [8, 36], strides = [1, 1]} : vector<32x36xf32> to vector<8x36xf32>
    %slice3A_616 = vector.extract_strided_slice %dot_general3A_612 {offsets = [24, 0], sizes = [8, 36], strides = [1, 1]} : vector<32x36xf32> to vector<8x36xf32>
    %concatenate3A_617 = tpu.concatenate %slice3A_613, %slice3A_614, %slice3A_615, %slice3A_616 in 1 : vector<8x36xf32>, vector<8x36xf32>, vector<8x36xf32>, vector<8x36xf32> -> vector<8x144xf32>
    %broadcast_in_dim3A_618 = vector.shape_cast %concatenate3A_617 : vector<8x144xf32> to vector<1x8x144xf32>
    %slice3A_619 = vector.extract_strided_slice %convert_element_type3A_570 {offsets = [3, 0], sizes = [1, 36], strides = [1, 1]} : vector<64x36xi32> to vector<1x36xi32>
    %squeeze3A_620 = vector.shape_cast %slice3A_619 : vector<1x36xi32> to vector<36xi32>
    %broadcast_in_dim3A_621 = vector.shape_cast %squeeze3A_620 : vector<36xi32> to vector<1x36xi32>
    %eq3A_622 = vector.broadcast %broadcast_in_dim3A_621 : vector<1x36xi32> to vector<1024x36xi32>
    %eq3A_623 = arith.cmpi eq, %iota3A_569, %eq3A_622 : vector<1024x36xi32>
    %convert_element_type3A_624 = arith.extui %eq3A_623 : vector<1024x36xi1> to vector<1024x36xi32>
    %convert_element_type3A_625 = arith.sitofp %convert_element_type3A_624 : vector<1024x36xi32> to vector<1024x36xf32>
    %slice3A_626 = vector.extract_strided_slice %reshape3A {offsets = [3, 0, 0], sizes = [1, 32, 1024], strides = [1, 1, 1]} : vector<64x32x1024xf32> to vector<1x32x1024xf32>
    %squeeze3A_627 = vector.shape_cast %slice3A_626 : vector<1x32x1024xf32> to vector<32x1024xf32>
    %dot_general3A_628 = arith.constant dense<0.000000e+00> : vector<32x36xf32>
    %dot_general3A_629 = tpu.matmul %squeeze3A_627, %convert_element_type3A_625, %dot_general3A_628 {dimension_numbers = #tpu.dot_dimension_numbers<[1], [0], [0], [1], [0, 0, 1, 1], [], []>, precision = #tpu.contract_precision<fp32>, transpose_lhs_hint = false} : vector<32x1024xf32>, vector<1024x36xf32>, vector<32x36xf32> -> vector<32x36xf32>
    %slice3A_630 = vector.extract_strided_slice %dot_general3A_629 {offsets = [0, 0], sizes = [8, 36], strides = [1, 1]} : vector<32x36xf32> to vector<8x36xf32>
    %slice3A_631 = vector.extract_strided_slice %dot_general3A_629 {offsets = [8, 0], sizes = [8, 36], strides = [1, 1]} : vector<32x36xf32> to vector<8x36xf32>
    %slice3A_632 = vector.extract_strided_slice %dot_general3A_629 {offsets = [16, 0], sizes = [8, 36], strides = [1, 1]} : vector<32x36xf32> to vector<8x36xf32>
    %slice3A_633 = vector.extract_strided_slice %dot_general3A_629 {offsets = [24, 0], sizes = [8, 36], strides = [1, 1]} : vector<32x36xf32> to vector<8x36xf32>
    %concatenate3A_634 = tpu.concatenate %slice3A_630, %slice3A_631, %slice3A_632, %slice3A_633 in 1 : vector<8x36xf32>, vector<8x36xf32>, vector<8x36xf32>, vector<8x36xf32> -> vector<8x144xf32>
    %broadcast_in_dim3A_635 = vector.shape_cast %concatenate3A_634 : vector<8x144xf32> to vector<1x8x144xf32>
    %slice3A_636 = vector.extract_strided_slice %convert_element_type3A_570 {offsets = [4, 0], sizes = [1, 36], strides = [1, 1]} : vector<64x36xi32> to vector<1x36xi32>
    %squeeze3A_637 = vector.shape_cast %slice3A_636 : vector<1x36xi32> to vector<36xi32>
    %broadcast_in_dim3A_638 = vector.shape_cast %squeeze3A_637 : vector<36xi32> to vector<1x36xi32>
    %eq3A_639 = vector.broadcast %broadcast_in_dim3A_638 : vector<1x36xi32> to vector<1024x36xi32>
    %eq3A_640 = arith.cmpi eq, %iota3A_569, %eq3A_639 : vector<1024x36xi32>
    %convert_element_type3A_641 = arith.extui %eq3A_640 : vector<1024x36xi1> to vector<1024x36xi32>
    %convert_element_type3A_642 = arith.sitofp %convert_element_type3A_641 : vector<1024x36xi32> to vector<1024x36xf32>
    %slice3A_643 = vector.extract_strided_slice %reshape3A {offsets = [4, 0, 0], sizes = [1, 32, 1024], strides = [1, 1, 1]} : vector<64x32x1024xf32> to vector<1x32x1024xf32>
    %squeeze3A_644 = vector.shape_cast %slice3A_643 : vector<1x32x1024xf32> to vector<32x1024xf32>
    %dot_general3A_645 = arith.constant dense<0.000000e+00> : vector<32x36xf32>
    %dot_general3A_646 = tpu.matmul %squeeze3A_644, %convert_element_type3A_642, %dot_general3A_645 {dimension_numbers = #tpu.dot_dimension_numbers<[1], [0], [0], [1], [0, 0, 1, 1], [], []>, precision = #tpu.contract_precision<fp32>, transpose_lhs_hint = false} : vector<32x1024xf32>, vector<1024x36xf32>, vector<32x36xf32> -> vector<32x36xf32>
    %slice3A_647 = vector.extract_strided_slice %dot_general3A_646 {offsets = [0, 0], sizes = [8, 36], strides = [1, 1]} : vector<32x36xf32> to vector<8x36xf32>
    %slice3A_648 = vector.extract_strided_slice %dot_general3A_646 {offsets = [8, 0], sizes = [8, 36], strides = [1, 1]} : vector<32x36xf32> to vector<8x36xf32>
    %slice3A_649 = vector.extract_strided_slice %dot_general3A_646 {offsets = [16, 0], sizes = [8, 36], strides = [1, 1]} : vector<32x36xf32> to vector<8x36xf32>
    %slice3A_650 = vector.extract_strided_slice %dot_general3A_646 {offsets = [24, 0], sizes = [8, 36], strides = [1, 1]} : vector<32x36xf32> to vector<8x36xf32>
    %concatenate3A_651 = tpu.concatenate %slice3A_647, %slice3A_648, %slice3A_649, %slice3A_650 in 1 : vector<8x36xf32>, vector<8x36xf32>, vector<8x36xf32>, vector<8x36xf32> -> vector<8x144xf32>
    %broadcast_in_dim3A_652 = vector.shape_cast %concatenate3A_651 : vector<8x144xf32> to vector<1x8x144xf32>
    %slice3A_653 = vector.extract_strided_slice %convert_element_type3A_570 {offsets = [5, 0], sizes = [1, 36], strides = [1, 1]} : vector<64x36xi32> to vector<1x36xi32>
    %squeeze3A_654 = vector.shape_cast %slice3A_653 : vector<1x36xi32> to vector<36xi32>
    %broadcast_in_dim3A_655 = vector.shape_cast %squeeze3A_654 : vector<36xi32> to vector<1x36xi32>
    %eq3A_656 = vector.broadcast %broadcast_in_dim3A_655 : vector<1x36xi32> to vector<1024x36xi32>
    %eq3A_657 = arith.cmpi eq, %iota3A_569, %eq3A_656 : vector<1024x36xi32>
    %convert_element_type3A_658 = arith.extui %eq3A_657 : vector<1024x36xi1> to vector<1024x36xi32>
    %convert_element_type3A_659 = arith.sitofp %convert_element_type3A_658 : vector<1024x36xi32> to vector<1024x36xf32>
    %slice3A_660 = vector.extract_strided_slice %reshape3A {offsets = [5, 0, 0], sizes = [1, 32, 1024], strides = [1, 1, 1]} : vector<64x32x1024xf32> to vector<1x32x1024xf32>
    %squeeze3A_661 = vector.shape_cast %slice3A_660 : vector<1x32x1024xf32> to vector<32x1024xf32>
    %dot_general3A_662 = arith.constant dense<0.000000e+00> : vector<32x36xf32>
    %dot_general3A_663 = tpu.matmul %squeeze3A_661, %convert_element_type3A_659, %dot_general3A_662 {dimension_numbers = #tpu.dot_dimension_numbers<[1], [0], [0], [1], [0, 0, 1, 1], [], []>, precision = #tpu.contract_precision<fp32>, transpose_lhs_hint = false} : vector<32x1024xf32>, vector<1024x36xf32>, vector<32x36xf32> -> vector<32x36xf32>
    %slice3A_664 = vector.extract_strided_slice %dot_general3A_663 {offsets = [0, 0], sizes = [8, 36], strides = [1, 1]} : vector<32x36xf32> to vector<8x36xf32>
    %slice3A_665 = vector.extract_strided_slice %dot_general3A_663 {offsets = [8, 0], sizes = [8, 36], strides = [1, 1]} : vector<32x36xf32> to vector<8x36xf32>
    %slice3A_666 = vector.extract_strided_slice %dot_general3A_663 {offsets = [16, 0], sizes = [8, 36], strides = [1, 1]} : vector<32x36xf32> to vector<8x36xf32>
    %slice3A_667 = vector.extract_strided_slice %dot_general3A_663 {offsets = [24, 0], sizes = [8, 36], strides = [1, 1]} : vector<32x36xf32> to vector<8x36xf32>
    %concatenate3A_668 = tpu.concatenate %slice3A_664, %slice3A_665, %slice3A_666, %slice3A_667 in 1 : vector<8x36xf32>, vector<8x36xf32>, vector<8x36xf32>, vector<8x36xf32> -> vector<8x144xf32>
    %broadcast_in_dim3A_669 = vector.shape_cast %concatenate3A_668 : vector<8x144xf32> to vector<1x8x144xf32>
    %slice3A_670 = vector.extract_strided_slice %convert_element_type3A_570 {offsets = [6, 0], sizes = [1, 36], strides = [1, 1]} : vector<64x36xi32> to vector<1x36xi32>
    %squeeze3A_671 = vector.shape_cast %slice3A_670 : vector<1x36xi32> to vector<36xi32>
    %broadcast_in_dim3A_672 = vector.shape_cast %squeeze3A_671 : vector<36xi32> to vector<1x36xi32>
    %eq3A_673 = vector.broadcast %broadcast_in_dim3A_672 : vector<1x36xi32> to vector<1024x36xi32>
    %eq3A_674 = arith.cmpi eq, %iota3A_569, %eq3A_673 : vector<1024x36xi32>
    %convert_element_type3A_675 = arith.extui %eq3A_674 : vector<1024x36xi1> to vector<1024x36xi32>
    %convert_element_type3A_676 = arith.sitofp %convert_element_type3A_675 : vector<1024x36xi32> to vector<1024x36xf32>
    %slice3A_677 = vector.extract_strided_slice %reshape3A {offsets = [6, 0, 0], sizes = [1, 32, 1024], strides = [1, 1, 1]} : vector<64x32x1024xf32> to vector<1x32x1024xf32>
    %squeeze3A_678 = vector.shape_cast %slice3A_677 : vector<1x32x1024xf32> to vector<32x1024xf32>
    %dot_general3A_679 = arith.constant dense<0.000000e+00> : vector<32x36xf32>
    %dot_general3A_680 = tpu.matmul %squeeze3A_678, %convert_element_type3A_676, %dot_general3A_679 {dimension_numbers = #tpu.dot_dimension_numbers<[1], [0], [0], [1], [0, 0, 1, 1], [], []>, precision = #tpu.contract_precision<fp32>, transpose_lhs_hint = false} : vector<32x1024xf32>, vector<1024x36xf32>, vector<32x36xf32> -> vector<32x36xf32>
    %slice3A_681 = vector.extract_strided_slice %dot_general3A_680 {offsets = [0, 0], sizes = [8, 36], strides = [1, 1]} : vector<32x36xf32> to vector<8x36xf32>
    %slice3A_682 = vector.extract_strided_slice %dot_general3A_680 {offsets = [8, 0], sizes = [8, 36], strides = [1, 1]} : vector<32x36xf32> to vector<8x36xf32>
    %slice3A_683 = vector.extract_strided_slice %dot_general3A_680 {offsets = [16, 0], sizes = [8, 36], strides = [1, 1]} : vector<32x36xf32> to vector<8x36xf32>
    %slice3A_684 = vector.extract_strided_slice %dot_general3A_680 {offsets = [24, 0], sizes = [8, 36], strides = [1, 1]} : vector<32x36xf32> to vector<8x36xf32>
    %concatenate3A_685 = tpu.concatenate %slice3A_681, %slice3A_682, %slice3A_683, %slice3A_684 in 1 : vector<8x36xf32>, vector<8x36xf32>, vector<8x36xf32>, vector<8x36xf32> -> vector<8x144xf32>
    %broadcast_in_dim3A_686 = vector.shape_cast %concatenate3A_685 : vector<8x144xf32> to vector<1x8x144xf32>
    %slice3A_687 = vector.extract_strided_slice %convert_element_type3A_570 {offsets = [7, 0], sizes = [1, 36], strides = [1, 1]} : vector<64x36xi32> to vector<1x36xi32>
    %squeeze3A_688 = vector.shape_cast %slice3A_687 : vector<1x36xi32> to vector<36xi32>
    %broadcast_in_dim3A_689 = vector.shape_cast %squeeze3A_688 : vector<36xi32> to vector<1x36xi32>
    %eq3A_690 = vector.broadcast %broadcast_in_dim3A_689 : vector<1x36xi32> to vector<1024x36xi32>
    %eq3A_691 = arith.cmpi eq, %iota3A_569, %eq3A_690 : vector<1024x36xi32>
    %convert_element_type3A_692 = arith.extui %eq3A_691 : vector<1024x36xi1> to vector<1024x36xi32>
    %convert_element_type3A_693 = arith.sitofp %convert_element_type3A_692 : vector<1024x36xi32> to vector<1024x36xf32>
    %slice3A_694 = vector.extract_strided_slice %reshape3A {offsets = [7, 0, 0], sizes = [1, 32, 1024], strides = [1, 1, 1]} : vector<64x32x1024xf32> to vector<1x32x1024xf32>
    %squeeze3A_695 = vector.shape_cast %slice3A_694 : vector<1x32x1024xf32> to vector<32x1024xf32>
    %dot_general3A_696 = arith.constant dense<0.000000e+00> : vector<32x36xf32>
    %dot_general3A_697 = tpu.matmul %squeeze3A_695, %convert_element_type3A_693, %dot_general3A_696 {dimension_numbers = #tpu.dot_dimension_numbers<[1], [0], [0], [1], [0, 0, 1, 1], [], []>, precision = #tpu.contract_precision<fp32>, transpose_lhs_hint = false} : vector<32x1024xf32>, vector<1024x36xf32>, vector<32x36xf32> -> vector<32x36xf32>
    %slice3A_698 = vector.extract_strided_slice %dot_general3A_697 {offsets = [0, 0], sizes = [8, 36], strides = [1, 1]} : vector<32x36xf32> to vector<8x36xf32>
    %slice3A_699 = vector.extract_strided_slice %dot_general3A_697 {offsets = [8, 0], sizes = [8, 36], strides = [1, 1]} : vector<32x36xf32> to vector<8x36xf32>
    %slice3A_700 = vector.extract_strided_slice %dot_general3A_697 {offsets = [16, 0], sizes = [8, 36], strides = [1, 1]} : vector<32x36xf32> to vector<8x36xf32>
    %slice3A_701 = vector.extract_strided_slice %dot_general3A_697 {offsets = [24, 0], sizes = [8, 36], strides = [1, 1]} : vector<32x36xf32> to vector<8x36xf32>
    %concatenate3A_702 = tpu.concatenate %slice3A_698, %slice3A_699, %slice3A_700, %slice3A_701 in 1 : vector<8x36xf32>, vector<8x36xf32>, vector<8x36xf32>, vector<8x36xf32> -> vector<8x144xf32>
    %broadcast_in_dim3A_703 = vector.shape_cast %concatenate3A_702 : vector<8x144xf32> to vector<1x8x144xf32>
    %slice3A_704 = vector.extract_strided_slice %convert_element_type3A_570 {offsets = [8, 0], sizes = [1, 36], strides = [1, 1]} : vector<64x36xi32> to vector<1x36xi32>
    %squeeze3A_705 = vector.shape_cast %slice3A_704 : vector<1x36xi32> to vector<36xi32>
    %broadcast_in_dim3A_706 = vector.shape_cast %squeeze3A_705 : vector<36xi32> to vector<1x36xi32>
    %eq3A_707 = vector.broadcast %broadcast_in_dim3A_706 : vector<1x36xi32> to vector<1024x36xi32>
    %eq3A_708 = arith.cmpi eq, %iota3A_569, %eq3A_707 : vector<1024x36xi32>
    %convert_element_type3A_709 = arith.extui %eq3A_708 : vector<1024x36xi1> to vector<1024x36xi32>
    %convert_element_type3A_710 = arith.sitofp %convert_element_type3A_709 : vector<1024x36xi32> to vector<1024x36xf32>
    %slice3A_711 = vector.extract_strided_slice %reshape3A {offsets = [8, 0, 0], sizes = [1, 32, 1024], strides = [1, 1, 1]} : vector<64x32x1024xf32> to vector<1x32x1024xf32>
    %squeeze3A_712 = vector.shape_cast %slice3A_711 : vector<1x32x1024xf32> to vector<32x1024xf32>
    %dot_general3A_713 = arith.constant dense<0.000000e+00> : vector<32x36xf32>
    %dot_general3A_714 = tpu.matmul %squeeze3A_712, %convert_element_type3A_710, %dot_general3A_713 {dimension_numbers = #tpu.dot_dimension_numbers<[1], [0], [0], [1], [0, 0, 1, 1], [], []>, precision = #tpu.contract_precision<fp32>, transpose_lhs_hint = false} : vector<32x1024xf32>, vector<1024x36xf32>, vector<32x36xf32> -> vector<32x36xf32>
    %slice3A_715 = vector.extract_strided_slice %dot_general3A_714 {offsets = [0, 0], sizes = [8, 36], strides = [1, 1]} : vector<32x36xf32> to vector<8x36xf32>
    %slice3A_716 = vector.extract_strided_slice %dot_general3A_714 {offsets = [8, 0], sizes = [8, 36], strides = [1, 1]} : vector<32x36xf32> to vector<8x36xf32>
    %slice3A_717 = vector.extract_strided_slice %dot_general3A_714 {offsets = [16, 0], sizes = [8, 36], strides = [1, 1]} : vector<32x36xf32> to vector<8x36xf32>
    %slice3A_718 = vector.extract_strided_slice %dot_general3A_714 {offsets = [24, 0], sizes = [8, 36], strides = [1, 1]} : vector<32x36xf32> to vector<8x36xf32>
    %concatenate3A_719 = tpu.concatenate %slice3A_715, %slice3A_716, %slice3A_717, %slice3A_718 in 1 : vector<8x36xf32>, vector<8x36xf32>, vector<8x36xf32>, vector<8x36xf32> -> vector<8x144xf32>
    %broadcast_in_dim3A_720 = vector.shape_cast %concatenate3A_719 : vector<8x144xf32> to vector<1x8x144xf32>
    %slice3A_721 = vector.extract_strided_slice %convert_element_type3A_570 {offsets = [9, 0], sizes = [1, 36], strides = [1, 1]} : vector<64x36xi32> to vector<1x36xi32>
    %squeeze3A_722 = vector.shape_cast %slice3A_721 : vector<1x36xi32> to vector<36xi32>
    %broadcast_in_dim3A_723 = vector.shape_cast %squeeze3A_722 : vector<36xi32> to vector<1x36xi32>
    %eq3A_724 = vector.broadcast %broadcast_in_dim3A_723 : vector<1x36xi32> to vector<1024x36xi32>
    %eq3A_725 = arith.cmpi eq, %iota3A_569, %eq3A_724 : vector<1024x36xi32>
    %convert_element_type3A_726 = arith.extui %eq3A_725 : vector<1024x36xi1> to vector<1024x36xi32>
    %convert_element_type3A_727 = arith.sitofp %convert_element_type3A_726 : vector<1024x36xi32> to vector<1024x36xf32>
    %slice3A_728 = vector.extract_strided_slice %reshape3A {offsets = [9, 0, 0], sizes = [1, 32, 1024], strides = [1, 1, 1]} : vector<64x32x1024xf32> to vector<1x32x1024xf32>
    %squeeze3A_729 = vector.shape_cast %slice3A_728 : vector<1x32x1024xf32> to vector<32x1024xf32>
    %dot_general3A_730 = arith.constant dense<0.000000e+00> : vector<32x36xf32>
    %dot_general3A_731 = tpu.matmul %squeeze3A_729, %convert_element_type3A_727, %dot_general3A_730 {dimension_numbers = #tpu.dot_dimension_numbers<[1], [0], [0], [1], [0, 0, 1, 1], [], []>, precision = #tpu.contract_precision<fp32>, transpose_lhs_hint = false} : vector<32x1024xf32>, vector<1024x36xf32>, vector<32x36xf32> -> vector<32x36xf32>
    %slice3A_732 = vector.extract_strided_slice %dot_general3A_731 {offsets = [0, 0], sizes = [8, 36], strides = [1, 1]} : vector<32x36xf32> to vector<8x36xf32>
    %slice3A_733 = vector.extract_strided_slice %dot_general3A_731 {offsets = [8, 0], sizes = [8, 36], strides = [1, 1]} : vector<32x36xf32> to vector<8x36xf32>
    %slice3A_734 = vector.extract_strided_slice %dot_general3A_731 {offsets = [16, 0], sizes = [8, 36], strides = [1, 1]} : vector<32x36xf32> to vector<8x36xf32>
    %slice3A_735 = vector.extract_strided_slice %dot_general3A_731 {offsets = [24, 0], sizes = [8, 36], strides = [1, 1]} : vector<32x36xf32> to vector<8x36xf32>
    %concatenate3A_736 = tpu.concatenate %slice3A_732, %slice3A_733, %slice3A_734, %slice3A_735 in 1 : vector<8x36xf32>, vector<8x36xf32>, vector<8x36xf32>, vector<8x36xf32> -> vector<8x144xf32>
    %broadcast_in_dim3A_737 = vector.shape_cast %concatenate3A_736 : vector<8x144xf32> to vector<1x8x144xf32>
    %slice3A_738 = vector.extract_strided_slice %convert_element_type3A_570 {offsets = [10, 0], sizes = [1, 36], strides = [1, 1]} : vector<64x36xi32> to vector<1x36xi32>
    %squeeze3A_739 = vector.shape_cast %slice3A_738 : vector<1x36xi32> to vector<36xi32>
    %broadcast_in_dim3A_740 = vector.shape_cast %squeeze3A_739 : vector<36xi32> to vector<1x36xi32>
    %eq3A_741 = vector.broadcast %broadcast_in_dim3A_740 : vector<1x36xi32> to vector<1024x36xi32>
    %eq3A_742 = arith.cmpi eq, %iota3A_569, %eq3A_741 : vector<1024x36xi32>
    %convert_element_type3A_743 = arith.extui %eq3A_742 : vector<1024x36xi1> to vector<1024x36xi32>
    %convert_element_type3A_744 = arith.sitofp %convert_element_type3A_743 : vector<1024x36xi32> to vector<1024x36xf32>
    %slice3A_745 = vector.extract_strided_slice %reshape3A {offsets = [10, 0, 0], sizes = [1, 32, 1024], strides = [1, 1, 1]} : vector<64x32x1024xf32> to vector<1x32x1024xf32>
    %squeeze3A_746 = vector.shape_cast %slice3A_745 : vector<1x32x1024xf32> to vector<32x1024xf32>
    %dot_general3A_747 = arith.constant dense<0.000000e+00> : vector<32x36xf32>
    %dot_general3A_748 = tpu.matmul %squeeze3A_746, %convert_element_type3A_744, %dot_general3A_747 {dimension_numbers = #tpu.dot_dimension_numbers<[1], [0], [0], [1], [0, 0, 1, 1], [], []>, precision = #tpu.contract_precision<fp32>, transpose_lhs_hint = false} : vector<32x1024xf32>, vector<1024x36xf32>, vector<32x36xf32> -> vector<32x36xf32>
    %slice3A_749 = vector.extract_strided_slice %dot_general3A_748 {offsets = [0, 0], sizes = [8, 36], strides = [1, 1]} : vector<32x36xf32> to vector<8x36xf32>
    %slice3A_750 = vector.extract_strided_slice %dot_general3A_748 {offsets = [8, 0], sizes = [8, 36], strides = [1, 1]} : vector<32x36xf32> to vector<8x36xf32>
    %slice3A_751 = vector.extract_strided_slice %dot_general3A_748 {offsets = [16, 0], sizes = [8, 36], strides = [1, 1]} : vector<32x36xf32> to vector<8x36xf32>
    %slice3A_752 = vector.extract_strided_slice %dot_general3A_748 {offsets = [24, 0], sizes = [8, 36], strides = [1, 1]} : vector<32x36xf32> to vector<8x36xf32>
    %concatenate3A_753 = tpu.concatenate %slice3A_749, %slice3A_750, %slice3A_751, %slice3A_752 in 1 : vector<8x36xf32>, vector<8x36xf32>, vector<8x36xf32>, vector<8x36xf32> -> vector<8x144xf32>
    %broadcast_in_dim3A_754 = vector.shape_cast %concatenate3A_753 : vector<8x144xf32> to vector<1x8x144xf32>
    %slice3A_755 = vector.extract_strided_slice %convert_element_type3A_570 {offsets = [11, 0], sizes = [1, 36], strides = [1, 1]} : vector<64x36xi32> to vector<1x36xi32>
    %squeeze3A_756 = vector.shape_cast %slice3A_755 : vector<1x36xi32> to vector<36xi32>
    %broadcast_in_dim3A_757 = vector.shape_cast %squeeze3A_756 : vector<36xi32> to vector<1x36xi32>
    %eq3A_758 = vector.broadcast %broadcast_in_dim3A_757 : vector<1x36xi32> to vector<1024x36xi32>
    %eq3A_759 = arith.cmpi eq, %iota3A_569, %eq3A_758 : vector<1024x36xi32>
    %convert_element_type3A_760 = arith.extui %eq3A_759 : vector<1024x36xi1> to vector<1024x36xi32>
    %convert_element_type3A_761 = arith.sitofp %convert_element_type3A_760 : vector<1024x36xi32> to vector<1024x36xf32>
    %slice3A_762 = vector.extract_strided_slice %reshape3A {offsets = [11, 0, 0], sizes = [1, 32, 1024], strides = [1, 1, 1]} : vector<64x32x1024xf32> to vector<1x32x1024xf32>
    %squeeze3A_763 = vector.shape_cast %slice3A_762 : vector<1x32x1024xf32> to vector<32x1024xf32>
    %dot_general3A_764 = arith.constant dense<0.000000e+00> : vector<32x36xf32>
    %dot_general3A_765 = tpu.matmul %squeeze3A_763, %convert_element_type3A_761, %dot_general3A_764 {dimension_numbers = #tpu.dot_dimension_numbers<[1], [0], [0], [1], [0, 0, 1, 1], [], []>, precision = #tpu.contract_precision<fp32>, transpose_lhs_hint = false} : vector<32x1024xf32>, vector<1024x36xf32>, vector<32x36xf32> -> vector<32x36xf32>
    %slice3A_766 = vector.extract_strided_slice %dot_general3A_765 {offsets = [0, 0], sizes = [8, 36], strides = [1, 1]} : vector<32x36xf32> to vector<8x36xf32>
    %slice3A_767 = vector.extract_strided_slice %dot_general3A_765 {offsets = [8, 0], sizes = [8, 36], strides = [1, 1]} : vector<32x36xf32> to vector<8x36xf32>
    %slice3A_768 = vector.extract_strided_slice %dot_general3A_765 {offsets = [16, 0], sizes = [8, 36], strides = [1, 1]} : vector<32x36xf32> to vector<8x36xf32>
    %slice3A_769 = vector.extract_strided_slice %dot_general3A_765 {offsets = [24, 0], sizes = [8, 36], strides = [1, 1]} : vector<32x36xf32> to vector<8x36xf32>
    %concatenate3A_770 = tpu.concatenate %slice3A_766, %slice3A_767, %slice3A_768, %slice3A_769 in 1 : vector<8x36xf32>, vector<8x36xf32>, vector<8x36xf32>, vector<8x36xf32> -> vector<8x144xf32>
    %broadcast_in_dim3A_771 = vector.shape_cast %concatenate3A_770 : vector<8x144xf32> to vector<1x8x144xf32>
    %slice3A_772 = vector.extract_strided_slice %convert_element_type3A_570 {offsets = [12, 0], sizes = [1, 36], strides = [1, 1]} : vector<64x36xi32> to vector<1x36xi32>
    %squeeze3A_773 = vector.shape_cast %slice3A_772 : vector<1x36xi32> to vector<36xi32>
    %broadcast_in_dim3A_774 = vector.shape_cast %squeeze3A_773 : vector<36xi32> to vector<1x36xi32>
    %eq3A_775 = vector.broadcast %broadcast_in_dim3A_774 : vector<1x36xi32> to vector<1024x36xi32>
    %eq3A_776 = arith.cmpi eq, %iota3A_569, %eq3A_775 : vector<1024x36xi32>
    %convert_element_type3A_777 = arith.extui %eq3A_776 : vector<1024x36xi1> to vector<1024x36xi32>
    %convert_element_type3A_778 = arith.sitofp %convert_element_type3A_777 : vector<1024x36xi32> to vector<1024x36xf32>
    %slice3A_779 = vector.extract_strided_slice %reshape3A {offsets = [12, 0, 0], sizes = [1, 32, 1024], strides = [1, 1, 1]} : vector<64x32x1024xf32> to vector<1x32x1024xf32>
    %squeeze3A_780 = vector.shape_cast %slice3A_779 : vector<1x32x1024xf32> to vector<32x1024xf32>
    %dot_general3A_781 = arith.constant dense<0.000000e+00> : vector<32x36xf32>
    %dot_general3A_782 = tpu.matmul %squeeze3A_780, %convert_element_type3A_778, %dot_general3A_781 {dimension_numbers = #tpu.dot_dimension_numbers<[1], [0], [0], [1], [0, 0, 1, 1], [], []>, precision = #tpu.contract_precision<fp32>, transpose_lhs_hint = false} : vector<32x1024xf32>, vector<1024x36xf32>, vector<32x36xf32> -> vector<32x36xf32>
    %slice3A_783 = vector.extract_strided_slice %dot_general3A_782 {offsets = [0, 0], sizes = [8, 36], strides = [1, 1]} : vector<32x36xf32> to vector<8x36xf32>
    %slice3A_784 = vector.extract_strided_slice %dot_general3A_782 {offsets = [8, 0], sizes = [8, 36], strides = [1, 1]} : vector<32x36xf32> to vector<8x36xf32>
    %slice3A_785 = vector.extract_strided_slice %dot_general3A_782 {offsets = [16, 0], sizes = [8, 36], strides = [1, 1]} : vector<32x36xf32> to vector<8x36xf32>
    %slice3A_786 = vector.extract_strided_slice %dot_general3A_782 {offsets = [24, 0], sizes = [8, 36], strides = [1, 1]} : vector<32x36xf32> to vector<8x36xf32>
    %concatenate3A_787 = tpu.concatenate %slice3A_783, %slice3A_784, %slice3A_785, %slice3A_786 in 1 : vector<8x36xf32>, vector<8x36xf32>, vector<8x36xf32>, vector<8x36xf32> -> vector<8x144xf32>
    %broadcast_in_dim3A_788 = vector.shape_cast %concatenate3A_787 : vector<8x144xf32> to vector<1x8x144xf32>
    %slice3A_789 = vector.extract_strided_slice %convert_element_type3A_570 {offsets = [13, 0], sizes = [1, 36], strides = [1, 1]} : vector<64x36xi32> to vector<1x36xi32>
    %squeeze3A_790 = vector.shape_cast %slice3A_789 : vector<1x36xi32> to vector<36xi32>
    %broadcast_in_dim3A_791 = vector.shape_cast %squeeze3A_790 : vector<36xi32> to vector<1x36xi32>
    %eq3A_792 = vector.broadcast %broadcast_in_dim3A_791 : vector<1x36xi32> to vector<1024x36xi32>
    %eq3A_793 = arith.cmpi eq, %iota3A_569, %eq3A_792 : vector<1024x36xi32>
    %convert_element_type3A_794 = arith.extui %eq3A_793 : vector<1024x36xi1> to vector<1024x36xi32>
    %convert_element_type3A_795 = arith.sitofp %convert_element_type3A_794 : vector<1024x36xi32> to vector<1024x36xf32>
    %slice3A_796 = vector.extract_strided_slice %reshape3A {offsets = [13, 0, 0], sizes = [1, 32, 1024], strides = [1, 1, 1]} : vector<64x32x1024xf32> to vector<1x32x1024xf32>
    %squeeze3A_797 = vector.shape_cast %slice3A_796 : vector<1x32x1024xf32> to vector<32x1024xf32>
    %dot_general3A_798 = arith.constant dense<0.000000e+00> : vector<32x36xf32>
    %dot_general3A_799 = tpu.matmul %squeeze3A_797, %convert_element_type3A_795, %dot_general3A_798 {dimension_numbers = #tpu.dot_dimension_numbers<[1], [0], [0], [1], [0, 0, 1, 1], [], []>, precision = #tpu.contract_precision<fp32>, transpose_lhs_hint = false} : vector<32x1024xf32>, vector<1024x36xf32>, vector<32x36xf32> -> vector<32x36xf32>
    %slice3A_800 = vector.extract_strided_slice %dot_general3A_799 {offsets = [0, 0], sizes = [8, 36], strides = [1, 1]} : vector<32x36xf32> to vector<8x36xf32>
    %slice3A_801 = vector.extract_strided_slice %dot_general3A_799 {offsets = [8, 0], sizes = [8, 36], strides = [1, 1]} : vector<32x36xf32> to vector<8x36xf32>
    %slice3A_802 = vector.extract_strided_slice %dot_general3A_799 {offsets = [16, 0], sizes = [8, 36], strides = [1, 1]} : vector<32x36xf32> to vector<8x36xf32>
    %slice3A_803 = vector.extract_strided_slice %dot_general3A_799 {offsets = [24, 0], sizes = [8, 36], strides = [1, 1]} : vector<32x36xf32> to vector<8x36xf32>
    %concatenate3A_804 = tpu.concatenate %slice3A_800, %slice3A_801, %slice3A_802, %slice3A_803 in 1 : vector<8x36xf32>, vector<8x36xf32>, vector<8x36xf32>, vector<8x36xf32> -> vector<8x144xf32>
    %broadcast_in_dim3A_805 = vector.shape_cast %concatenate3A_804 : vector<8x144xf32> to vector<1x8x144xf32>
    %slice3A_806 = vector.extract_strided_slice %convert_element_type3A_570 {offsets = [14, 0], sizes = [1, 36], strides = [1, 1]} : vector<64x36xi32> to vector<1x36xi32>
    %squeeze3A_807 = vector.shape_cast %slice3A_806 : vector<1x36xi32> to vector<36xi32>
    %broadcast_in_dim3A_808 = vector.shape_cast %squeeze3A_807 : vector<36xi32> to vector<1x36xi32>
    %eq3A_809 = vector.broadcast %broadcast_in_dim3A_808 : vector<1x36xi32> to vector<1024x36xi32>
    %eq3A_810 = arith.cmpi eq, %iota3A_569, %eq3A_809 : vector<1024x36xi32>
    %convert_element_type3A_811 = arith.extui %eq3A_810 : vector<1024x36xi1> to vector<1024x36xi32>
    %convert_element_type3A_812 = arith.sitofp %convert_element_type3A_811 : vector<1024x36xi32> to vector<1024x36xf32>
    %slice3A_813 = vector.extract_strided_slice %reshape3A {offsets = [14, 0, 0], sizes = [1, 32, 1024], strides = [1, 1, 1]} : vector<64x32x1024xf32> to vector<1x32x1024xf32>
    %squeeze3A_814 = vector.shape_cast %slice3A_813 : vector<1x32x1024xf32> to vector<32x1024xf32>
    %dot_general3A_815 = arith.constant dense<0.000000e+00> : vector<32x36xf32>
    %dot_general3A_816 = tpu.matmul %squeeze3A_814, %convert_element_type3A_812, %dot_general3A_815 {dimension_numbers = #tpu.dot_dimension_numbers<[1], [0], [0], [1], [0, 0, 1, 1], [], []>, precision = #tpu.contract_precision<fp32>, transpose_lhs_hint = false} : vector<32x1024xf32>, vector<1024x36xf32>, vector<32x36xf32> -> vector<32x36xf32>
    %slice3A_817 = vector.extract_strided_slice %dot_general3A_816 {offsets = [0, 0], sizes = [8, 36], strides = [1, 1]} : vector<32x36xf32> to vector<8x36xf32>
    %slice3A_818 = vector.extract_strided_slice %dot_general3A_816 {offsets = [8, 0], sizes = [8, 36], strides = [1, 1]} : vector<32x36xf32> to vector<8x36xf32>
    %slice3A_819 = vector.extract_strided_slice %dot_general3A_816 {offsets = [16, 0], sizes = [8, 36], strides = [1, 1]} : vector<32x36xf32> to vector<8x36xf32>
    %slice3A_820 = vector.extract_strided_slice %dot_general3A_816 {offsets = [24, 0], sizes = [8, 36], strides = [1, 1]} : vector<32x36xf32> to vector<8x36xf32>
    %concatenate3A_821 = tpu.concatenate %slice3A_817, %slice3A_818, %slice3A_819, %slice3A_820 in 1 : vector<8x36xf32>, vector<8x36xf32>, vector<8x36xf32>, vector<8x36xf32> -> vector<8x144xf32>
    %broadcast_in_dim3A_822 = vector.shape_cast %concatenate3A_821 : vector<8x144xf32> to vector<1x8x144xf32>
    %slice3A_823 = vector.extract_strided_slice %convert_element_type3A_570 {offsets = [15, 0], sizes = [1, 36], strides = [1, 1]} : vector<64x36xi32> to vector<1x36xi32>
    %squeeze3A_824 = vector.shape_cast %slice3A_823 : vector<1x36xi32> to vector<36xi32>
    %broadcast_in_dim3A_825 = vector.shape_cast %squeeze3A_824 : vector<36xi32> to vector<1x36xi32>
    %eq3A_826 = vector.broadcast %broadcast_in_dim3A_825 : vector<1x36xi32> to vector<1024x36xi32>
    %eq3A_827 = arith.cmpi eq, %iota3A_569, %eq3A_826 : vector<1024x36xi32>
    %convert_element_type3A_828 = arith.extui %eq3A_827 : vector<1024x36xi1> to vector<1024x36xi32>
    %convert_element_type3A_829 = arith.sitofp %convert_element_type3A_828 : vector<1024x36xi32> to vector<1024x36xf32>
    %slice3A_830 = vector.extract_strided_slice %reshape3A {offsets = [15, 0, 0], sizes = [1, 32, 1024], strides = [1, 1, 1]} : vector<64x32x1024xf32> to vector<1x32x1024xf32>
    %squeeze3A_831 = vector.shape_cast %slice3A_830 : vector<1x32x1024xf32> to vector<32x1024xf32>
    %dot_general3A_832 = arith.constant dense<0.000000e+00> : vector<32x36xf32>
    %dot_general3A_833 = tpu.matmul %squeeze3A_831, %convert_element_type3A_829, %dot_general3A_832 {dimension_numbers = #tpu.dot_dimension_numbers<[1], [0], [0], [1], [0, 0, 1, 1], [], []>, precision = #tpu.contract_precision<fp32>, transpose_lhs_hint = false} : vector<32x1024xf32>, vector<1024x36xf32>, vector<32x36xf32> -> vector<32x36xf32>
    %slice3A_834 = vector.extract_strided_slice %dot_general3A_833 {offsets = [0, 0], sizes = [8, 36], strides = [1, 1]} : vector<32x36xf32> to vector<8x36xf32>
    %slice3A_835 = vector.extract_strided_slice %dot_general3A_833 {offsets = [8, 0], sizes = [8, 36], strides = [1, 1]} : vector<32x36xf32> to vector<8x36xf32>
    %slice3A_836 = vector.extract_strided_slice %dot_general3A_833 {offsets = [16, 0], sizes = [8, 36], strides = [1, 1]} : vector<32x36xf32> to vector<8x36xf32>
    %slice3A_837 = vector.extract_strided_slice %dot_general3A_833 {offsets = [24, 0], sizes = [8, 36], strides = [1, 1]} : vector<32x36xf32> to vector<8x36xf32>
    %concatenate3A_838 = tpu.concatenate %slice3A_834, %slice3A_835, %slice3A_836, %slice3A_837 in 1 : vector<8x36xf32>, vector<8x36xf32>, vector<8x36xf32>, vector<8x36xf32> -> vector<8x144xf32>
    %broadcast_in_dim3A_839 = vector.shape_cast %concatenate3A_838 : vector<8x144xf32> to vector<1x8x144xf32>
    %slice3A_840 = vector.extract_strided_slice %convert_element_type3A_570 {offsets = [16, 0], sizes = [1, 36], strides = [1, 1]} : vector<64x36xi32> to vector<1x36xi32>
    %squeeze3A_841 = vector.shape_cast %slice3A_840 : vector<1x36xi32> to vector<36xi32>
    %broadcast_in_dim3A_842 = vector.shape_cast %squeeze3A_841 : vector<36xi32> to vector<1x36xi32>
    %eq3A_843 = vector.broadcast %broadcast_in_dim3A_842 : vector<1x36xi32> to vector<1024x36xi32>
    %eq3A_844 = arith.cmpi eq, %iota3A_569, %eq3A_843 : vector<1024x36xi32>
    %convert_element_type3A_845 = arith.extui %eq3A_844 : vector<1024x36xi1> to vector<1024x36xi32>
    %convert_element_type3A_846 = arith.sitofp %convert_element_type3A_845 : vector<1024x36xi32> to vector<1024x36xf32>
    %slice3A_847 = vector.extract_strided_slice %reshape3A {offsets = [16, 0, 0], sizes = [1, 32, 1024], strides = [1, 1, 1]} : vector<64x32x1024xf32> to vector<1x32x1024xf32>
    %squeeze3A_848 = vector.shape_cast %slice3A_847 : vector<1x32x1024xf32> to vector<32x1024xf32>
    %dot_general3A_849 = arith.constant dense<0.000000e+00> : vector<32x36xf32>
    %dot_general3A_850 = tpu.matmul %squeeze3A_848, %convert_element_type3A_846, %dot_general3A_849 {dimension_numbers = #tpu.dot_dimension_numbers<[1], [0], [0], [1], [0, 0, 1, 1], [], []>, precision = #tpu.contract_precision<fp32>, transpose_lhs_hint = false} : vector<32x1024xf32>, vector<1024x36xf32>, vector<32x36xf32> -> vector<32x36xf32>
    %slice3A_851 = vector.extract_strided_slice %dot_general3A_850 {offsets = [0, 0], sizes = [8, 36], strides = [1, 1]} : vector<32x36xf32> to vector<8x36xf32>
    %slice3A_852 = vector.extract_strided_slice %dot_general3A_850 {offsets = [8, 0], sizes = [8, 36], strides = [1, 1]} : vector<32x36xf32> to vector<8x36xf32>
    %slice3A_853 = vector.extract_strided_slice %dot_general3A_850 {offsets = [16, 0], sizes = [8, 36], strides = [1, 1]} : vector<32x36xf32> to vector<8x36xf32>
    %slice3A_854 = vector.extract_strided_slice %dot_general3A_850 {offsets = [24, 0], sizes = [8, 36], strides = [1, 1]} : vector<32x36xf32> to vector<8x36xf32>
    %concatenate3A_855 = tpu.concatenate %slice3A_851, %slice3A_852, %slice3A_853, %slice3A_854 in 1 : vector<8x36xf32>, vector<8x36xf32>, vector<8x36xf32>, vector<8x36xf32> -> vector<8x144xf32>
    %broadcast_in_dim3A_856 = vector.shape_cast %concatenate3A_855 : vector<8x144xf32> to vector<1x8x144xf32>
    %slice3A_857 = vector.extract_strided_slice %convert_element_type3A_570 {offsets = [17, 0], sizes = [1, 36], strides = [1, 1]} : vector<64x36xi32> to vector<1x36xi32>
    %squeeze3A_858 = vector.shape_cast %slice3A_857 : vector<1x36xi32> to vector<36xi32>
    %broadcast_in_dim3A_859 = vector.shape_cast %squeeze3A_858 : vector<36xi32> to vector<1x36xi32>
    %eq3A_860 = vector.broadcast %broadcast_in_dim3A_859 : vector<1x36xi32> to vector<1024x36xi32>
    %eq3A_861 = arith.cmpi eq, %iota3A_569, %eq3A_860 : vector<1024x36xi32>
    %convert_element_type3A_862 = arith.extui %eq3A_861 : vector<1024x36xi1> to vector<1024x36xi32>
    %convert_element_type3A_863 = arith.sitofp %convert_element_type3A_862 : vector<1024x36xi32> to vector<1024x36xf32>
    %slice3A_864 = vector.extract_strided_slice %reshape3A {offsets = [17, 0, 0], sizes = [1, 32, 1024], strides = [1, 1, 1]} : vector<64x32x1024xf32> to vector<1x32x1024xf32>
    %squeeze3A_865 = vector.shape_cast %slice3A_864 : vector<1x32x1024xf32> to vector<32x1024xf32>
    %dot_general3A_866 = arith.constant dense<0.000000e+00> : vector<32x36xf32>
    %dot_general3A_867 = tpu.matmul %squeeze3A_865, %convert_element_type3A_863, %dot_general3A_866 {dimension_numbers = #tpu.dot_dimension_numbers<[1], [0], [0], [1], [0, 0, 1, 1], [], []>, precision = #tpu.contract_precision<fp32>, transpose_lhs_hint = false} : vector<32x1024xf32>, vector<1024x36xf32>, vector<32x36xf32> -> vector<32x36xf32>
    %slice3A_868 = vector.extract_strided_slice %dot_general3A_867 {offsets = [0, 0], sizes = [8, 36], strides = [1, 1]} : vector<32x36xf32> to vector<8x36xf32>
    %slice3A_869 = vector.extract_strided_slice %dot_general3A_867 {offsets = [8, 0], sizes = [8, 36], strides = [1, 1]} : vector<32x36xf32> to vector<8x36xf32>
    %slice3A_870 = vector.extract_strided_slice %dot_general3A_867 {offsets = [16, 0], sizes = [8, 36], strides = [1, 1]} : vector<32x36xf32> to vector<8x36xf32>
    %slice3A_871 = vector.extract_strided_slice %dot_general3A_867 {offsets = [24, 0], sizes = [8, 36], strides = [1, 1]} : vector<32x36xf32> to vector<8x36xf32>
    %concatenate3A_872 = tpu.concatenate %slice3A_868, %slice3A_869, %slice3A_870, %slice3A_871 in 1 : vector<8x36xf32>, vector<8x36xf32>, vector<8x36xf32>, vector<8x36xf32> -> vector<8x144xf32>
    %broadcast_in_dim3A_873 = vector.shape_cast %concatenate3A_872 : vector<8x144xf32> to vector<1x8x144xf32>
    %slice3A_874 = vector.extract_strided_slice %convert_element_type3A_570 {offsets = [18, 0], sizes = [1, 36], strides = [1, 1]} : vector<64x36xi32> to vector<1x36xi32>
    %squeeze3A_875 = vector.shape_cast %slice3A_874 : vector<1x36xi32> to vector<36xi32>
    %broadcast_in_dim3A_876 = vector.shape_cast %squeeze3A_875 : vector<36xi32> to vector<1x36xi32>
    %eq3A_877 = vector.broadcast %broadcast_in_dim3A_876 : vector<1x36xi32> to vector<1024x36xi32>
    %eq3A_878 = arith.cmpi eq, %iota3A_569, %eq3A_877 : vector<1024x36xi32>
    %convert_element_type3A_879 = arith.extui %eq3A_878 : vector<1024x36xi1> to vector<1024x36xi32>
    %convert_element_type3A_880 = arith.sitofp %convert_element_type3A_879 : vector<1024x36xi32> to vector<1024x36xf32>
    %slice3A_881 = vector.extract_strided_slice %reshape3A {offsets = [18, 0, 0], sizes = [1, 32, 1024], strides = [1, 1, 1]} : vector<64x32x1024xf32> to vector<1x32x1024xf32>
    %squeeze3A_882 = vector.shape_cast %slice3A_881 : vector<1x32x1024xf32> to vector<32x1024xf32>
    %dot_general3A_883 = arith.constant dense<0.000000e+00> : vector<32x36xf32>
    %dot_general3A_884 = tpu.matmul %squeeze3A_882, %convert_element_type3A_880, %dot_general3A_883 {dimension_numbers = #tpu.dot_dimension_numbers<[1], [0], [0], [1], [0, 0, 1, 1], [], []>, precision = #tpu.contract_precision<fp32>, transpose_lhs_hint = false} : vector<32x1024xf32>, vector<1024x36xf32>, vector<32x36xf32> -> vector<32x36xf32>
    %slice3A_885 = vector.extract_strided_slice %dot_general3A_884 {offsets = [0, 0], sizes = [8, 36], strides = [1, 1]} : vector<32x36xf32> to vector<8x36xf32>
    %slice3A_886 = vector.extract_strided_slice %dot_general3A_884 {offsets = [8, 0], sizes = [8, 36], strides = [1, 1]} : vector<32x36xf32> to vector<8x36xf32>
    %slice3A_887 = vector.extract_strided_slice %dot_general3A_884 {offsets = [16, 0], sizes = [8, 36], strides = [1, 1]} : vector<32x36xf32> to vector<8x36xf32>
    %slice3A_888 = vector.extract_strided_slice %dot_general3A_884 {offsets = [24, 0], sizes = [8, 36], strides = [1, 1]} : vector<32x36xf32> to vector<8x36xf32>
    %concatenate3A_889 = tpu.concatenate %slice3A_885, %slice3A_886, %slice3A_887, %slice3A_888 in 1 : vector<8x36xf32>, vector<8x36xf32>, vector<8x36xf32>, vector<8x36xf32> -> vector<8x144xf32>
    %broadcast_in_dim3A_890 = vector.shape_cast %concatenate3A_889 : vector<8x144xf32> to vector<1x8x144xf32>
    %slice3A_891 = vector.extract_strided_slice %convert_element_type3A_570 {offsets = [19, 0], sizes = [1, 36], strides = [1, 1]} : vector<64x36xi32> to vector<1x36xi32>
    %squeeze3A_892 = vector.shape_cast %slice3A_891 : vector<1x36xi32> to vector<36xi32>
    %broadcast_in_dim3A_893 = vector.shape_cast %squeeze3A_892 : vector<36xi32> to vector<1x36xi32>
    %eq3A_894 = vector.broadcast %broadcast_in_dim3A_893 : vector<1x36xi32> to vector<1024x36xi32>
    %eq3A_895 = arith.cmpi eq, %iota3A_569, %eq3A_894 : vector<1024x36xi32>
    %convert_element_type3A_896 = arith.extui %eq3A_895 : vector<1024x36xi1> to vector<1024x36xi32>
    %convert_element_type3A_897 = arith.sitofp %convert_element_type3A_896 : vector<1024x36xi32> to vector<1024x36xf32>
    %slice3A_898 = vector.extract_strided_slice %reshape3A {offsets = [19, 0, 0], sizes = [1, 32, 1024], strides = [1, 1, 1]} : vector<64x32x1024xf32> to vector<1x32x1024xf32>
    %squeeze3A_899 = vector.shape_cast %slice3A_898 : vector<1x32x1024xf32> to vector<32x1024xf32>
    %dot_general3A_900 = arith.constant dense<0.000000e+00> : vector<32x36xf32>
    %dot_general3A_901 = tpu.matmul %squeeze3A_899, %convert_element_type3A_897, %dot_general3A_900 {dimension_numbers = #tpu.dot_dimension_numbers<[1], [0], [0], [1], [0, 0, 1, 1], [], []>, precision = #tpu.contract_precision<fp32>, transpose_lhs_hint = false} : vector<32x1024xf32>, vector<1024x36xf32>, vector<32x36xf32> -> vector<32x36xf32>
    %slice3A_902 = vector.extract_strided_slice %dot_general3A_901 {offsets = [0, 0], sizes = [8, 36], strides = [1, 1]} : vector<32x36xf32> to vector<8x36xf32>
    %slice3A_903 = vector.extract_strided_slice %dot_general3A_901 {offsets = [8, 0], sizes = [8, 36], strides = [1, 1]} : vector<32x36xf32> to vector<8x36xf32>
    %slice3A_904 = vector.extract_strided_slice %dot_general3A_901 {offsets = [16, 0], sizes = [8, 36], strides = [1, 1]} : vector<32x36xf32> to vector<8x36xf32>
    %slice3A_905 = vector.extract_strided_slice %dot_general3A_901 {offsets = [24, 0], sizes = [8, 36], strides = [1, 1]} : vector<32x36xf32> to vector<8x36xf32>
    %concatenate3A_906 = tpu.concatenate %slice3A_902, %slice3A_903, %slice3A_904, %slice3A_905 in 1 : vector<8x36xf32>, vector<8x36xf32>, vector<8x36xf32>, vector<8x36xf32> -> vector<8x144xf32>
    %broadcast_in_dim3A_907 = vector.shape_cast %concatenate3A_906 : vector<8x144xf32> to vector<1x8x144xf32>
    %slice3A_908 = vector.extract_strided_slice %convert_element_type3A_570 {offsets = [20, 0], sizes = [1, 36], strides = [1, 1]} : vector<64x36xi32> to vector<1x36xi32>
    %squeeze3A_909 = vector.shape_cast %slice3A_908 : vector<1x36xi32> to vector<36xi32>
    %broadcast_in_dim3A_910 = vector.shape_cast %squeeze3A_909 : vector<36xi32> to vector<1x36xi32>
    %eq3A_911 = vector.broadcast %broadcast_in_dim3A_910 : vector<1x36xi32> to vector<1024x36xi32>
    %eq3A_912 = arith.cmpi eq, %iota3A_569, %eq3A_911 : vector<1024x36xi32>
    %convert_element_type3A_913 = arith.extui %eq3A_912 : vector<1024x36xi1> to vector<1024x36xi32>
    %convert_element_type3A_914 = arith.sitofp %convert_element_type3A_913 : vector<1024x36xi32> to vector<1024x36xf32>
    %slice3A_915 = vector.extract_strided_slice %reshape3A {offsets = [20, 0, 0], sizes = [1, 32, 1024], strides = [1, 1, 1]} : vector<64x32x1024xf32> to vector<1x32x1024xf32>
    %squeeze3A_916 = vector.shape_cast %slice3A_915 : vector<1x32x1024xf32> to vector<32x1024xf32>
    %dot_general3A_917 = arith.constant dense<0.000000e+00> : vector<32x36xf32>
    %dot_general3A_918 = tpu.matmul %squeeze3A_916, %convert_element_type3A_914, %dot_general3A_917 {dimension_numbers = #tpu.dot_dimension_numbers<[1], [0], [0], [1], [0, 0, 1, 1], [], []>, precision = #tpu.contract_precision<fp32>, transpose_lhs_hint = false} : vector<32x1024xf32>, vector<1024x36xf32>, vector<32x36xf32> -> vector<32x36xf32>
    %slice3A_919 = vector.extract_strided_slice %dot_general3A_918 {offsets = [0, 0], sizes = [8, 36], strides = [1, 1]} : vector<32x36xf32> to vector<8x36xf32>
    %slice3A_920 = vector.extract_strided_slice %dot_general3A_918 {offsets = [8, 0], sizes = [8, 36], strides = [1, 1]} : vector<32x36xf32> to vector<8x36xf32>
    %slice3A_921 = vector.extract_strided_slice %dot_general3A_918 {offsets = [16, 0], sizes = [8, 36], strides = [1, 1]} : vector<32x36xf32> to vector<8x36xf32>
    %slice3A_922 = vector.extract_strided_slice %dot_general3A_918 {offsets = [24, 0], sizes = [8, 36], strides = [1, 1]} : vector<32x36xf32> to vector<8x36xf32>
    %concatenate3A_923 = tpu.concatenate %slice3A_919, %slice3A_920, %slice3A_921, %slice3A_922 in 1 : vector<8x36xf32>, vector<8x36xf32>, vector<8x36xf32>, vector<8x36xf32> -> vector<8x144xf32>
    %broadcast_in_dim3A_924 = vector.shape_cast %concatenate3A_923 : vector<8x144xf32> to vector<1x8x144xf32>
    %slice3A_925 = vector.extract_strided_slice %convert_element_type3A_570 {offsets = [21, 0], sizes = [1, 36], strides = [1, 1]} : vector<64x36xi32> to vector<1x36xi32>
    %squeeze3A_926 = vector.shape_cast %slice3A_925 : vector<1x36xi32> to vector<36xi32>
    %broadcast_in_dim3A_927 = vector.shape_cast %squeeze3A_926 : vector<36xi32> to vector<1x36xi32>
    %eq3A_928 = vector.broadcast %broadcast_in_dim3A_927 : vector<1x36xi32> to vector<1024x36xi32>
    %eq3A_929 = arith.cmpi eq, %iota3A_569, %eq3A_928 : vector<1024x36xi32>
    %convert_element_type3A_930 = arith.extui %eq3A_929 : vector<1024x36xi1> to vector<1024x36xi32>
    %convert_element_type3A_931 = arith.sitofp %convert_element_type3A_930 : vector<1024x36xi32> to vector<1024x36xf32>
    %slice3A_932 = vector.extract_strided_slice %reshape3A {offsets = [21, 0, 0], sizes = [1, 32, 1024], strides = [1, 1, 1]} : vector<64x32x1024xf32> to vector<1x32x1024xf32>
    %squeeze3A_933 = vector.shape_cast %slice3A_932 : vector<1x32x1024xf32> to vector<32x1024xf32>
    %dot_general3A_934 = arith.constant dense<0.000000e+00> : vector<32x36xf32>
    %dot_general3A_935 = tpu.matmul %squeeze3A_933, %convert_element_type3A_931, %dot_general3A_934 {dimension_numbers = #tpu.dot_dimension_numbers<[1], [0], [0], [1], [0, 0, 1, 1], [], []>, precision = #tpu.contract_precision<fp32>, transpose_lhs_hint = false} : vector<32x1024xf32>, vector<1024x36xf32>, vector<32x36xf32> -> vector<32x36xf32>
    %slice3A_936 = vector.extract_strided_slice %dot_general3A_935 {offsets = [0, 0], sizes = [8, 36], strides = [1, 1]} : vector<32x36xf32> to vector<8x36xf32>
    %slice3A_937 = vector.extract_strided_slice %dot_general3A_935 {offsets = [8, 0], sizes = [8, 36], strides = [1, 1]} : vector<32x36xf32> to vector<8x36xf32>
    %slice3A_938 = vector.extract_strided_slice %dot_general3A_935 {offsets = [16, 0], sizes = [8, 36], strides = [1, 1]} : vector<32x36xf32> to vector<8x36xf32>
    %slice3A_939 = vector.extract_strided_slice %dot_general3A_935 {offsets = [24, 0], sizes = [8, 36], strides = [1, 1]} : vector<32x36xf32> to vector<8x36xf32>
    %concatenate3A_940 = tpu.concatenate %slice3A_936, %slice3A_937, %slice3A_938, %slice3A_939 in 1 : vector<8x36xf32>, vector<8x36xf32>, vector<8x36xf32>, vector<8x36xf32> -> vector<8x144xf32>
    %broadcast_in_dim3A_941 = vector.shape_cast %concatenate3A_940 : vector<8x144xf32> to vector<1x8x144xf32>
    %slice3A_942 = vector.extract_strided_slice %convert_element_type3A_570 {offsets = [22, 0], sizes = [1, 36], strides = [1, 1]} : vector<64x36xi32> to vector<1x36xi32>
    %squeeze3A_943 = vector.shape_cast %slice3A_942 : vector<1x36xi32> to vector<36xi32>
    %broadcast_in_dim3A_944 = vector.shape_cast %squeeze3A_943 : vector<36xi32> to vector<1x36xi32>
    %eq3A_945 = vector.broadcast %broadcast_in_dim3A_944 : vector<1x36xi32> to vector<1024x36xi32>
    %eq3A_946 = arith.cmpi eq, %iota3A_569, %eq3A_945 : vector<1024x36xi32>
    %convert_element_type3A_947 = arith.extui %eq3A_946 : vector<1024x36xi1> to vector<1024x36xi32>
    %convert_element_type3A_948 = arith.sitofp %convert_element_type3A_947 : vector<1024x36xi32> to vector<1024x36xf32>
    %slice3A_949 = vector.extract_strided_slice %reshape3A {offsets = [22, 0, 0], sizes = [1, 32, 1024], strides = [1, 1, 1]} : vector<64x32x1024xf32> to vector<1x32x1024xf32>
    %squeeze3A_950 = vector.shape_cast %slice3A_949 : vector<1x32x1024xf32> to vector<32x1024xf32>
    %dot_general3A_951 = arith.constant dense<0.000000e+00> : vector<32x36xf32>
    %dot_general3A_952 = tpu.matmul %squeeze3A_950, %convert_element_type3A_948, %dot_general3A_951 {dimension_numbers = #tpu.dot_dimension_numbers<[1], [0], [0], [1], [0, 0, 1, 1], [], []>, precision = #tpu.contract_precision<fp32>, transpose_lhs_hint = false} : vector<32x1024xf32>, vector<1024x36xf32>, vector<32x36xf32> -> vector<32x36xf32>
    %slice3A_953 = vector.extract_strided_slice %dot_general3A_952 {offsets = [0, 0], sizes = [8, 36], strides = [1, 1]} : vector<32x36xf32> to vector<8x36xf32>
    %slice3A_954 = vector.extract_strided_slice %dot_general3A_952 {offsets = [8, 0], sizes = [8, 36], strides = [1, 1]} : vector<32x36xf32> to vector<8x36xf32>
    %slice3A_955 = vector.extract_strided_slice %dot_general3A_952 {offsets = [16, 0], sizes = [8, 36], strides = [1, 1]} : vector<32x36xf32> to vector<8x36xf32>
    %slice3A_956 = vector.extract_strided_slice %dot_general3A_952 {offsets = [24, 0], sizes = [8, 36], strides = [1, 1]} : vector<32x36xf32> to vector<8x36xf32>
    %concatenate3A_957 = tpu.concatenate %slice3A_953, %slice3A_954, %slice3A_955, %slice3A_956 in 1 : vector<8x36xf32>, vector<8x36xf32>, vector<8x36xf32>, vector<8x36xf32> -> vector<8x144xf32>
    %broadcast_in_dim3A_958 = vector.shape_cast %concatenate3A_957 : vector<8x144xf32> to vector<1x8x144xf32>
    %slice3A_959 = vector.extract_strided_slice %convert_element_type3A_570 {offsets = [23, 0], sizes = [1, 36], strides = [1, 1]} : vector<64x36xi32> to vector<1x36xi32>
    %squeeze3A_960 = vector.shape_cast %slice3A_959 : vector<1x36xi32> to vector<36xi32>
    %broadcast_in_dim3A_961 = vector.shape_cast %squeeze3A_960 : vector<36xi32> to vector<1x36xi32>
    %eq3A_962 = vector.broadcast %broadcast_in_dim3A_961 : vector<1x36xi32> to vector<1024x36xi32>
    %eq3A_963 = arith.cmpi eq, %iota3A_569, %eq3A_962 : vector<1024x36xi32>
    %convert_element_type3A_964 = arith.extui %eq3A_963 : vector<1024x36xi1> to vector<1024x36xi32>
    %convert_element_type3A_965 = arith.sitofp %convert_element_type3A_964 : vector<1024x36xi32> to vector<1024x36xf32>
    %slice3A_966 = vector.extract_strided_slice %reshape3A {offsets = [23, 0, 0], sizes = [1, 32, 1024], strides = [1, 1, 1]} : vector<64x32x1024xf32> to vector<1x32x1024xf32>
    %squeeze3A_967 = vector.shape_cast %slice3A_966 : vector<1x32x1024xf32> to vector<32x1024xf32>
    %dot_general3A_968 = arith.constant dense<0.000000e+00> : vector<32x36xf32>
    %dot_general3A_969 = tpu.matmul %squeeze3A_967, %convert_element_type3A_965, %dot_general3A_968 {dimension_numbers = #tpu.dot_dimension_numbers<[1], [0], [0], [1], [0, 0, 1, 1], [], []>, precision = #tpu.contract_precision<fp32>, transpose_lhs_hint = false} : vector<32x1024xf32>, vector<1024x36xf32>, vector<32x36xf32> -> vector<32x36xf32>
    %slice3A_970 = vector.extract_strided_slice %dot_general3A_969 {offsets = [0, 0], sizes = [8, 36], strides = [1, 1]} : vector<32x36xf32> to vector<8x36xf32>
    %slice3A_971 = vector.extract_strided_slice %dot_general3A_969 {offsets = [8, 0], sizes = [8, 36], strides = [1, 1]} : vector<32x36xf32> to vector<8x36xf32>
    %slice3A_972 = vector.extract_strided_slice %dot_general3A_969 {offsets = [16, 0], sizes = [8, 36], strides = [1, 1]} : vector<32x36xf32> to vector<8x36xf32>
    %slice3A_973 = vector.extract_strided_slice %dot_general3A_969 {offsets = [24, 0], sizes = [8, 36], strides = [1, 1]} : vector<32x36xf32> to vector<8x36xf32>
    %concatenate3A_974 = tpu.concatenate %slice3A_970, %slice3A_971, %slice3A_972, %slice3A_973 in 1 : vector<8x36xf32>, vector<8x36xf32>, vector<8x36xf32>, vector<8x36xf32> -> vector<8x144xf32>
    %broadcast_in_dim3A_975 = vector.shape_cast %concatenate3A_974 : vector<8x144xf32> to vector<1x8x144xf32>
    %slice3A_976 = vector.extract_strided_slice %convert_element_type3A_570 {offsets = [24, 0], sizes = [1, 36], strides = [1, 1]} : vector<64x36xi32> to vector<1x36xi32>
    %squeeze3A_977 = vector.shape_cast %slice3A_976 : vector<1x36xi32> to vector<36xi32>
    %broadcast_in_dim3A_978 = vector.shape_cast %squeeze3A_977 : vector<36xi32> to vector<1x36xi32>
    %eq3A_979 = vector.broadcast %broadcast_in_dim3A_978 : vector<1x36xi32> to vector<1024x36xi32>
    %eq3A_980 = arith.cmpi eq, %iota3A_569, %eq3A_979 : vector<1024x36xi32>
    %convert_element_type3A_981 = arith.extui %eq3A_980 : vector<1024x36xi1> to vector<1024x36xi32>
    %convert_element_type3A_982 = arith.sitofp %convert_element_type3A_981 : vector<1024x36xi32> to vector<1024x36xf32>
    %slice3A_983 = vector.extract_strided_slice %reshape3A {offsets = [24, 0, 0], sizes = [1, 32, 1024], strides = [1, 1, 1]} : vector<64x32x1024xf32> to vector<1x32x1024xf32>
    %squeeze3A_984 = vector.shape_cast %slice3A_983 : vector<1x32x1024xf32> to vector<32x1024xf32>
    %dot_general3A_985 = arith.constant dense<0.000000e+00> : vector<32x36xf32>
    %dot_general3A_986 = tpu.matmul %squeeze3A_984, %convert_element_type3A_982, %dot_general3A_985 {dimension_numbers = #tpu.dot_dimension_numbers<[1], [0], [0], [1], [0, 0, 1, 1], [], []>, precision = #tpu.contract_precision<fp32>, transpose_lhs_hint = false} : vector<32x1024xf32>, vector<1024x36xf32>, vector<32x36xf32> -> vector<32x36xf32>
    %slice3A_987 = vector.extract_strided_slice %dot_general3A_986 {offsets = [0, 0], sizes = [8, 36], strides = [1, 1]} : vector<32x36xf32> to vector<8x36xf32>
    %slice3A_988 = vector.extract_strided_slice %dot_general3A_986 {offsets = [8, 0], sizes = [8, 36], strides = [1, 1]} : vector<32x36xf32> to vector<8x36xf32>
    %slice3A_989 = vector.extract_strided_slice %dot_general3A_986 {offsets = [16, 0], sizes = [8, 36], strides = [1, 1]} : vector<32x36xf32> to vector<8x36xf32>
    %slice3A_990 = vector.extract_strided_slice %dot_general3A_986 {offsets = [24, 0], sizes = [8, 36], strides = [1, 1]} : vector<32x36xf32> to vector<8x36xf32>
    %concatenate3A_991 = tpu.concatenate %slice3A_987, %slice3A_988, %slice3A_989, %slice3A_990 in 1 : vector<8x36xf32>, vector<8x36xf32>, vector<8x36xf32>, vector<8x36xf32> -> vector<8x144xf32>
    %broadcast_in_dim3A_992 = vector.shape_cast %concatenate3A_991 : vector<8x144xf32> to vector<1x8x144xf32>
    %slice3A_993 = vector.extract_strided_slice %convert_element_type3A_570 {offsets = [25, 0], sizes = [1, 36], strides = [1, 1]} : vector<64x36xi32> to vector<1x36xi32>
    %squeeze3A_994 = vector.shape_cast %slice3A_993 : vector<1x36xi32> to vector<36xi32>
    %broadcast_in_dim3A_995 = vector.shape_cast %squeeze3A_994 : vector<36xi32> to vector<1x36xi32>
    %eq3A_996 = vector.broadcast %broadcast_in_dim3A_995 : vector<1x36xi32> to vector<1024x36xi32>
    %eq3A_997 = arith.cmpi eq, %iota3A_569, %eq3A_996 : vector<1024x36xi32>
    %convert_element_type3A_998 = arith.extui %eq3A_997 : vector<1024x36xi1> to vector<1024x36xi32>
    %convert_element_type3A_999 = arith.sitofp %convert_element_type3A_998 : vector<1024x36xi32> to vector<1024x36xf32>
    %slice3A_1000 = vector.extract_strided_slice %reshape3A {offsets = [25, 0, 0], sizes = [1, 32, 1024], strides = [1, 1, 1]} : vector<64x32x1024xf32> to vector<1x32x1024xf32>
    %squeeze3A_1001 = vector.shape_cast %slice3A_1000 : vector<1x32x1024xf32> to vector<32x1024xf32>
    %dot_general3A_1002 = arith.constant dense<0.000000e+00> : vector<32x36xf32>
    %dot_general3A_1003 = tpu.matmul %squeeze3A_1001, %convert_element_type3A_999, %dot_general3A_1002 {dimension_numbers = #tpu.dot_dimension_numbers<[1], [0], [0], [1], [0, 0, 1, 1], [], []>, precision = #tpu.contract_precision<fp32>, transpose_lhs_hint = false} : vector<32x1024xf32>, vector<1024x36xf32>, vector<32x36xf32> -> vector<32x36xf32>
    %slice3A_1004 = vector.extract_strided_slice %dot_general3A_1003 {offsets = [0, 0], sizes = [8, 36], strides = [1, 1]} : vector<32x36xf32> to vector<8x36xf32>
    %slice3A_1005 = vector.extract_strided_slice %dot_general3A_1003 {offsets = [8, 0], sizes = [8, 36], strides = [1, 1]} : vector<32x36xf32> to vector<8x36xf32>
    %slice3A_1006 = vector.extract_strided_slice %dot_general3A_1003 {offsets = [16, 0], sizes = [8, 36], strides = [1, 1]} : vector<32x36xf32> to vector<8x36xf32>
    %slice3A_1007 = vector.extract_strided_slice %dot_general3A_1003 {offsets = [24, 0], sizes = [8, 36], strides = [1, 1]} : vector<32x36xf32> to vector<8x36xf32>
    %concatenate3A_1008 = tpu.concatenate %slice3A_1004, %slice3A_1005, %slice3A_1006, %slice3A_1007 in 1 : vector<8x36xf32>, vector<8x36xf32>, vector<8x36xf32>, vector<8x36xf32> -> vector<8x144xf32>
    %broadcast_in_dim3A_1009 = vector.shape_cast %concatenate3A_1008 : vector<8x144xf32> to vector<1x8x144xf32>
    %slice3A_1010 = vector.extract_strided_slice %convert_element_type3A_570 {offsets = [26, 0], sizes = [1, 36], strides = [1, 1]} : vector<64x36xi32> to vector<1x36xi32>
    %squeeze3A_1011 = vector.shape_cast %slice3A_1010 : vector<1x36xi32> to vector<36xi32>
    %broadcast_in_dim3A_1012 = vector.shape_cast %squeeze3A_1011 : vector<36xi32> to vector<1x36xi32>
    %eq3A_1013 = vector.broadcast %broadcast_in_dim3A_1012 : vector<1x36xi32> to vector<1024x36xi32>
    %eq3A_1014 = arith.cmpi eq, %iota3A_569, %eq3A_1013 : vector<1024x36xi32>
    %convert_element_type3A_1015 = arith.extui %eq3A_1014 : vector<1024x36xi1> to vector<1024x36xi32>
    %convert_element_type3A_1016 = arith.sitofp %convert_element_type3A_1015 : vector<1024x36xi32> to vector<1024x36xf32>
    %slice3A_1017 = vector.extract_strided_slice %reshape3A {offsets = [26, 0, 0], sizes = [1, 32, 1024], strides = [1, 1, 1]} : vector<64x32x1024xf32> to vector<1x32x1024xf32>
    %squeeze3A_1018 = vector.shape_cast %slice3A_1017 : vector<1x32x1024xf32> to vector<32x1024xf32>
    %dot_general3A_1019 = arith.constant dense<0.000000e+00> : vector<32x36xf32>
    %dot_general3A_1020 = tpu.matmul %squeeze3A_1018, %convert_element_type3A_1016, %dot_general3A_1019 {dimension_numbers = #tpu.dot_dimension_numbers<[1], [0], [0], [1], [0, 0, 1, 1], [], []>, precision = #tpu.contract_precision<fp32>, transpose_lhs_hint = false} : vector<32x1024xf32>, vector<1024x36xf32>, vector<32x36xf32> -> vector<32x36xf32>
    %slice3A_1021 = vector.extract_strided_slice %dot_general3A_1020 {offsets = [0, 0], sizes = [8, 36], strides = [1, 1]} : vector<32x36xf32> to vector<8x36xf32>
    %slice3A_1022 = vector.extract_strided_slice %dot_general3A_1020 {offsets = [8, 0], sizes = [8, 36], strides = [1, 1]} : vector<32x36xf32> to vector<8x36xf32>
    %slice3A_1023 = vector.extract_strided_slice %dot_general3A_1020 {offsets = [16, 0], sizes = [8, 36], strides = [1, 1]} : vector<32x36xf32> to vector<8x36xf32>
    %slice3A_1024 = vector.extract_strided_slice %dot_general3A_1020 {offsets = [24, 0], sizes = [8, 36], strides = [1, 1]} : vector<32x36xf32> to vector<8x36xf32>
    %concatenate3A_1025 = tpu.concatenate %slice3A_1021, %slice3A_1022, %slice3A_1023, %slice3A_1024 in 1 : vector<8x36xf32>, vector<8x36xf32>, vector<8x36xf32>, vector<8x36xf32> -> vector<8x144xf32>
    %broadcast_in_dim3A_1026 = vector.shape_cast %concatenate3A_1025 : vector<8x144xf32> to vector<1x8x144xf32>
    %slice3A_1027 = vector.extract_strided_slice %convert_element_type3A_570 {offsets = [27, 0], sizes = [1, 36], strides = [1, 1]} : vector<64x36xi32> to vector<1x36xi32>
    %squeeze3A_1028 = vector.shape_cast %slice3A_1027 : vector<1x36xi32> to vector<36xi32>
    %broadcast_in_dim3A_1029 = vector.shape_cast %squeeze3A_1028 : vector<36xi32> to vector<1x36xi32>
    %eq3A_1030 = vector.broadcast %broadcast_in_dim3A_1029 : vector<1x36xi32> to vector<1024x36xi32>
    %eq3A_1031 = arith.cmpi eq, %iota3A_569, %eq3A_1030 : vector<1024x36xi32>
    %convert_element_type3A_1032 = arith.extui %eq3A_1031 : vector<1024x36xi1> to vector<1024x36xi32>
    %convert_element_type3A_1033 = arith.sitofp %convert_element_type3A_1032 : vector<1024x36xi32> to vector<1024x36xf32>
    %slice3A_1034 = vector.extract_strided_slice %reshape3A {offsets = [27, 0, 0], sizes = [1, 32, 1024], strides = [1, 1, 1]} : vector<64x32x1024xf32> to vector<1x32x1024xf32>
    %squeeze3A_1035 = vector.shape_cast %slice3A_1034 : vector<1x32x1024xf32> to vector<32x1024xf32>
    %dot_general3A_1036 = arith.constant dense<0.000000e+00> : vector<32x36xf32>
    %dot_general3A_1037 = tpu.matmul %squeeze3A_1035, %convert_element_type3A_1033, %dot_general3A_1036 {dimension_numbers = #tpu.dot_dimension_numbers<[1], [0], [0], [1], [0, 0, 1, 1], [], []>, precision = #tpu.contract_precision<fp32>, transpose_lhs_hint = false} : vector<32x1024xf32>, vector<1024x36xf32>, vector<32x36xf32> -> vector<32x36xf32>
    %slice3A_1038 = vector.extract_strided_slice %dot_general3A_1037 {offsets = [0, 0], sizes = [8, 36], strides = [1, 1]} : vector<32x36xf32> to vector<8x36xf32>
    %slice3A_1039 = vector.extract_strided_slice %dot_general3A_1037 {offsets = [8, 0], sizes = [8, 36], strides = [1, 1]} : vector<32x36xf32> to vector<8x36xf32>
    %slice3A_1040 = vector.extract_strided_slice %dot_general3A_1037 {offsets = [16, 0], sizes = [8, 36], strides = [1, 1]} : vector<32x36xf32> to vector<8x36xf32>
    %slice3A_1041 = vector.extract_strided_slice %dot_general3A_1037 {offsets = [24, 0], sizes = [8, 36], strides = [1, 1]} : vector<32x36xf32> to vector<8x36xf32>
    %concatenate3A_1042 = tpu.concatenate %slice3A_1038, %slice3A_1039, %slice3A_1040, %slice3A_1041 in 1 : vector<8x36xf32>, vector<8x36xf32>, vector<8x36xf32>, vector<8x36xf32> -> vector<8x144xf32>
    %broadcast_in_dim3A_1043 = vector.shape_cast %concatenate3A_1042 : vector<8x144xf32> to vector<1x8x144xf32>
    %slice3A_1044 = vector.extract_strided_slice %convert_element_type3A_570 {offsets = [28, 0], sizes = [1, 36], strides = [1, 1]} : vector<64x36xi32> to vector<1x36xi32>
    %squeeze3A_1045 = vector.shape_cast %slice3A_1044 : vector<1x36xi32> to vector<36xi32>
    %broadcast_in_dim3A_1046 = vector.shape_cast %squeeze3A_1045 : vector<36xi32> to vector<1x36xi32>
    %eq3A_1047 = vector.broadcast %broadcast_in_dim3A_1046 : vector<1x36xi32> to vector<1024x36xi32>
    %eq3A_1048 = arith.cmpi eq, %iota3A_569, %eq3A_1047 : vector<1024x36xi32>
    %convert_element_type3A_1049 = arith.extui %eq3A_1048 : vector<1024x36xi1> to vector<1024x36xi32>
    %convert_element_type3A_1050 = arith.sitofp %convert_element_type3A_1049 : vector<1024x36xi32> to vector<1024x36xf32>
    %slice3A_1051 = vector.extract_strided_slice %reshape3A {offsets = [28, 0, 0], sizes = [1, 32, 1024], strides = [1, 1, 1]} : vector<64x32x1024xf32> to vector<1x32x1024xf32>
    %squeeze3A_1052 = vector.shape_cast %slice3A_1051 : vector<1x32x1024xf32> to vector<32x1024xf32>
    %dot_general3A_1053 = arith.constant dense<0.000000e+00> : vector<32x36xf32>
    %dot_general3A_1054 = tpu.matmul %squeeze3A_1052, %convert_element_type3A_1050, %dot_general3A_1053 {dimension_numbers = #tpu.dot_dimension_numbers<[1], [0], [0], [1], [0, 0, 1, 1], [], []>, precision = #tpu.contract_precision<fp32>, transpose_lhs_hint = false} : vector<32x1024xf32>, vector<1024x36xf32>, vector<32x36xf32> -> vector<32x36xf32>
    %slice3A_1055 = vector.extract_strided_slice %dot_general3A_1054 {offsets = [0, 0], sizes = [8, 36], strides = [1, 1]} : vector<32x36xf32> to vector<8x36xf32>
    %slice3A_1056 = vector.extract_strided_slice %dot_general3A_1054 {offsets = [8, 0], sizes = [8, 36], strides = [1, 1]} : vector<32x36xf32> to vector<8x36xf32>
    %slice3A_1057 = vector.extract_strided_slice %dot_general3A_1054 {offsets = [16, 0], sizes = [8, 36], strides = [1, 1]} : vector<32x36xf32> to vector<8x36xf32>
    %slice3A_1058 = vector.extract_strided_slice %dot_general3A_1054 {offsets = [24, 0], sizes = [8, 36], strides = [1, 1]} : vector<32x36xf32> to vector<8x36xf32>
    %concatenate3A_1059 = tpu.concatenate %slice3A_1055, %slice3A_1056, %slice3A_1057, %slice3A_1058 in 1 : vector<8x36xf32>, vector<8x36xf32>, vector<8x36xf32>, vector<8x36xf32> -> vector<8x144xf32>
    %broadcast_in_dim3A_1060 = vector.shape_cast %concatenate3A_1059 : vector<8x144xf32> to vector<1x8x144xf32>
    %slice3A_1061 = vector.extract_strided_slice %convert_element_type3A_570 {offsets = [29, 0], sizes = [1, 36], strides = [1, 1]} : vector<64x36xi32> to vector<1x36xi32>
    %squeeze3A_1062 = vector.shape_cast %slice3A_1061 : vector<1x36xi32> to vector<36xi32>
    %broadcast_in_dim3A_1063 = vector.shape_cast %squeeze3A_1062 : vector<36xi32> to vector<1x36xi32>
    %eq3A_1064 = vector.broadcast %broadcast_in_dim3A_1063 : vector<1x36xi32> to vector<1024x36xi32>
    %eq3A_1065 = arith.cmpi eq, %iota3A_569, %eq3A_1064 : vector<1024x36xi32>
    %convert_element_type3A_1066 = arith.extui %eq3A_1065 : vector<1024x36xi1> to vector<1024x36xi32>
    %convert_element_type3A_1067 = arith.sitofp %convert_element_type3A_1066 : vector<1024x36xi32> to vector<1024x36xf32>
    %slice3A_1068 = vector.extract_strided_slice %reshape3A {offsets = [29, 0, 0], sizes = [1, 32, 1024], strides = [1, 1, 1]} : vector<64x32x1024xf32> to vector<1x32x1024xf32>
    %squeeze3A_1069 = vector.shape_cast %slice3A_1068 : vector<1x32x1024xf32> to vector<32x1024xf32>
    %dot_general3A_1070 = arith.constant dense<0.000000e+00> : vector<32x36xf32>
    %dot_general3A_1071 = tpu.matmul %squeeze3A_1069, %convert_element_type3A_1067, %dot_general3A_1070 {dimension_numbers = #tpu.dot_dimension_numbers<[1], [0], [0], [1], [0, 0, 1, 1], [], []>, precision = #tpu.contract_precision<fp32>, transpose_lhs_hint = false} : vector<32x1024xf32>, vector<1024x36xf32>, vector<32x36xf32> -> vector<32x36xf32>
    %slice3A_1072 = vector.extract_strided_slice %dot_general3A_1071 {offsets = [0, 0], sizes = [8, 36], strides = [1, 1]} : vector<32x36xf32> to vector<8x36xf32>
    %slice3A_1073 = vector.extract_strided_slice %dot_general3A_1071 {offsets = [8, 0], sizes = [8, 36], strides = [1, 1]} : vector<32x36xf32> to vector<8x36xf32>
    %slice3A_1074 = vector.extract_strided_slice %dot_general3A_1071 {offsets = [16, 0], sizes = [8, 36], strides = [1, 1]} : vector<32x36xf32> to vector<8x36xf32>
    %slice3A_1075 = vector.extract_strided_slice %dot_general3A_1071 {offsets = [24, 0], sizes = [8, 36], strides = [1, 1]} : vector<32x36xf32> to vector<8x36xf32>
    %concatenate3A_1076 = tpu.concatenate %slice3A_1072, %slice3A_1073, %slice3A_1074, %slice3A_1075 in 1 : vector<8x36xf32>, vector<8x36xf32>, vector<8x36xf32>, vector<8x36xf32> -> vector<8x144xf32>
    %broadcast_in_dim3A_1077 = vector.shape_cast %concatenate3A_1076 : vector<8x144xf32> to vector<1x8x144xf32>
    %slice3A_1078 = vector.extract_strided_slice %convert_element_type3A_570 {offsets = [30, 0], sizes = [1, 36], strides = [1, 1]} : vector<64x36xi32> to vector<1x36xi32>
    %squeeze3A_1079 = vector.shape_cast %slice3A_1078 : vector<1x36xi32> to vector<36xi32>
    %broadcast_in_dim3A_1080 = vector.shape_cast %squeeze3A_1079 : vector<36xi32> to vector<1x36xi32>
    %eq3A_1081 = vector.broadcast %broadcast_in_dim3A_1080 : vector<1x36xi32> to vector<1024x36xi32>
    %eq3A_1082 = arith.cmpi eq, %iota3A_569, %eq3A_1081 : vector<1024x36xi32>
    %convert_element_type3A_1083 = arith.extui %eq3A_1082 : vector<1024x36xi1> to vector<1024x36xi32>
    %convert_element_type3A_1084 = arith.sitofp %convert_element_type3A_1083 : vector<1024x36xi32> to vector<1024x36xf32>
    %slice3A_1085 = vector.extract_strided_slice %reshape3A {offsets = [30, 0, 0], sizes = [1, 32, 1024], strides = [1, 1, 1]} : vector<64x32x1024xf32> to vector<1x32x1024xf32>
    %squeeze3A_1086 = vector.shape_cast %slice3A_1085 : vector<1x32x1024xf32> to vector<32x1024xf32>
    %dot_general3A_1087 = arith.constant dense<0.000000e+00> : vector<32x36xf32>
    %dot_general3A_1088 = tpu.matmul %squeeze3A_1086, %convert_element_type3A_1084, %dot_general3A_1087 {dimension_numbers = #tpu.dot_dimension_numbers<[1], [0], [0], [1], [0, 0, 1, 1], [], []>, precision = #tpu.contract_precision<fp32>, transpose_lhs_hint = false} : vector<32x1024xf32>, vector<1024x36xf32>, vector<32x36xf32> -> vector<32x36xf32>
    %slice3A_1089 = vector.extract_strided_slice %dot_general3A_1088 {offsets = [0, 0], sizes = [8, 36], strides = [1, 1]} : vector<32x36xf32> to vector<8x36xf32>
    %slice3A_1090 = vector.extract_strided_slice %dot_general3A_1088 {offsets = [8, 0], sizes = [8, 36], strides = [1, 1]} : vector<32x36xf32> to vector<8x36xf32>
    %slice3A_1091 = vector.extract_strided_slice %dot_general3A_1088 {offsets = [16, 0], sizes = [8, 36], strides = [1, 1]} : vector<32x36xf32> to vector<8x36xf32>
    %slice3A_1092 = vector.extract_strided_slice %dot_general3A_1088 {offsets = [24, 0], sizes = [8, 36], strides = [1, 1]} : vector<32x36xf32> to vector<8x36xf32>
    %concatenate3A_1093 = tpu.concatenate %slice3A_1089, %slice3A_1090, %slice3A_1091, %slice3A_1092 in 1 : vector<8x36xf32>, vector<8x36xf32>, vector<8x36xf32>, vector<8x36xf32> -> vector<8x144xf32>
    %broadcast_in_dim3A_1094 = vector.shape_cast %concatenate3A_1093 : vector<8x144xf32> to vector<1x8x144xf32>
    %slice3A_1095 = vector.extract_strided_slice %convert_element_type3A_570 {offsets = [31, 0], sizes = [1, 36], strides = [1, 1]} : vector<64x36xi32> to vector<1x36xi32>
    %squeeze3A_1096 = vector.shape_cast %slice3A_1095 : vector<1x36xi32> to vector<36xi32>
    %broadcast_in_dim3A_1097 = vector.shape_cast %squeeze3A_1096 : vector<36xi32> to vector<1x36xi32>
    %eq3A_1098 = vector.broadcast %broadcast_in_dim3A_1097 : vector<1x36xi32> to vector<1024x36xi32>
    %eq3A_1099 = arith.cmpi eq, %iota3A_569, %eq3A_1098 : vector<1024x36xi32>
    %convert_element_type3A_1100 = arith.extui %eq3A_1099 : vector<1024x36xi1> to vector<1024x36xi32>
    %convert_element_type3A_1101 = arith.sitofp %convert_element_type3A_1100 : vector<1024x36xi32> to vector<1024x36xf32>
    %slice3A_1102 = vector.extract_strided_slice %reshape3A {offsets = [31, 0, 0], sizes = [1, 32, 1024], strides = [1, 1, 1]} : vector<64x32x1024xf32> to vector<1x32x1024xf32>
    %squeeze3A_1103 = vector.shape_cast %slice3A_1102 : vector<1x32x1024xf32> to vector<32x1024xf32>
    %dot_general3A_1104 = arith.constant dense<0.000000e+00> : vector<32x36xf32>
    %dot_general3A_1105 = tpu.matmul %squeeze3A_1103, %convert_element_type3A_1101, %dot_general3A_1104 {dimension_numbers = #tpu.dot_dimension_numbers<[1], [0], [0], [1], [0, 0, 1, 1], [], []>, precision = #tpu.contract_precision<fp32>, transpose_lhs_hint = false} : vector<32x1024xf32>, vector<1024x36xf32>, vector<32x36xf32> -> vector<32x36xf32>
    %slice3A_1106 = vector.extract_strided_slice %dot_general3A_1105 {offsets = [0, 0], sizes = [8, 36], strides = [1, 1]} : vector<32x36xf32> to vector<8x36xf32>
    %slice3A_1107 = vector.extract_strided_slice %dot_general3A_1105 {offsets = [8, 0], sizes = [8, 36], strides = [1, 1]} : vector<32x36xf32> to vector<8x36xf32>
    %slice3A_1108 = vector.extract_strided_slice %dot_general3A_1105 {offsets = [16, 0], sizes = [8, 36], strides = [1, 1]} : vector<32x36xf32> to vector<8x36xf32>
    %slice3A_1109 = vector.extract_strided_slice %dot_general3A_1105 {offsets = [24, 0], sizes = [8, 36], strides = [1, 1]} : vector<32x36xf32> to vector<8x36xf32>
    %concatenate3A_1110 = tpu.concatenate %slice3A_1106, %slice3A_1107, %slice3A_1108, %slice3A_1109 in 1 : vector<8x36xf32>, vector<8x36xf32>, vector<8x36xf32>, vector<8x36xf32> -> vector<8x144xf32>
    %broadcast_in_dim3A_1111 = vector.shape_cast %concatenate3A_1110 : vector<8x144xf32> to vector<1x8x144xf32>
    %slice3A_1112 = vector.extract_strided_slice %convert_element_type3A_570 {offsets = [32, 0], sizes = [1, 36], strides = [1, 1]} : vector<64x36xi32> to vector<1x36xi32>
    %squeeze3A_1113 = vector.shape_cast %slice3A_1112 : vector<1x36xi32> to vector<36xi32>
    %broadcast_in_dim3A_1114 = vector.shape_cast %squeeze3A_1113 : vector<36xi32> to vector<1x36xi32>
    %eq3A_1115 = vector.broadcast %broadcast_in_dim3A_1114 : vector<1x36xi32> to vector<1024x36xi32>
    %eq3A_1116 = arith.cmpi eq, %iota3A_569, %eq3A_1115 : vector<1024x36xi32>
    %convert_element_type3A_1117 = arith.extui %eq3A_1116 : vector<1024x36xi1> to vector<1024x36xi32>
    %convert_element_type3A_1118 = arith.sitofp %convert_element_type3A_1117 : vector<1024x36xi32> to vector<1024x36xf32>
    %slice3A_1119 = vector.extract_strided_slice %reshape3A {offsets = [32, 0, 0], sizes = [1, 32, 1024], strides = [1, 1, 1]} : vector<64x32x1024xf32> to vector<1x32x1024xf32>
    %squeeze3A_1120 = vector.shape_cast %slice3A_1119 : vector<1x32x1024xf32> to vector<32x1024xf32>
    %dot_general3A_1121 = arith.constant dense<0.000000e+00> : vector<32x36xf32>
    %dot_general3A_1122 = tpu.matmul %squeeze3A_1120, %convert_element_type3A_1118, %dot_general3A_1121 {dimension_numbers = #tpu.dot_dimension_numbers<[1], [0], [0], [1], [0, 0, 1, 1], [], []>, precision = #tpu.contract_precision<fp32>, transpose_lhs_hint = false} : vector<32x1024xf32>, vector<1024x36xf32>, vector<32x36xf32> -> vector<32x36xf32>
    %slice3A_1123 = vector.extract_strided_slice %dot_general3A_1122 {offsets = [0, 0], sizes = [8, 36], strides = [1, 1]} : vector<32x36xf32> to vector<8x36xf32>
    %slice3A_1124 = vector.extract_strided_slice %dot_general3A_1122 {offsets = [8, 0], sizes = [8, 36], strides = [1, 1]} : vector<32x36xf32> to vector<8x36xf32>
    %slice3A_1125 = vector.extract_strided_slice %dot_general3A_1122 {offsets = [16, 0], sizes = [8, 36], strides = [1, 1]} : vector<32x36xf32> to vector<8x36xf32>
    %slice3A_1126 = vector.extract_strided_slice %dot_general3A_1122 {offsets = [24, 0], sizes = [8, 36], strides = [1, 1]} : vector<32x36xf32> to vector<8x36xf32>
    %concatenate3A_1127 = tpu.concatenate %slice3A_1123, %slice3A_1124, %slice3A_1125, %slice3A_1126 in 1 : vector<8x36xf32>, vector<8x36xf32>, vector<8x36xf32>, vector<8x36xf32> -> vector<8x144xf32>
    %broadcast_in_dim3A_1128 = vector.shape_cast %concatenate3A_1127 : vector<8x144xf32> to vector<1x8x144xf32>
    %slice3A_1129 = vector.extract_strided_slice %convert_element_type3A_570 {offsets = [33, 0], sizes = [1, 36], strides = [1, 1]} : vector<64x36xi32> to vector<1x36xi32>
    %squeeze3A_1130 = vector.shape_cast %slice3A_1129 : vector<1x36xi32> to vector<36xi32>
    %broadcast_in_dim3A_1131 = vector.shape_cast %squeeze3A_1130 : vector<36xi32> to vector<1x36xi32>
    %eq3A_1132 = vector.broadcast %broadcast_in_dim3A_1131 : vector<1x36xi32> to vector<1024x36xi32>
    %eq3A_1133 = arith.cmpi eq, %iota3A_569, %eq3A_1132 : vector<1024x36xi32>
    %convert_element_type3A_1134 = arith.extui %eq3A_1133 : vector<1024x36xi1> to vector<1024x36xi32>
    %convert_element_type3A_1135 = arith.sitofp %convert_element_type3A_1134 : vector<1024x36xi32> to vector<1024x36xf32>
    %slice3A_1136 = vector.extract_strided_slice %reshape3A {offsets = [33, 0, 0], sizes = [1, 32, 1024], strides = [1, 1, 1]} : vector<64x32x1024xf32> to vector<1x32x1024xf32>
    %squeeze3A_1137 = vector.shape_cast %slice3A_1136 : vector<1x32x1024xf32> to vector<32x1024xf32>
    %dot_general3A_1138 = arith.constant dense<0.000000e+00> : vector<32x36xf32>
    %dot_general3A_1139 = tpu.matmul %squeeze3A_1137, %convert_element_type3A_1135, %dot_general3A_1138 {dimension_numbers = #tpu.dot_dimension_numbers<[1], [0], [0], [1], [0, 0, 1, 1], [], []>, precision = #tpu.contract_precision<fp32>, transpose_lhs_hint = false} : vector<32x1024xf32>, vector<1024x36xf32>, vector<32x36xf32> -> vector<32x36xf32>
    %slice3A_1140 = vector.extract_strided_slice %dot_general3A_1139 {offsets = [0, 0], sizes = [8, 36], strides = [1, 1]} : vector<32x36xf32> to vector<8x36xf32>
    %slice3A_1141 = vector.extract_strided_slice %dot_general3A_1139 {offsets = [8, 0], sizes = [8, 36], strides = [1, 1]} : vector<32x36xf32> to vector<8x36xf32>
    %slice3A_1142 = vector.extract_strided_slice %dot_general3A_1139 {offsets = [16, 0], sizes = [8, 36], strides = [1, 1]} : vector<32x36xf32> to vector<8x36xf32>
    %slice3A_1143 = vector.extract_strided_slice %dot_general3A_1139 {offsets = [24, 0], sizes = [8, 36], strides = [1, 1]} : vector<32x36xf32> to vector<8x36xf32>
    %concatenate3A_1144 = tpu.concatenate %slice3A_1140, %slice3A_1141, %slice3A_1142, %slice3A_1143 in 1 : vector<8x36xf32>, vector<8x36xf32>, vector<8x36xf32>, vector<8x36xf32> -> vector<8x144xf32>
    %broadcast_in_dim3A_1145 = vector.shape_cast %concatenate3A_1144 : vector<8x144xf32> to vector<1x8x144xf32>
    %slice3A_1146 = vector.extract_strided_slice %convert_element_type3A_570 {offsets = [34, 0], sizes = [1, 36], strides = [1, 1]} : vector<64x36xi32> to vector<1x36xi32>
    %squeeze3A_1147 = vector.shape_cast %slice3A_1146 : vector<1x36xi32> to vector<36xi32>
    %broadcast_in_dim3A_1148 = vector.shape_cast %squeeze3A_1147 : vector<36xi32> to vector<1x36xi32>
    %eq3A_1149 = vector.broadcast %broadcast_in_dim3A_1148 : vector<1x36xi32> to vector<1024x36xi32>
    %eq3A_1150 = arith.cmpi eq, %iota3A_569, %eq3A_1149 : vector<1024x36xi32>
    %convert_element_type3A_1151 = arith.extui %eq3A_1150 : vector<1024x36xi1> to vector<1024x36xi32>
    %convert_element_type3A_1152 = arith.sitofp %convert_element_type3A_1151 : vector<1024x36xi32> to vector<1024x36xf32>
    %slice3A_1153 = vector.extract_strided_slice %reshape3A {offsets = [34, 0, 0], sizes = [1, 32, 1024], strides = [1, 1, 1]} : vector<64x32x1024xf32> to vector<1x32x1024xf32>
    %squeeze3A_1154 = vector.shape_cast %slice3A_1153 : vector<1x32x1024xf32> to vector<32x1024xf32>
    %dot_general3A_1155 = arith.constant dense<0.000000e+00> : vector<32x36xf32>
    %dot_general3A_1156 = tpu.matmul %squeeze3A_1154, %convert_element_type3A_1152, %dot_general3A_1155 {dimension_numbers = #tpu.dot_dimension_numbers<[1], [0], [0], [1], [0, 0, 1, 1], [], []>, precision = #tpu.contract_precision<fp32>, transpose_lhs_hint = false} : vector<32x1024xf32>, vector<1024x36xf32>, vector<32x36xf32> -> vector<32x36xf32>
    %slice3A_1157 = vector.extract_strided_slice %dot_general3A_1156 {offsets = [0, 0], sizes = [8, 36], strides = [1, 1]} : vector<32x36xf32> to vector<8x36xf32>
    %slice3A_1158 = vector.extract_strided_slice %dot_general3A_1156 {offsets = [8, 0], sizes = [8, 36], strides = [1, 1]} : vector<32x36xf32> to vector<8x36xf32>
    %slice3A_1159 = vector.extract_strided_slice %dot_general3A_1156 {offsets = [16, 0], sizes = [8, 36], strides = [1, 1]} : vector<32x36xf32> to vector<8x36xf32>
    %slice3A_1160 = vector.extract_strided_slice %dot_general3A_1156 {offsets = [24, 0], sizes = [8, 36], strides = [1, 1]} : vector<32x36xf32> to vector<8x36xf32>
    %concatenate3A_1161 = tpu.concatenate %slice3A_1157, %slice3A_1158, %slice3A_1159, %slice3A_1160 in 1 : vector<8x36xf32>, vector<8x36xf32>, vector<8x36xf32>, vector<8x36xf32> -> vector<8x144xf32>
    %broadcast_in_dim3A_1162 = vector.shape_cast %concatenate3A_1161 : vector<8x144xf32> to vector<1x8x144xf32>
    %slice3A_1163 = vector.extract_strided_slice %convert_element_type3A_570 {offsets = [35, 0], sizes = [1, 36], strides = [1, 1]} : vector<64x36xi32> to vector<1x36xi32>
    %squeeze3A_1164 = vector.shape_cast %slice3A_1163 : vector<1x36xi32> to vector<36xi32>
    %broadcast_in_dim3A_1165 = vector.shape_cast %squeeze3A_1164 : vector<36xi32> to vector<1x36xi32>
    %eq3A_1166 = vector.broadcast %broadcast_in_dim3A_1165 : vector<1x36xi32> to vector<1024x36xi32>
    %eq3A_1167 = arith.cmpi eq, %iota3A_569, %eq3A_1166 : vector<1024x36xi32>
    %convert_element_type3A_1168 = arith.extui %eq3A_1167 : vector<1024x36xi1> to vector<1024x36xi32>
    %convert_element_type3A_1169 = arith.sitofp %convert_element_type3A_1168 : vector<1024x36xi32> to vector<1024x36xf32>
    %slice3A_1170 = vector.extract_strided_slice %reshape3A {offsets = [35, 0, 0], sizes = [1, 32, 1024], strides = [1, 1, 1]} : vector<64x32x1024xf32> to vector<1x32x1024xf32>
    %squeeze3A_1171 = vector.shape_cast %slice3A_1170 : vector<1x32x1024xf32> to vector<32x1024xf32>
    %dot_general3A_1172 = arith.constant dense<0.000000e+00> : vector<32x36xf32>
    %dot_general3A_1173 = tpu.matmul %squeeze3A_1171, %convert_element_type3A_1169, %dot_general3A_1172 {dimension_numbers = #tpu.dot_dimension_numbers<[1], [0], [0], [1], [0, 0, 1, 1], [], []>, precision = #tpu.contract_precision<fp32>, transpose_lhs_hint = false} : vector<32x1024xf32>, vector<1024x36xf32>, vector<32x36xf32> -> vector<32x36xf32>
    %slice3A_1174 = vector.extract_strided_slice %dot_general3A_1173 {offsets = [0, 0], sizes = [8, 36], strides = [1, 1]} : vector<32x36xf32> to vector<8x36xf32>
    %slice3A_1175 = vector.extract_strided_slice %dot_general3A_1173 {offsets = [8, 0], sizes = [8, 36], strides = [1, 1]} : vector<32x36xf32> to vector<8x36xf32>
    %slice3A_1176 = vector.extract_strided_slice %dot_general3A_1173 {offsets = [16, 0], sizes = [8, 36], strides = [1, 1]} : vector<32x36xf32> to vector<8x36xf32>
    %slice3A_1177 = vector.extract_strided_slice %dot_general3A_1173 {offsets = [24, 0], sizes = [8, 36], strides = [1, 1]} : vector<32x36xf32> to vector<8x36xf32>
    %concatenate3A_1178 = tpu.concatenate %slice3A_1174, %slice3A_1175, %slice3A_1176, %slice3A_1177 in 1 : vector<8x36xf32>, vector<8x36xf32>, vector<8x36xf32>, vector<8x36xf32> -> vector<8x144xf32>
    %broadcast_in_dim3A_1179 = vector.shape_cast %concatenate3A_1178 : vector<8x144xf32> to vector<1x8x144xf32>
    %slice3A_1180 = vector.extract_strided_slice %convert_element_type3A_570 {offsets = [36, 0], sizes = [1, 36], strides = [1, 1]} : vector<64x36xi32> to vector<1x36xi32>
    %squeeze3A_1181 = vector.shape_cast %slice3A_1180 : vector<1x36xi32> to vector<36xi32>
    %broadcast_in_dim3A_1182 = vector.shape_cast %squeeze3A_1181 : vector<36xi32> to vector<1x36xi32>
    %eq3A_1183 = vector.broadcast %broadcast_in_dim3A_1182 : vector<1x36xi32> to vector<1024x36xi32>
    %eq3A_1184 = arith.cmpi eq, %iota3A_569, %eq3A_1183 : vector<1024x36xi32>
    %convert_element_type3A_1185 = arith.extui %eq3A_1184 : vector<1024x36xi1> to vector<1024x36xi32>
    %convert_element_type3A_1186 = arith.sitofp %convert_element_type3A_1185 : vector<1024x36xi32> to vector<1024x36xf32>
    %slice3A_1187 = vector.extract_strided_slice %reshape3A {offsets = [36, 0, 0], sizes = [1, 32, 1024], strides = [1, 1, 1]} : vector<64x32x1024xf32> to vector<1x32x1024xf32>
    %squeeze3A_1188 = vector.shape_cast %slice3A_1187 : vector<1x32x1024xf32> to vector<32x1024xf32>
    %dot_general3A_1189 = arith.constant dense<0.000000e+00> : vector<32x36xf32>
    %dot_general3A_1190 = tpu.matmul %squeeze3A_1188, %convert_element_type3A_1186, %dot_general3A_1189 {dimension_numbers = #tpu.dot_dimension_numbers<[1], [0], [0], [1], [0, 0, 1, 1], [], []>, precision = #tpu.contract_precision<fp32>, transpose_lhs_hint = false} : vector<32x1024xf32>, vector<1024x36xf32>, vector<32x36xf32> -> vector<32x36xf32>
    %slice3A_1191 = vector.extract_strided_slice %dot_general3A_1190 {offsets = [0, 0], sizes = [8, 36], strides = [1, 1]} : vector<32x36xf32> to vector<8x36xf32>
    %slice3A_1192 = vector.extract_strided_slice %dot_general3A_1190 {offsets = [8, 0], sizes = [8, 36], strides = [1, 1]} : vector<32x36xf32> to vector<8x36xf32>
    %slice3A_1193 = vector.extract_strided_slice %dot_general3A_1190 {offsets = [16, 0], sizes = [8, 36], strides = [1, 1]} : vector<32x36xf32> to vector<8x36xf32>
    %slice3A_1194 = vector.extract_strided_slice %dot_general3A_1190 {offsets = [24, 0], sizes = [8, 36], strides = [1, 1]} : vector<32x36xf32> to vector<8x36xf32>
    %concatenate3A_1195 = tpu.concatenate %slice3A_1191, %slice3A_1192, %slice3A_1193, %slice3A_1194 in 1 : vector<8x36xf32>, vector<8x36xf32>, vector<8x36xf32>, vector<8x36xf32> -> vector<8x144xf32>
    %broadcast_in_dim3A_1196 = vector.shape_cast %concatenate3A_1195 : vector<8x144xf32> to vector<1x8x144xf32>
    %slice3A_1197 = vector.extract_strided_slice %convert_element_type3A_570 {offsets = [37, 0], sizes = [1, 36], strides = [1, 1]} : vector<64x36xi32> to vector<1x36xi32>
    %squeeze3A_1198 = vector.shape_cast %slice3A_1197 : vector<1x36xi32> to vector<36xi32>
    %broadcast_in_dim3A_1199 = vector.shape_cast %squeeze3A_1198 : vector<36xi32> to vector<1x36xi32>
    %eq3A_1200 = vector.broadcast %broadcast_in_dim3A_1199 : vector<1x36xi32> to vector<1024x36xi32>
    %eq3A_1201 = arith.cmpi eq, %iota3A_569, %eq3A_1200 : vector<1024x36xi32>
    %convert_element_type3A_1202 = arith.extui %eq3A_1201 : vector<1024x36xi1> to vector<1024x36xi32>
    %convert_element_type3A_1203 = arith.sitofp %convert_element_type3A_1202 : vector<1024x36xi32> to vector<1024x36xf32>
    %slice3A_1204 = vector.extract_strided_slice %reshape3A {offsets = [37, 0, 0], sizes = [1, 32, 1024], strides = [1, 1, 1]} : vector<64x32x1024xf32> to vector<1x32x1024xf32>
    %squeeze3A_1205 = vector.shape_cast %slice3A_1204 : vector<1x32x1024xf32> to vector<32x1024xf32>
    %dot_general3A_1206 = arith.constant dense<0.000000e+00> : vector<32x36xf32>
    %dot_general3A_1207 = tpu.matmul %squeeze3A_1205, %convert_element_type3A_1203, %dot_general3A_1206 {dimension_numbers = #tpu.dot_dimension_numbers<[1], [0], [0], [1], [0, 0, 1, 1], [], []>, precision = #tpu.contract_precision<fp32>, transpose_lhs_hint = false} : vector<32x1024xf32>, vector<1024x36xf32>, vector<32x36xf32> -> vector<32x36xf32>
    %slice3A_1208 = vector.extract_strided_slice %dot_general3A_1207 {offsets = [0, 0], sizes = [8, 36], strides = [1, 1]} : vector<32x36xf32> to vector<8x36xf32>
    %slice3A_1209 = vector.extract_strided_slice %dot_general3A_1207 {offsets = [8, 0], sizes = [8, 36], strides = [1, 1]} : vector<32x36xf32> to vector<8x36xf32>
    %slice3A_1210 = vector.extract_strided_slice %dot_general3A_1207 {offsets = [16, 0], sizes = [8, 36], strides = [1, 1]} : vector<32x36xf32> to vector<8x36xf32>
    %slice3A_1211 = vector.extract_strided_slice %dot_general3A_1207 {offsets = [24, 0], sizes = [8, 36], strides = [1, 1]} : vector<32x36xf32> to vector<8x36xf32>
    %concatenate3A_1212 = tpu.concatenate %slice3A_1208, %slice3A_1209, %slice3A_1210, %slice3A_1211 in 1 : vector<8x36xf32>, vector<8x36xf32>, vector<8x36xf32>, vector<8x36xf32> -> vector<8x144xf32>
    %broadcast_in_dim3A_1213 = vector.shape_cast %concatenate3A_1212 : vector<8x144xf32> to vector<1x8x144xf32>
    %slice3A_1214 = vector.extract_strided_slice %convert_element_type3A_570 {offsets = [38, 0], sizes = [1, 36], strides = [1, 1]} : vector<64x36xi32> to vector<1x36xi32>
    %squeeze3A_1215 = vector.shape_cast %slice3A_1214 : vector<1x36xi32> to vector<36xi32>
    %broadcast_in_dim3A_1216 = vector.shape_cast %squeeze3A_1215 : vector<36xi32> to vector<1x36xi32>
    %eq3A_1217 = vector.broadcast %broadcast_in_dim3A_1216 : vector<1x36xi32> to vector<1024x36xi32>
    %eq3A_1218 = arith.cmpi eq, %iota3A_569, %eq3A_1217 : vector<1024x36xi32>
    %convert_element_type3A_1219 = arith.extui %eq3A_1218 : vector<1024x36xi1> to vector<1024x36xi32>
    %convert_element_type3A_1220 = arith.sitofp %convert_element_type3A_1219 : vector<1024x36xi32> to vector<1024x36xf32>
    %slice3A_1221 = vector.extract_strided_slice %reshape3A {offsets = [38, 0, 0], sizes = [1, 32, 1024], strides = [1, 1, 1]} : vector<64x32x1024xf32> to vector<1x32x1024xf32>
    %squeeze3A_1222 = vector.shape_cast %slice3A_1221 : vector<1x32x1024xf32> to vector<32x1024xf32>
    %dot_general3A_1223 = arith.constant dense<0.000000e+00> : vector<32x36xf32>
    %dot_general3A_1224 = tpu.matmul %squeeze3A_1222, %convert_element_type3A_1220, %dot_general3A_1223 {dimension_numbers = #tpu.dot_dimension_numbers<[1], [0], [0], [1], [0, 0, 1, 1], [], []>, precision = #tpu.contract_precision<fp32>, transpose_lhs_hint = false} : vector<32x1024xf32>, vector<1024x36xf32>, vector<32x36xf32> -> vector<32x36xf32>
    %slice3A_1225 = vector.extract_strided_slice %dot_general3A_1224 {offsets = [0, 0], sizes = [8, 36], strides = [1, 1]} : vector<32x36xf32> to vector<8x36xf32>
    %slice3A_1226 = vector.extract_strided_slice %dot_general3A_1224 {offsets = [8, 0], sizes = [8, 36], strides = [1, 1]} : vector<32x36xf32> to vector<8x36xf32>
    %slice3A_1227 = vector.extract_strided_slice %dot_general3A_1224 {offsets = [16, 0], sizes = [8, 36], strides = [1, 1]} : vector<32x36xf32> to vector<8x36xf32>
    %slice3A_1228 = vector.extract_strided_slice %dot_general3A_1224 {offsets = [24, 0], sizes = [8, 36], strides = [1, 1]} : vector<32x36xf32> to vector<8x36xf32>
    %concatenate3A_1229 = tpu.concatenate %slice3A_1225, %slice3A_1226, %slice3A_1227, %slice3A_1228 in 1 : vector<8x36xf32>, vector<8x36xf32>, vector<8x36xf32>, vector<8x36xf32> -> vector<8x144xf32>
    %broadcast_in_dim3A_1230 = vector.shape_cast %concatenate3A_1229 : vector<8x144xf32> to vector<1x8x144xf32>
    %slice3A_1231 = vector.extract_strided_slice %convert_element_type3A_570 {offsets = [39, 0], sizes = [1, 36], strides = [1, 1]} : vector<64x36xi32> to vector<1x36xi32>
    %squeeze3A_1232 = vector.shape_cast %slice3A_1231 : vector<1x36xi32> to vector<36xi32>
    %broadcast_in_dim3A_1233 = vector.shape_cast %squeeze3A_1232 : vector<36xi32> to vector<1x36xi32>
    %eq3A_1234 = vector.broadcast %broadcast_in_dim3A_1233 : vector<1x36xi32> to vector<1024x36xi32>
    %eq3A_1235 = arith.cmpi eq, %iota3A_569, %eq3A_1234 : vector<1024x36xi32>
    %convert_element_type3A_1236 = arith.extui %eq3A_1235 : vector<1024x36xi1> to vector<1024x36xi32>
    %convert_element_type3A_1237 = arith.sitofp %convert_element_type3A_1236 : vector<1024x36xi32> to vector<1024x36xf32>
    %slice3A_1238 = vector.extract_strided_slice %reshape3A {offsets = [39, 0, 0], sizes = [1, 32, 1024], strides = [1, 1, 1]} : vector<64x32x1024xf32> to vector<1x32x1024xf32>
    %squeeze3A_1239 = vector.shape_cast %slice3A_1238 : vector<1x32x1024xf32> to vector<32x1024xf32>
    %dot_general3A_1240 = arith.constant dense<0.000000e+00> : vector<32x36xf32>
    %dot_general3A_1241 = tpu.matmul %squeeze3A_1239, %convert_element_type3A_1237, %dot_general3A_1240 {dimension_numbers = #tpu.dot_dimension_numbers<[1], [0], [0], [1], [0, 0, 1, 1], [], []>, precision = #tpu.contract_precision<fp32>, transpose_lhs_hint = false} : vector<32x1024xf32>, vector<1024x36xf32>, vector<32x36xf32> -> vector<32x36xf32>
    %slice3A_1242 = vector.extract_strided_slice %dot_general3A_1241 {offsets = [0, 0], sizes = [8, 36], strides = [1, 1]} : vector<32x36xf32> to vector<8x36xf32>
    %slice3A_1243 = vector.extract_strided_slice %dot_general3A_1241 {offsets = [8, 0], sizes = [8, 36], strides = [1, 1]} : vector<32x36xf32> to vector<8x36xf32>
    %slice3A_1244 = vector.extract_strided_slice %dot_general3A_1241 {offsets = [16, 0], sizes = [8, 36], strides = [1, 1]} : vector<32x36xf32> to vector<8x36xf32>
    %slice3A_1245 = vector.extract_strided_slice %dot_general3A_1241 {offsets = [24, 0], sizes = [8, 36], strides = [1, 1]} : vector<32x36xf32> to vector<8x36xf32>
    %concatenate3A_1246 = tpu.concatenate %slice3A_1242, %slice3A_1243, %slice3A_1244, %slice3A_1245 in 1 : vector<8x36xf32>, vector<8x36xf32>, vector<8x36xf32>, vector<8x36xf32> -> vector<8x144xf32>
    %broadcast_in_dim3A_1247 = vector.shape_cast %concatenate3A_1246 : vector<8x144xf32> to vector<1x8x144xf32>
    %slice3A_1248 = vector.extract_strided_slice %convert_element_type3A_570 {offsets = [40, 0], sizes = [1, 36], strides = [1, 1]} : vector<64x36xi32> to vector<1x36xi32>
    %squeeze3A_1249 = vector.shape_cast %slice3A_1248 : vector<1x36xi32> to vector<36xi32>
    %broadcast_in_dim3A_1250 = vector.shape_cast %squeeze3A_1249 : vector<36xi32> to vector<1x36xi32>
    %eq3A_1251 = vector.broadcast %broadcast_in_dim3A_1250 : vector<1x36xi32> to vector<1024x36xi32>
    %eq3A_1252 = arith.cmpi eq, %iota3A_569, %eq3A_1251 : vector<1024x36xi32>
    %convert_element_type3A_1253 = arith.extui %eq3A_1252 : vector<1024x36xi1> to vector<1024x36xi32>
    %convert_element_type3A_1254 = arith.sitofp %convert_element_type3A_1253 : vector<1024x36xi32> to vector<1024x36xf32>
    %slice3A_1255 = vector.extract_strided_slice %reshape3A {offsets = [40, 0, 0], sizes = [1, 32, 1024], strides = [1, 1, 1]} : vector<64x32x1024xf32> to vector<1x32x1024xf32>
    %squeeze3A_1256 = vector.shape_cast %slice3A_1255 : vector<1x32x1024xf32> to vector<32x1024xf32>
    %dot_general3A_1257 = arith.constant dense<0.000000e+00> : vector<32x36xf32>
    %dot_general3A_1258 = tpu.matmul %squeeze3A_1256, %convert_element_type3A_1254, %dot_general3A_1257 {dimension_numbers = #tpu.dot_dimension_numbers<[1], [0], [0], [1], [0, 0, 1, 1], [], []>, precision = #tpu.contract_precision<fp32>, transpose_lhs_hint = false} : vector<32x1024xf32>, vector<1024x36xf32>, vector<32x36xf32> -> vector<32x36xf32>
    %slice3A_1259 = vector.extract_strided_slice %dot_general3A_1258 {offsets = [0, 0], sizes = [8, 36], strides = [1, 1]} : vector<32x36xf32> to vector<8x36xf32>
    %slice3A_1260 = vector.extract_strided_slice %dot_general3A_1258 {offsets = [8, 0], sizes = [8, 36], strides = [1, 1]} : vector<32x36xf32> to vector<8x36xf32>
    %slice3A_1261 = vector.extract_strided_slice %dot_general3A_1258 {offsets = [16, 0], sizes = [8, 36], strides = [1, 1]} : vector<32x36xf32> to vector<8x36xf32>
    %slice3A_1262 = vector.extract_strided_slice %dot_general3A_1258 {offsets = [24, 0], sizes = [8, 36], strides = [1, 1]} : vector<32x36xf32> to vector<8x36xf32>
    %concatenate3A_1263 = tpu.concatenate %slice3A_1259, %slice3A_1260, %slice3A_1261, %slice3A_1262 in 1 : vector<8x36xf32>, vector<8x36xf32>, vector<8x36xf32>, vector<8x36xf32> -> vector<8x144xf32>
    %broadcast_in_dim3A_1264 = vector.shape_cast %concatenate3A_1263 : vector<8x144xf32> to vector<1x8x144xf32>
    %slice3A_1265 = vector.extract_strided_slice %convert_element_type3A_570 {offsets = [41, 0], sizes = [1, 36], strides = [1, 1]} : vector<64x36xi32> to vector<1x36xi32>
    %squeeze3A_1266 = vector.shape_cast %slice3A_1265 : vector<1x36xi32> to vector<36xi32>
    %broadcast_in_dim3A_1267 = vector.shape_cast %squeeze3A_1266 : vector<36xi32> to vector<1x36xi32>
    %eq3A_1268 = vector.broadcast %broadcast_in_dim3A_1267 : vector<1x36xi32> to vector<1024x36xi32>
    %eq3A_1269 = arith.cmpi eq, %iota3A_569, %eq3A_1268 : vector<1024x36xi32>
    %convert_element_type3A_1270 = arith.extui %eq3A_1269 : vector<1024x36xi1> to vector<1024x36xi32>
    %convert_element_type3A_1271 = arith.sitofp %convert_element_type3A_1270 : vector<1024x36xi32> to vector<1024x36xf32>
    %slice3A_1272 = vector.extract_strided_slice %reshape3A {offsets = [41, 0, 0], sizes = [1, 32, 1024], strides = [1, 1, 1]} : vector<64x32x1024xf32> to vector<1x32x1024xf32>
    %squeeze3A_1273 = vector.shape_cast %slice3A_1272 : vector<1x32x1024xf32> to vector<32x1024xf32>
    %dot_general3A_1274 = arith.constant dense<0.000000e+00> : vector<32x36xf32>
    %dot_general3A_1275 = tpu.matmul %squeeze3A_1273, %convert_element_type3A_1271, %dot_general3A_1274 {dimension_numbers = #tpu.dot_dimension_numbers<[1], [0], [0], [1], [0, 0, 1, 1], [], []>, precision = #tpu.contract_precision<fp32>, transpose_lhs_hint = false} : vector<32x1024xf32>, vector<1024x36xf32>, vector<32x36xf32> -> vector<32x36xf32>
    %slice3A_1276 = vector.extract_strided_slice %dot_general3A_1275 {offsets = [0, 0], sizes = [8, 36], strides = [1, 1]} : vector<32x36xf32> to vector<8x36xf32>
    %slice3A_1277 = vector.extract_strided_slice %dot_general3A_1275 {offsets = [8, 0], sizes = [8, 36], strides = [1, 1]} : vector<32x36xf32> to vector<8x36xf32>
    %slice3A_1278 = vector.extract_strided_slice %dot_general3A_1275 {offsets = [16, 0], sizes = [8, 36], strides = [1, 1]} : vector<32x36xf32> to vector<8x36xf32>
    %slice3A_1279 = vector.extract_strided_slice %dot_general3A_1275 {offsets = [24, 0], sizes = [8, 36], strides = [1, 1]} : vector<32x36xf32> to vector<8x36xf32>
    %concatenate3A_1280 = tpu.concatenate %slice3A_1276, %slice3A_1277, %slice3A_1278, %slice3A_1279 in 1 : vector<8x36xf32>, vector<8x36xf32>, vector<8x36xf32>, vector<8x36xf32> -> vector<8x144xf32>
    %broadcast_in_dim3A_1281 = vector.shape_cast %concatenate3A_1280 : vector<8x144xf32> to vector<1x8x144xf32>
    %slice3A_1282 = vector.extract_strided_slice %convert_element_type3A_570 {offsets = [42, 0], sizes = [1, 36], strides = [1, 1]} : vector<64x36xi32> to vector<1x36xi32>
    %squeeze3A_1283 = vector.shape_cast %slice3A_1282 : vector<1x36xi32> to vector<36xi32>
    %broadcast_in_dim3A_1284 = vector.shape_cast %squeeze3A_1283 : vector<36xi32> to vector<1x36xi32>
    %eq3A_1285 = vector.broadcast %broadcast_in_dim3A_1284 : vector<1x36xi32> to vector<1024x36xi32>
    %eq3A_1286 = arith.cmpi eq, %iota3A_569, %eq3A_1285 : vector<1024x36xi32>
    %convert_element_type3A_1287 = arith.extui %eq3A_1286 : vector<1024x36xi1> to vector<1024x36xi32>
    %convert_element_type3A_1288 = arith.sitofp %convert_element_type3A_1287 : vector<1024x36xi32> to vector<1024x36xf32>
    %slice3A_1289 = vector.extract_strided_slice %reshape3A {offsets = [42, 0, 0], sizes = [1, 32, 1024], strides = [1, 1, 1]} : vector<64x32x1024xf32> to vector<1x32x1024xf32>
    %squeeze3A_1290 = vector.shape_cast %slice3A_1289 : vector<1x32x1024xf32> to vector<32x1024xf32>
    %dot_general3A_1291 = arith.constant dense<0.000000e+00> : vector<32x36xf32>
    %dot_general3A_1292 = tpu.matmul %squeeze3A_1290, %convert_element_type3A_1288, %dot_general3A_1291 {dimension_numbers = #tpu.dot_dimension_numbers<[1], [0], [0], [1], [0, 0, 1, 1], [], []>, precision = #tpu.contract_precision<fp32>, transpose_lhs_hint = false} : vector<32x1024xf32>, vector<1024x36xf32>, vector<32x36xf32> -> vector<32x36xf32>
    %slice3A_1293 = vector.extract_strided_slice %dot_general3A_1292 {offsets = [0, 0], sizes = [8, 36], strides = [1, 1]} : vector<32x36xf32> to vector<8x36xf32>
    %slice3A_1294 = vector.extract_strided_slice %dot_general3A_1292 {offsets = [8, 0], sizes = [8, 36], strides = [1, 1]} : vector<32x36xf32> to vector<8x36xf32>
    %slice3A_1295 = vector.extract_strided_slice %dot_general3A_1292 {offsets = [16, 0], sizes = [8, 36], strides = [1, 1]} : vector<32x36xf32> to vector<8x36xf32>
    %slice3A_1296 = vector.extract_strided_slice %dot_general3A_1292 {offsets = [24, 0], sizes = [8, 36], strides = [1, 1]} : vector<32x36xf32> to vector<8x36xf32>
    %concatenate3A_1297 = tpu.concatenate %slice3A_1293, %slice3A_1294, %slice3A_1295, %slice3A_1296 in 1 : vector<8x36xf32>, vector<8x36xf32>, vector<8x36xf32>, vector<8x36xf32> -> vector<8x144xf32>
    %broadcast_in_dim3A_1298 = vector.shape_cast %concatenate3A_1297 : vector<8x144xf32> to vector<1x8x144xf32>
    %slice3A_1299 = vector.extract_strided_slice %convert_element_type3A_570 {offsets = [43, 0], sizes = [1, 36], strides = [1, 1]} : vector<64x36xi32> to vector<1x36xi32>
    %squeeze3A_1300 = vector.shape_cast %slice3A_1299 : vector<1x36xi32> to vector<36xi32>
    %broadcast_in_dim3A_1301 = vector.shape_cast %squeeze3A_1300 : vector<36xi32> to vector<1x36xi32>
    %eq3A_1302 = vector.broadcast %broadcast_in_dim3A_1301 : vector<1x36xi32> to vector<1024x36xi32>
    %eq3A_1303 = arith.cmpi eq, %iota3A_569, %eq3A_1302 : vector<1024x36xi32>
    %convert_element_type3A_1304 = arith.extui %eq3A_1303 : vector<1024x36xi1> to vector<1024x36xi32>
    %convert_element_type3A_1305 = arith.sitofp %convert_element_type3A_1304 : vector<1024x36xi32> to vector<1024x36xf32>
    %slice3A_1306 = vector.extract_strided_slice %reshape3A {offsets = [43, 0, 0], sizes = [1, 32, 1024], strides = [1, 1, 1]} : vector<64x32x1024xf32> to vector<1x32x1024xf32>
    %squeeze3A_1307 = vector.shape_cast %slice3A_1306 : vector<1x32x1024xf32> to vector<32x1024xf32>
    %dot_general3A_1308 = arith.constant dense<0.000000e+00> : vector<32x36xf32>
    %dot_general3A_1309 = tpu.matmul %squeeze3A_1307, %convert_element_type3A_1305, %dot_general3A_1308 {dimension_numbers = #tpu.dot_dimension_numbers<[1], [0], [0], [1], [0, 0, 1, 1], [], []>, precision = #tpu.contract_precision<fp32>, transpose_lhs_hint = false} : vector<32x1024xf32>, vector<1024x36xf32>, vector<32x36xf32> -> vector<32x36xf32>
    %slice3A_1310 = vector.extract_strided_slice %dot_general3A_1309 {offsets = [0, 0], sizes = [8, 36], strides = [1, 1]} : vector<32x36xf32> to vector<8x36xf32>
    %slice3A_1311 = vector.extract_strided_slice %dot_general3A_1309 {offsets = [8, 0], sizes = [8, 36], strides = [1, 1]} : vector<32x36xf32> to vector<8x36xf32>
    %slice3A_1312 = vector.extract_strided_slice %dot_general3A_1309 {offsets = [16, 0], sizes = [8, 36], strides = [1, 1]} : vector<32x36xf32> to vector<8x36xf32>
    %slice3A_1313 = vector.extract_strided_slice %dot_general3A_1309 {offsets = [24, 0], sizes = [8, 36], strides = [1, 1]} : vector<32x36xf32> to vector<8x36xf32>
    %concatenate3A_1314 = tpu.concatenate %slice3A_1310, %slice3A_1311, %slice3A_1312, %slice3A_1313 in 1 : vector<8x36xf32>, vector<8x36xf32>, vector<8x36xf32>, vector<8x36xf32> -> vector<8x144xf32>
    %broadcast_in_dim3A_1315 = vector.shape_cast %concatenate3A_1314 : vector<8x144xf32> to vector<1x8x144xf32>
    %slice3A_1316 = vector.extract_strided_slice %convert_element_type3A_570 {offsets = [44, 0], sizes = [1, 36], strides = [1, 1]} : vector<64x36xi32> to vector<1x36xi32>
    %squeeze3A_1317 = vector.shape_cast %slice3A_1316 : vector<1x36xi32> to vector<36xi32>
    %broadcast_in_dim3A_1318 = vector.shape_cast %squeeze3A_1317 : vector<36xi32> to vector<1x36xi32>
    %eq3A_1319 = vector.broadcast %broadcast_in_dim3A_1318 : vector<1x36xi32> to vector<1024x36xi32>
    %eq3A_1320 = arith.cmpi eq, %iota3A_569, %eq3A_1319 : vector<1024x36xi32>
    %convert_element_type3A_1321 = arith.extui %eq3A_1320 : vector<1024x36xi1> to vector<1024x36xi32>
    %convert_element_type3A_1322 = arith.sitofp %convert_element_type3A_1321 : vector<1024x36xi32> to vector<1024x36xf32>
    %slice3A_1323 = vector.extract_strided_slice %reshape3A {offsets = [44, 0, 0], sizes = [1, 32, 1024], strides = [1, 1, 1]} : vector<64x32x1024xf32> to vector<1x32x1024xf32>
    %squeeze3A_1324 = vector.shape_cast %slice3A_1323 : vector<1x32x1024xf32> to vector<32x1024xf32>
    %dot_general3A_1325 = arith.constant dense<0.000000e+00> : vector<32x36xf32>
    %dot_general3A_1326 = tpu.matmul %squeeze3A_1324, %convert_element_type3A_1322, %dot_general3A_1325 {dimension_numbers = #tpu.dot_dimension_numbers<[1], [0], [0], [1], [0, 0, 1, 1], [], []>, precision = #tpu.contract_precision<fp32>, transpose_lhs_hint = false} : vector<32x1024xf32>, vector<1024x36xf32>, vector<32x36xf32> -> vector<32x36xf32>
    %slice3A_1327 = vector.extract_strided_slice %dot_general3A_1326 {offsets = [0, 0], sizes = [8, 36], strides = [1, 1]} : vector<32x36xf32> to vector<8x36xf32>
    %slice3A_1328 = vector.extract_strided_slice %dot_general3A_1326 {offsets = [8, 0], sizes = [8, 36], strides = [1, 1]} : vector<32x36xf32> to vector<8x36xf32>
    %slice3A_1329 = vector.extract_strided_slice %dot_general3A_1326 {offsets = [16, 0], sizes = [8, 36], strides = [1, 1]} : vector<32x36xf32> to vector<8x36xf32>
    %slice3A_1330 = vector.extract_strided_slice %dot_general3A_1326 {offsets = [24, 0], sizes = [8, 36], strides = [1, 1]} : vector<32x36xf32> to vector<8x36xf32>
    %concatenate3A_1331 = tpu.concatenate %slice3A_1327, %slice3A_1328, %slice3A_1329, %slice3A_1330 in 1 : vector<8x36xf32>, vector<8x36xf32>, vector<8x36xf32>, vector<8x36xf32> -> vector<8x144xf32>
    %broadcast_in_dim3A_1332 = vector.shape_cast %concatenate3A_1331 : vector<8x144xf32> to vector<1x8x144xf32>
    %slice3A_1333 = vector.extract_strided_slice %convert_element_type3A_570 {offsets = [45, 0], sizes = [1, 36], strides = [1, 1]} : vector<64x36xi32> to vector<1x36xi32>
    %squeeze3A_1334 = vector.shape_cast %slice3A_1333 : vector<1x36xi32> to vector<36xi32>
    %broadcast_in_dim3A_1335 = vector.shape_cast %squeeze3A_1334 : vector<36xi32> to vector<1x36xi32>
    %eq3A_1336 = vector.broadcast %broadcast_in_dim3A_1335 : vector<1x36xi32> to vector<1024x36xi32>
    %eq3A_1337 = arith.cmpi eq, %iota3A_569, %eq3A_1336 : vector<1024x36xi32>
    %convert_element_type3A_1338 = arith.extui %eq3A_1337 : vector<1024x36xi1> to vector<1024x36xi32>
    %convert_element_type3A_1339 = arith.sitofp %convert_element_type3A_1338 : vector<1024x36xi32> to vector<1024x36xf32>
    %slice3A_1340 = vector.extract_strided_slice %reshape3A {offsets = [45, 0, 0], sizes = [1, 32, 1024], strides = [1, 1, 1]} : vector<64x32x1024xf32> to vector<1x32x1024xf32>
    %squeeze3A_1341 = vector.shape_cast %slice3A_1340 : vector<1x32x1024xf32> to vector<32x1024xf32>
    %dot_general3A_1342 = arith.constant dense<0.000000e+00> : vector<32x36xf32>
    %dot_general3A_1343 = tpu.matmul %squeeze3A_1341, %convert_element_type3A_1339, %dot_general3A_1342 {dimension_numbers = #tpu.dot_dimension_numbers<[1], [0], [0], [1], [0, 0, 1, 1], [], []>, precision = #tpu.contract_precision<fp32>, transpose_lhs_hint = false} : vector<32x1024xf32>, vector<1024x36xf32>, vector<32x36xf32> -> vector<32x36xf32>
    %slice3A_1344 = vector.extract_strided_slice %dot_general3A_1343 {offsets = [0, 0], sizes = [8, 36], strides = [1, 1]} : vector<32x36xf32> to vector<8x36xf32>
    %slice3A_1345 = vector.extract_strided_slice %dot_general3A_1343 {offsets = [8, 0], sizes = [8, 36], strides = [1, 1]} : vector<32x36xf32> to vector<8x36xf32>
    %slice3A_1346 = vector.extract_strided_slice %dot_general3A_1343 {offsets = [16, 0], sizes = [8, 36], strides = [1, 1]} : vector<32x36xf32> to vector<8x36xf32>
    %slice3A_1347 = vector.extract_strided_slice %dot_general3A_1343 {offsets = [24, 0], sizes = [8, 36], strides = [1, 1]} : vector<32x36xf32> to vector<8x36xf32>
    %concatenate3A_1348 = tpu.concatenate %slice3A_1344, %slice3A_1345, %slice3A_1346, %slice3A_1347 in 1 : vector<8x36xf32>, vector<8x36xf32>, vector<8x36xf32>, vector<8x36xf32> -> vector<8x144xf32>
    %broadcast_in_dim3A_1349 = vector.shape_cast %concatenate3A_1348 : vector<8x144xf32> to vector<1x8x144xf32>
    %slice3A_1350 = vector.extract_strided_slice %convert_element_type3A_570 {offsets = [46, 0], sizes = [1, 36], strides = [1, 1]} : vector<64x36xi32> to vector<1x36xi32>
    %squeeze3A_1351 = vector.shape_cast %slice3A_1350 : vector<1x36xi32> to vector<36xi32>
    %broadcast_in_dim3A_1352 = vector.shape_cast %squeeze3A_1351 : vector<36xi32> to vector<1x36xi32>
    %eq3A_1353 = vector.broadcast %broadcast_in_dim3A_1352 : vector<1x36xi32> to vector<1024x36xi32>
    %eq3A_1354 = arith.cmpi eq, %iota3A_569, %eq3A_1353 : vector<1024x36xi32>
    %convert_element_type3A_1355 = arith.extui %eq3A_1354 : vector<1024x36xi1> to vector<1024x36xi32>
    %convert_element_type3A_1356 = arith.sitofp %convert_element_type3A_1355 : vector<1024x36xi32> to vector<1024x36xf32>
    %slice3A_1357 = vector.extract_strided_slice %reshape3A {offsets = [46, 0, 0], sizes = [1, 32, 1024], strides = [1, 1, 1]} : vector<64x32x1024xf32> to vector<1x32x1024xf32>
    %squeeze3A_1358 = vector.shape_cast %slice3A_1357 : vector<1x32x1024xf32> to vector<32x1024xf32>
    %dot_general3A_1359 = arith.constant dense<0.000000e+00> : vector<32x36xf32>
    %dot_general3A_1360 = tpu.matmul %squeeze3A_1358, %convert_element_type3A_1356, %dot_general3A_1359 {dimension_numbers = #tpu.dot_dimension_numbers<[1], [0], [0], [1], [0, 0, 1, 1], [], []>, precision = #tpu.contract_precision<fp32>, transpose_lhs_hint = false} : vector<32x1024xf32>, vector<1024x36xf32>, vector<32x36xf32> -> vector<32x36xf32>
    %slice3A_1361 = vector.extract_strided_slice %dot_general3A_1360 {offsets = [0, 0], sizes = [8, 36], strides = [1, 1]} : vector<32x36xf32> to vector<8x36xf32>
    %slice3A_1362 = vector.extract_strided_slice %dot_general3A_1360 {offsets = [8, 0], sizes = [8, 36], strides = [1, 1]} : vector<32x36xf32> to vector<8x36xf32>
    %slice3A_1363 = vector.extract_strided_slice %dot_general3A_1360 {offsets = [16, 0], sizes = [8, 36], strides = [1, 1]} : vector<32x36xf32> to vector<8x36xf32>
    %slice3A_1364 = vector.extract_strided_slice %dot_general3A_1360 {offsets = [24, 0], sizes = [8, 36], strides = [1, 1]} : vector<32x36xf32> to vector<8x36xf32>
    %concatenate3A_1365 = tpu.concatenate %slice3A_1361, %slice3A_1362, %slice3A_1363, %slice3A_1364 in 1 : vector<8x36xf32>, vector<8x36xf32>, vector<8x36xf32>, vector<8x36xf32> -> vector<8x144xf32>
    %broadcast_in_dim3A_1366 = vector.shape_cast %concatenate3A_1365 : vector<8x144xf32> to vector<1x8x144xf32>
    %slice3A_1367 = vector.extract_strided_slice %convert_element_type3A_570 {offsets = [47, 0], sizes = [1, 36], strides = [1, 1]} : vector<64x36xi32> to vector<1x36xi32>
    %squeeze3A_1368 = vector.shape_cast %slice3A_1367 : vector<1x36xi32> to vector<36xi32>
    %broadcast_in_dim3A_1369 = vector.shape_cast %squeeze3A_1368 : vector<36xi32> to vector<1x36xi32>
    %eq3A_1370 = vector.broadcast %broadcast_in_dim3A_1369 : vector<1x36xi32> to vector<1024x36xi32>
    %eq3A_1371 = arith.cmpi eq, %iota3A_569, %eq3A_1370 : vector<1024x36xi32>
    %convert_element_type3A_1372 = arith.extui %eq3A_1371 : vector<1024x36xi1> to vector<1024x36xi32>
    %convert_element_type3A_1373 = arith.sitofp %convert_element_type3A_1372 : vector<1024x36xi32> to vector<1024x36xf32>
    %slice3A_1374 = vector.extract_strided_slice %reshape3A {offsets = [47, 0, 0], sizes = [1, 32, 1024], strides = [1, 1, 1]} : vector<64x32x1024xf32> to vector<1x32x1024xf32>
    %squeeze3A_1375 = vector.shape_cast %slice3A_1374 : vector<1x32x1024xf32> to vector<32x1024xf32>
    %dot_general3A_1376 = arith.constant dense<0.000000e+00> : vector<32x36xf32>
    %dot_general3A_1377 = tpu.matmul %squeeze3A_1375, %convert_element_type3A_1373, %dot_general3A_1376 {dimension_numbers = #tpu.dot_dimension_numbers<[1], [0], [0], [1], [0, 0, 1, 1], [], []>, precision = #tpu.contract_precision<fp32>, transpose_lhs_hint = false} : vector<32x1024xf32>, vector<1024x36xf32>, vector<32x36xf32> -> vector<32x36xf32>
    %slice3A_1378 = vector.extract_strided_slice %dot_general3A_1377 {offsets = [0, 0], sizes = [8, 36], strides = [1, 1]} : vector<32x36xf32> to vector<8x36xf32>
    %slice3A_1379 = vector.extract_strided_slice %dot_general3A_1377 {offsets = [8, 0], sizes = [8, 36], strides = [1, 1]} : vector<32x36xf32> to vector<8x36xf32>
    %slice3A_1380 = vector.extract_strided_slice %dot_general3A_1377 {offsets = [16, 0], sizes = [8, 36], strides = [1, 1]} : vector<32x36xf32> to vector<8x36xf32>
    %slice3A_1381 = vector.extract_strided_slice %dot_general3A_1377 {offsets = [24, 0], sizes = [8, 36], strides = [1, 1]} : vector<32x36xf32> to vector<8x36xf32>
    %concatenate3A_1382 = tpu.concatenate %slice3A_1378, %slice3A_1379, %slice3A_1380, %slice3A_1381 in 1 : vector<8x36xf32>, vector<8x36xf32>, vector<8x36xf32>, vector<8x36xf32> -> vector<8x144xf32>
    %broadcast_in_dim3A_1383 = vector.shape_cast %concatenate3A_1382 : vector<8x144xf32> to vector<1x8x144xf32>
    %slice3A_1384 = vector.extract_strided_slice %convert_element_type3A_570 {offsets = [48, 0], sizes = [1, 36], strides = [1, 1]} : vector<64x36xi32> to vector<1x36xi32>
    %squeeze3A_1385 = vector.shape_cast %slice3A_1384 : vector<1x36xi32> to vector<36xi32>
    %broadcast_in_dim3A_1386 = vector.shape_cast %squeeze3A_1385 : vector<36xi32> to vector<1x36xi32>
    %eq3A_1387 = vector.broadcast %broadcast_in_dim3A_1386 : vector<1x36xi32> to vector<1024x36xi32>
    %eq3A_1388 = arith.cmpi eq, %iota3A_569, %eq3A_1387 : vector<1024x36xi32>
    %convert_element_type3A_1389 = arith.extui %eq3A_1388 : vector<1024x36xi1> to vector<1024x36xi32>
    %convert_element_type3A_1390 = arith.sitofp %convert_element_type3A_1389 : vector<1024x36xi32> to vector<1024x36xf32>
    %slice3A_1391 = vector.extract_strided_slice %reshape3A {offsets = [48, 0, 0], sizes = [1, 32, 1024], strides = [1, 1, 1]} : vector<64x32x1024xf32> to vector<1x32x1024xf32>
    %squeeze3A_1392 = vector.shape_cast %slice3A_1391 : vector<1x32x1024xf32> to vector<32x1024xf32>
    %dot_general3A_1393 = arith.constant dense<0.000000e+00> : vector<32x36xf32>
    %dot_general3A_1394 = tpu.matmul %squeeze3A_1392, %convert_element_type3A_1390, %dot_general3A_1393 {dimension_numbers = #tpu.dot_dimension_numbers<[1], [0], [0], [1], [0, 0, 1, 1], [], []>, precision = #tpu.contract_precision<fp32>, transpose_lhs_hint = false} : vector<32x1024xf32>, vector<1024x36xf32>, vector<32x36xf32> -> vector<32x36xf32>
    %slice3A_1395 = vector.extract_strided_slice %dot_general3A_1394 {offsets = [0, 0], sizes = [8, 36], strides = [1, 1]} : vector<32x36xf32> to vector<8x36xf32>
    %slice3A_1396 = vector.extract_strided_slice %dot_general3A_1394 {offsets = [8, 0], sizes = [8, 36], strides = [1, 1]} : vector<32x36xf32> to vector<8x36xf32>
    %slice3A_1397 = vector.extract_strided_slice %dot_general3A_1394 {offsets = [16, 0], sizes = [8, 36], strides = [1, 1]} : vector<32x36xf32> to vector<8x36xf32>
    %slice3A_1398 = vector.extract_strided_slice %dot_general3A_1394 {offsets = [24, 0], sizes = [8, 36], strides = [1, 1]} : vector<32x36xf32> to vector<8x36xf32>
    %concatenate3A_1399 = tpu.concatenate %slice3A_1395, %slice3A_1396, %slice3A_1397, %slice3A_1398 in 1 : vector<8x36xf32>, vector<8x36xf32>, vector<8x36xf32>, vector<8x36xf32> -> vector<8x144xf32>
    %broadcast_in_dim3A_1400 = vector.shape_cast %concatenate3A_1399 : vector<8x144xf32> to vector<1x8x144xf32>
    %slice3A_1401 = vector.extract_strided_slice %convert_element_type3A_570 {offsets = [49, 0], sizes = [1, 36], strides = [1, 1]} : vector<64x36xi32> to vector<1x36xi32>
    %squeeze3A_1402 = vector.shape_cast %slice3A_1401 : vector<1x36xi32> to vector<36xi32>
    %broadcast_in_dim3A_1403 = vector.shape_cast %squeeze3A_1402 : vector<36xi32> to vector<1x36xi32>
    %eq3A_1404 = vector.broadcast %broadcast_in_dim3A_1403 : vector<1x36xi32> to vector<1024x36xi32>
    %eq3A_1405 = arith.cmpi eq, %iota3A_569, %eq3A_1404 : vector<1024x36xi32>
    %convert_element_type3A_1406 = arith.extui %eq3A_1405 : vector<1024x36xi1> to vector<1024x36xi32>
    %convert_element_type3A_1407 = arith.sitofp %convert_element_type3A_1406 : vector<1024x36xi32> to vector<1024x36xf32>
    %slice3A_1408 = vector.extract_strided_slice %reshape3A {offsets = [49, 0, 0], sizes = [1, 32, 1024], strides = [1, 1, 1]} : vector<64x32x1024xf32> to vector<1x32x1024xf32>
    %squeeze3A_1409 = vector.shape_cast %slice3A_1408 : vector<1x32x1024xf32> to vector<32x1024xf32>
    %dot_general3A_1410 = arith.constant dense<0.000000e+00> : vector<32x36xf32>
    %dot_general3A_1411 = tpu.matmul %squeeze3A_1409, %convert_element_type3A_1407, %dot_general3A_1410 {dimension_numbers = #tpu.dot_dimension_numbers<[1], [0], [0], [1], [0, 0, 1, 1], [], []>, precision = #tpu.contract_precision<fp32>, transpose_lhs_hint = false} : vector<32x1024xf32>, vector<1024x36xf32>, vector<32x36xf32> -> vector<32x36xf32>
    %slice3A_1412 = vector.extract_strided_slice %dot_general3A_1411 {offsets = [0, 0], sizes = [8, 36], strides = [1, 1]} : vector<32x36xf32> to vector<8x36xf32>
    %slice3A_1413 = vector.extract_strided_slice %dot_general3A_1411 {offsets = [8, 0], sizes = [8, 36], strides = [1, 1]} : vector<32x36xf32> to vector<8x36xf32>
    %slice3A_1414 = vector.extract_strided_slice %dot_general3A_1411 {offsets = [16, 0], sizes = [8, 36], strides = [1, 1]} : vector<32x36xf32> to vector<8x36xf32>
    %slice3A_1415 = vector.extract_strided_slice %dot_general3A_1411 {offsets = [24, 0], sizes = [8, 36], strides = [1, 1]} : vector<32x36xf32> to vector<8x36xf32>
    %concatenate3A_1416 = tpu.concatenate %slice3A_1412, %slice3A_1413, %slice3A_1414, %slice3A_1415 in 1 : vector<8x36xf32>, vector<8x36xf32>, vector<8x36xf32>, vector<8x36xf32> -> vector<8x144xf32>
    %broadcast_in_dim3A_1417 = vector.shape_cast %concatenate3A_1416 : vector<8x144xf32> to vector<1x8x144xf32>
    %slice3A_1418 = vector.extract_strided_slice %convert_element_type3A_570 {offsets = [50, 0], sizes = [1, 36], strides = [1, 1]} : vector<64x36xi32> to vector<1x36xi32>
    %squeeze3A_1419 = vector.shape_cast %slice3A_1418 : vector<1x36xi32> to vector<36xi32>
    %broadcast_in_dim3A_1420 = vector.shape_cast %squeeze3A_1419 : vector<36xi32> to vector<1x36xi32>
    %eq3A_1421 = vector.broadcast %broadcast_in_dim3A_1420 : vector<1x36xi32> to vector<1024x36xi32>
    %eq3A_1422 = arith.cmpi eq, %iota3A_569, %eq3A_1421 : vector<1024x36xi32>
    %convert_element_type3A_1423 = arith.extui %eq3A_1422 : vector<1024x36xi1> to vector<1024x36xi32>
    %convert_element_type3A_1424 = arith.sitofp %convert_element_type3A_1423 : vector<1024x36xi32> to vector<1024x36xf32>
    %slice3A_1425 = vector.extract_strided_slice %reshape3A {offsets = [50, 0, 0], sizes = [1, 32, 1024], strides = [1, 1, 1]} : vector<64x32x1024xf32> to vector<1x32x1024xf32>
    %squeeze3A_1426 = vector.shape_cast %slice3A_1425 : vector<1x32x1024xf32> to vector<32x1024xf32>
    %dot_general3A_1427 = arith.constant dense<0.000000e+00> : vector<32x36xf32>
    %dot_general3A_1428 = tpu.matmul %squeeze3A_1426, %convert_element_type3A_1424, %dot_general3A_1427 {dimension_numbers = #tpu.dot_dimension_numbers<[1], [0], [0], [1], [0, 0, 1, 1], [], []>, precision = #tpu.contract_precision<fp32>, transpose_lhs_hint = false} : vector<32x1024xf32>, vector<1024x36xf32>, vector<32x36xf32> -> vector<32x36xf32>
    %slice3A_1429 = vector.extract_strided_slice %dot_general3A_1428 {offsets = [0, 0], sizes = [8, 36], strides = [1, 1]} : vector<32x36xf32> to vector<8x36xf32>
    %slice3A_1430 = vector.extract_strided_slice %dot_general3A_1428 {offsets = [8, 0], sizes = [8, 36], strides = [1, 1]} : vector<32x36xf32> to vector<8x36xf32>
    %slice3A_1431 = vector.extract_strided_slice %dot_general3A_1428 {offsets = [16, 0], sizes = [8, 36], strides = [1, 1]} : vector<32x36xf32> to vector<8x36xf32>
    %slice3A_1432 = vector.extract_strided_slice %dot_general3A_1428 {offsets = [24, 0], sizes = [8, 36], strides = [1, 1]} : vector<32x36xf32> to vector<8x36xf32>
    %concatenate3A_1433 = tpu.concatenate %slice3A_1429, %slice3A_1430, %slice3A_1431, %slice3A_1432 in 1 : vector<8x36xf32>, vector<8x36xf32>, vector<8x36xf32>, vector<8x36xf32> -> vector<8x144xf32>
    %broadcast_in_dim3A_1434 = vector.shape_cast %concatenate3A_1433 : vector<8x144xf32> to vector<1x8x144xf32>
    %slice3A_1435 = vector.extract_strided_slice %convert_element_type3A_570 {offsets = [51, 0], sizes = [1, 36], strides = [1, 1]} : vector<64x36xi32> to vector<1x36xi32>
    %squeeze3A_1436 = vector.shape_cast %slice3A_1435 : vector<1x36xi32> to vector<36xi32>
    %broadcast_in_dim3A_1437 = vector.shape_cast %squeeze3A_1436 : vector<36xi32> to vector<1x36xi32>
    %eq3A_1438 = vector.broadcast %broadcast_in_dim3A_1437 : vector<1x36xi32> to vector<1024x36xi32>
    %eq3A_1439 = arith.cmpi eq, %iota3A_569, %eq3A_1438 : vector<1024x36xi32>
    %convert_element_type3A_1440 = arith.extui %eq3A_1439 : vector<1024x36xi1> to vector<1024x36xi32>
    %convert_element_type3A_1441 = arith.sitofp %convert_element_type3A_1440 : vector<1024x36xi32> to vector<1024x36xf32>
    %slice3A_1442 = vector.extract_strided_slice %reshape3A {offsets = [51, 0, 0], sizes = [1, 32, 1024], strides = [1, 1, 1]} : vector<64x32x1024xf32> to vector<1x32x1024xf32>
    %squeeze3A_1443 = vector.shape_cast %slice3A_1442 : vector<1x32x1024xf32> to vector<32x1024xf32>
    %dot_general3A_1444 = arith.constant dense<0.000000e+00> : vector<32x36xf32>
    %dot_general3A_1445 = tpu.matmul %squeeze3A_1443, %convert_element_type3A_1441, %dot_general3A_1444 {dimension_numbers = #tpu.dot_dimension_numbers<[1], [0], [0], [1], [0, 0, 1, 1], [], []>, precision = #tpu.contract_precision<fp32>, transpose_lhs_hint = false} : vector<32x1024xf32>, vector<1024x36xf32>, vector<32x36xf32> -> vector<32x36xf32>
    %slice3A_1446 = vector.extract_strided_slice %dot_general3A_1445 {offsets = [0, 0], sizes = [8, 36], strides = [1, 1]} : vector<32x36xf32> to vector<8x36xf32>
    %slice3A_1447 = vector.extract_strided_slice %dot_general3A_1445 {offsets = [8, 0], sizes = [8, 36], strides = [1, 1]} : vector<32x36xf32> to vector<8x36xf32>
    %slice3A_1448 = vector.extract_strided_slice %dot_general3A_1445 {offsets = [16, 0], sizes = [8, 36], strides = [1, 1]} : vector<32x36xf32> to vector<8x36xf32>
    %slice3A_1449 = vector.extract_strided_slice %dot_general3A_1445 {offsets = [24, 0], sizes = [8, 36], strides = [1, 1]} : vector<32x36xf32> to vector<8x36xf32>
    %concatenate3A_1450 = tpu.concatenate %slice3A_1446, %slice3A_1447, %slice3A_1448, %slice3A_1449 in 1 : vector<8x36xf32>, vector<8x36xf32>, vector<8x36xf32>, vector<8x36xf32> -> vector<8x144xf32>
    %broadcast_in_dim3A_1451 = vector.shape_cast %concatenate3A_1450 : vector<8x144xf32> to vector<1x8x144xf32>
    %slice3A_1452 = vector.extract_strided_slice %convert_element_type3A_570 {offsets = [52, 0], sizes = [1, 36], strides = [1, 1]} : vector<64x36xi32> to vector<1x36xi32>
    %squeeze3A_1453 = vector.shape_cast %slice3A_1452 : vector<1x36xi32> to vector<36xi32>
    %broadcast_in_dim3A_1454 = vector.shape_cast %squeeze3A_1453 : vector<36xi32> to vector<1x36xi32>
    %eq3A_1455 = vector.broadcast %broadcast_in_dim3A_1454 : vector<1x36xi32> to vector<1024x36xi32>
    %eq3A_1456 = arith.cmpi eq, %iota3A_569, %eq3A_1455 : vector<1024x36xi32>
    %convert_element_type3A_1457 = arith.extui %eq3A_1456 : vector<1024x36xi1> to vector<1024x36xi32>
    %convert_element_type3A_1458 = arith.sitofp %convert_element_type3A_1457 : vector<1024x36xi32> to vector<1024x36xf32>
    %slice3A_1459 = vector.extract_strided_slice %reshape3A {offsets = [52, 0, 0], sizes = [1, 32, 1024], strides = [1, 1, 1]} : vector<64x32x1024xf32> to vector<1x32x1024xf32>
    %squeeze3A_1460 = vector.shape_cast %slice3A_1459 : vector<1x32x1024xf32> to vector<32x1024xf32>
    %dot_general3A_1461 = arith.constant dense<0.000000e+00> : vector<32x36xf32>
    %dot_general3A_1462 = tpu.matmul %squeeze3A_1460, %convert_element_type3A_1458, %dot_general3A_1461 {dimension_numbers = #tpu.dot_dimension_numbers<[1], [0], [0], [1], [0, 0, 1, 1], [], []>, precision = #tpu.contract_precision<fp32>, transpose_lhs_hint = false} : vector<32x1024xf32>, vector<1024x36xf32>, vector<32x36xf32> -> vector<32x36xf32>
    %slice3A_1463 = vector.extract_strided_slice %dot_general3A_1462 {offsets = [0, 0], sizes = [8, 36], strides = [1, 1]} : vector<32x36xf32> to vector<8x36xf32>
    %slice3A_1464 = vector.extract_strided_slice %dot_general3A_1462 {offsets = [8, 0], sizes = [8, 36], strides = [1, 1]} : vector<32x36xf32> to vector<8x36xf32>
    %slice3A_1465 = vector.extract_strided_slice %dot_general3A_1462 {offsets = [16, 0], sizes = [8, 36], strides = [1, 1]} : vector<32x36xf32> to vector<8x36xf32>
    %slice3A_1466 = vector.extract_strided_slice %dot_general3A_1462 {offsets = [24, 0], sizes = [8, 36], strides = [1, 1]} : vector<32x36xf32> to vector<8x36xf32>
    %concatenate3A_1467 = tpu.concatenate %slice3A_1463, %slice3A_1464, %slice3A_1465, %slice3A_1466 in 1 : vector<8x36xf32>, vector<8x36xf32>, vector<8x36xf32>, vector<8x36xf32> -> vector<8x144xf32>
    %broadcast_in_dim3A_1468 = vector.shape_cast %concatenate3A_1467 : vector<8x144xf32> to vector<1x8x144xf32>
    %slice3A_1469 = vector.extract_strided_slice %convert_element_type3A_570 {offsets = [53, 0], sizes = [1, 36], strides = [1, 1]} : vector<64x36xi32> to vector<1x36xi32>
    %squeeze3A_1470 = vector.shape_cast %slice3A_1469 : vector<1x36xi32> to vector<36xi32>
    %broadcast_in_dim3A_1471 = vector.shape_cast %squeeze3A_1470 : vector<36xi32> to vector<1x36xi32>
    %eq3A_1472 = vector.broadcast %broadcast_in_dim3A_1471 : vector<1x36xi32> to vector<1024x36xi32>
    %eq3A_1473 = arith.cmpi eq, %iota3A_569, %eq3A_1472 : vector<1024x36xi32>
    %convert_element_type3A_1474 = arith.extui %eq3A_1473 : vector<1024x36xi1> to vector<1024x36xi32>
    %convert_element_type3A_1475 = arith.sitofp %convert_element_type3A_1474 : vector<1024x36xi32> to vector<1024x36xf32>
    %slice3A_1476 = vector.extract_strided_slice %reshape3A {offsets = [53, 0, 0], sizes = [1, 32, 1024], strides = [1, 1, 1]} : vector<64x32x1024xf32> to vector<1x32x1024xf32>
    %squeeze3A_1477 = vector.shape_cast %slice3A_1476 : vector<1x32x1024xf32> to vector<32x1024xf32>
    %dot_general3A_1478 = arith.constant dense<0.000000e+00> : vector<32x36xf32>
    %dot_general3A_1479 = tpu.matmul %squeeze3A_1477, %convert_element_type3A_1475, %dot_general3A_1478 {dimension_numbers = #tpu.dot_dimension_numbers<[1], [0], [0], [1], [0, 0, 1, 1], [], []>, precision = #tpu.contract_precision<fp32>, transpose_lhs_hint = false} : vector<32x1024xf32>, vector<1024x36xf32>, vector<32x36xf32> -> vector<32x36xf32>
    %slice3A_1480 = vector.extract_strided_slice %dot_general3A_1479 {offsets = [0, 0], sizes = [8, 36], strides = [1, 1]} : vector<32x36xf32> to vector<8x36xf32>
    %slice3A_1481 = vector.extract_strided_slice %dot_general3A_1479 {offsets = [8, 0], sizes = [8, 36], strides = [1, 1]} : vector<32x36xf32> to vector<8x36xf32>
    %slice3A_1482 = vector.extract_strided_slice %dot_general3A_1479 {offsets = [16, 0], sizes = [8, 36], strides = [1, 1]} : vector<32x36xf32> to vector<8x36xf32>
    %slice3A_1483 = vector.extract_strided_slice %dot_general3A_1479 {offsets = [24, 0], sizes = [8, 36], strides = [1, 1]} : vector<32x36xf32> to vector<8x36xf32>
    %concatenate3A_1484 = tpu.concatenate %slice3A_1480, %slice3A_1481, %slice3A_1482, %slice3A_1483 in 1 : vector<8x36xf32>, vector<8x36xf32>, vector<8x36xf32>, vector<8x36xf32> -> vector<8x144xf32>
    %broadcast_in_dim3A_1485 = vector.shape_cast %concatenate3A_1484 : vector<8x144xf32> to vector<1x8x144xf32>
    %slice3A_1486 = vector.extract_strided_slice %convert_element_type3A_570 {offsets = [54, 0], sizes = [1, 36], strides = [1, 1]} : vector<64x36xi32> to vector<1x36xi32>
    %squeeze3A_1487 = vector.shape_cast %slice3A_1486 : vector<1x36xi32> to vector<36xi32>
    %broadcast_in_dim3A_1488 = vector.shape_cast %squeeze3A_1487 : vector<36xi32> to vector<1x36xi32>
    %eq3A_1489 = vector.broadcast %broadcast_in_dim3A_1488 : vector<1x36xi32> to vector<1024x36xi32>
    %eq3A_1490 = arith.cmpi eq, %iota3A_569, %eq3A_1489 : vector<1024x36xi32>
    %convert_element_type3A_1491 = arith.extui %eq3A_1490 : vector<1024x36xi1> to vector<1024x36xi32>
    %convert_element_type3A_1492 = arith.sitofp %convert_element_type3A_1491 : vector<1024x36xi32> to vector<1024x36xf32>
    %slice3A_1493 = vector.extract_strided_slice %reshape3A {offsets = [54, 0, 0], sizes = [1, 32, 1024], strides = [1, 1, 1]} : vector<64x32x1024xf32> to vector<1x32x1024xf32>
    %squeeze3A_1494 = vector.shape_cast %slice3A_1493 : vector<1x32x1024xf32> to vector<32x1024xf32>
    %dot_general3A_1495 = arith.constant dense<0.000000e+00> : vector<32x36xf32>
    %dot_general3A_1496 = tpu.matmul %squeeze3A_1494, %convert_element_type3A_1492, %dot_general3A_1495 {dimension_numbers = #tpu.dot_dimension_numbers<[1], [0], [0], [1], [0, 0, 1, 1], [], []>, precision = #tpu.contract_precision<fp32>, transpose_lhs_hint = false} : vector<32x1024xf32>, vector<1024x36xf32>, vector<32x36xf32> -> vector<32x36xf32>
    %slice3A_1497 = vector.extract_strided_slice %dot_general3A_1496 {offsets = [0, 0], sizes = [8, 36], strides = [1, 1]} : vector<32x36xf32> to vector<8x36xf32>
    %slice3A_1498 = vector.extract_strided_slice %dot_general3A_1496 {offsets = [8, 0], sizes = [8, 36], strides = [1, 1]} : vector<32x36xf32> to vector<8x36xf32>
    %slice3A_1499 = vector.extract_strided_slice %dot_general3A_1496 {offsets = [16, 0], sizes = [8, 36], strides = [1, 1]} : vector<32x36xf32> to vector<8x36xf32>
    %slice3A_1500 = vector.extract_strided_slice %dot_general3A_1496 {offsets = [24, 0], sizes = [8, 36], strides = [1, 1]} : vector<32x36xf32> to vector<8x36xf32>
    %concatenate3A_1501 = tpu.concatenate %slice3A_1497, %slice3A_1498, %slice3A_1499, %slice3A_1500 in 1 : vector<8x36xf32>, vector<8x36xf32>, vector<8x36xf32>, vector<8x36xf32> -> vector<8x144xf32>
    %broadcast_in_dim3A_1502 = vector.shape_cast %concatenate3A_1501 : vector<8x144xf32> to vector<1x8x144xf32>
    %slice3A_1503 = vector.extract_strided_slice %convert_element_type3A_570 {offsets = [55, 0], sizes = [1, 36], strides = [1, 1]} : vector<64x36xi32> to vector<1x36xi32>
    %squeeze3A_1504 = vector.shape_cast %slice3A_1503 : vector<1x36xi32> to vector<36xi32>
    %broadcast_in_dim3A_1505 = vector.shape_cast %squeeze3A_1504 : vector<36xi32> to vector<1x36xi32>
    %eq3A_1506 = vector.broadcast %broadcast_in_dim3A_1505 : vector<1x36xi32> to vector<1024x36xi32>
    %eq3A_1507 = arith.cmpi eq, %iota3A_569, %eq3A_1506 : vector<1024x36xi32>
    %convert_element_type3A_1508 = arith.extui %eq3A_1507 : vector<1024x36xi1> to vector<1024x36xi32>
    %convert_element_type3A_1509 = arith.sitofp %convert_element_type3A_1508 : vector<1024x36xi32> to vector<1024x36xf32>
    %slice3A_1510 = vector.extract_strided_slice %reshape3A {offsets = [55, 0, 0], sizes = [1, 32, 1024], strides = [1, 1, 1]} : vector<64x32x1024xf32> to vector<1x32x1024xf32>
    %squeeze3A_1511 = vector.shape_cast %slice3A_1510 : vector<1x32x1024xf32> to vector<32x1024xf32>
    %dot_general3A_1512 = arith.constant dense<0.000000e+00> : vector<32x36xf32>
    %dot_general3A_1513 = tpu.matmul %squeeze3A_1511, %convert_element_type3A_1509, %dot_general3A_1512 {dimension_numbers = #tpu.dot_dimension_numbers<[1], [0], [0], [1], [0, 0, 1, 1], [], []>, precision = #tpu.contract_precision<fp32>, transpose_lhs_hint = false} : vector<32x1024xf32>, vector<1024x36xf32>, vector<32x36xf32> -> vector<32x36xf32>
    %slice3A_1514 = vector.extract_strided_slice %dot_general3A_1513 {offsets = [0, 0], sizes = [8, 36], strides = [1, 1]} : vector<32x36xf32> to vector<8x36xf32>
    %slice3A_1515 = vector.extract_strided_slice %dot_general3A_1513 {offsets = [8, 0], sizes = [8, 36], strides = [1, 1]} : vector<32x36xf32> to vector<8x36xf32>
    %slice3A_1516 = vector.extract_strided_slice %dot_general3A_1513 {offsets = [16, 0], sizes = [8, 36], strides = [1, 1]} : vector<32x36xf32> to vector<8x36xf32>
    %slice3A_1517 = vector.extract_strided_slice %dot_general3A_1513 {offsets = [24, 0], sizes = [8, 36], strides = [1, 1]} : vector<32x36xf32> to vector<8x36xf32>
    %concatenate3A_1518 = tpu.concatenate %slice3A_1514, %slice3A_1515, %slice3A_1516, %slice3A_1517 in 1 : vector<8x36xf32>, vector<8x36xf32>, vector<8x36xf32>, vector<8x36xf32> -> vector<8x144xf32>
    %broadcast_in_dim3A_1519 = vector.shape_cast %concatenate3A_1518 : vector<8x144xf32> to vector<1x8x144xf32>
    %slice3A_1520 = vector.extract_strided_slice %convert_element_type3A_570 {offsets = [56, 0], sizes = [1, 36], strides = [1, 1]} : vector<64x36xi32> to vector<1x36xi32>
    %squeeze3A_1521 = vector.shape_cast %slice3A_1520 : vector<1x36xi32> to vector<36xi32>
    %broadcast_in_dim3A_1522 = vector.shape_cast %squeeze3A_1521 : vector<36xi32> to vector<1x36xi32>
    %eq3A_1523 = vector.broadcast %broadcast_in_dim3A_1522 : vector<1x36xi32> to vector<1024x36xi32>
    %eq3A_1524 = arith.cmpi eq, %iota3A_569, %eq3A_1523 : vector<1024x36xi32>
    %convert_element_type3A_1525 = arith.extui %eq3A_1524 : vector<1024x36xi1> to vector<1024x36xi32>
    %convert_element_type3A_1526 = arith.sitofp %convert_element_type3A_1525 : vector<1024x36xi32> to vector<1024x36xf32>
    %slice3A_1527 = vector.extract_strided_slice %reshape3A {offsets = [56, 0, 0], sizes = [1, 32, 1024], strides = [1, 1, 1]} : vector<64x32x1024xf32> to vector<1x32x1024xf32>
    %squeeze3A_1528 = vector.shape_cast %slice3A_1527 : vector<1x32x1024xf32> to vector<32x1024xf32>
    %dot_general3A_1529 = arith.constant dense<0.000000e+00> : vector<32x36xf32>
    %dot_general3A_1530 = tpu.matmul %squeeze3A_1528, %convert_element_type3A_1526, %dot_general3A_1529 {dimension_numbers = #tpu.dot_dimension_numbers<[1], [0], [0], [1], [0, 0, 1, 1], [], []>, precision = #tpu.contract_precision<fp32>, transpose_lhs_hint = false} : vector<32x1024xf32>, vector<1024x36xf32>, vector<32x36xf32> -> vector<32x36xf32>
    %slice3A_1531 = vector.extract_strided_slice %dot_general3A_1530 {offsets = [0, 0], sizes = [8, 36], strides = [1, 1]} : vector<32x36xf32> to vector<8x36xf32>
    %slice3A_1532 = vector.extract_strided_slice %dot_general3A_1530 {offsets = [8, 0], sizes = [8, 36], strides = [1, 1]} : vector<32x36xf32> to vector<8x36xf32>
    %slice3A_1533 = vector.extract_strided_slice %dot_general3A_1530 {offsets = [16, 0], sizes = [8, 36], strides = [1, 1]} : vector<32x36xf32> to vector<8x36xf32>
    %slice3A_1534 = vector.extract_strided_slice %dot_general3A_1530 {offsets = [24, 0], sizes = [8, 36], strides = [1, 1]} : vector<32x36xf32> to vector<8x36xf32>
    %concatenate3A_1535 = tpu.concatenate %slice3A_1531, %slice3A_1532, %slice3A_1533, %slice3A_1534 in 1 : vector<8x36xf32>, vector<8x36xf32>, vector<8x36xf32>, vector<8x36xf32> -> vector<8x144xf32>
    %broadcast_in_dim3A_1536 = vector.shape_cast %concatenate3A_1535 : vector<8x144xf32> to vector<1x8x144xf32>
    %slice3A_1537 = vector.extract_strided_slice %convert_element_type3A_570 {offsets = [57, 0], sizes = [1, 36], strides = [1, 1]} : vector<64x36xi32> to vector<1x36xi32>
    %squeeze3A_1538 = vector.shape_cast %slice3A_1537 : vector<1x36xi32> to vector<36xi32>
    %broadcast_in_dim3A_1539 = vector.shape_cast %squeeze3A_1538 : vector<36xi32> to vector<1x36xi32>
    %eq3A_1540 = vector.broadcast %broadcast_in_dim3A_1539 : vector<1x36xi32> to vector<1024x36xi32>
    %eq3A_1541 = arith.cmpi eq, %iota3A_569, %eq3A_1540 : vector<1024x36xi32>
    %convert_element_type3A_1542 = arith.extui %eq3A_1541 : vector<1024x36xi1> to vector<1024x36xi32>
    %convert_element_type3A_1543 = arith.sitofp %convert_element_type3A_1542 : vector<1024x36xi32> to vector<1024x36xf32>
    %slice3A_1544 = vector.extract_strided_slice %reshape3A {offsets = [57, 0, 0], sizes = [1, 32, 1024], strides = [1, 1, 1]} : vector<64x32x1024xf32> to vector<1x32x1024xf32>
    %squeeze3A_1545 = vector.shape_cast %slice3A_1544 : vector<1x32x1024xf32> to vector<32x1024xf32>
    %dot_general3A_1546 = arith.constant dense<0.000000e+00> : vector<32x36xf32>
    %dot_general3A_1547 = tpu.matmul %squeeze3A_1545, %convert_element_type3A_1543, %dot_general3A_1546 {dimension_numbers = #tpu.dot_dimension_numbers<[1], [0], [0], [1], [0, 0, 1, 1], [], []>, precision = #tpu.contract_precision<fp32>, transpose_lhs_hint = false} : vector<32x1024xf32>, vector<1024x36xf32>, vector<32x36xf32> -> vector<32x36xf32>
    %slice3A_1548 = vector.extract_strided_slice %dot_general3A_1547 {offsets = [0, 0], sizes = [8, 36], strides = [1, 1]} : vector<32x36xf32> to vector<8x36xf32>
    %slice3A_1549 = vector.extract_strided_slice %dot_general3A_1547 {offsets = [8, 0], sizes = [8, 36], strides = [1, 1]} : vector<32x36xf32> to vector<8x36xf32>
    %slice3A_1550 = vector.extract_strided_slice %dot_general3A_1547 {offsets = [16, 0], sizes = [8, 36], strides = [1, 1]} : vector<32x36xf32> to vector<8x36xf32>
    %slice3A_1551 = vector.extract_strided_slice %dot_general3A_1547 {offsets = [24, 0], sizes = [8, 36], strides = [1, 1]} : vector<32x36xf32> to vector<8x36xf32>
    %concatenate3A_1552 = tpu.concatenate %slice3A_1548, %slice3A_1549, %slice3A_1550, %slice3A_1551 in 1 : vector<8x36xf32>, vector<8x36xf32>, vector<8x36xf32>, vector<8x36xf32> -> vector<8x144xf32>
    %broadcast_in_dim3A_1553 = vector.shape_cast %concatenate3A_1552 : vector<8x144xf32> to vector<1x8x144xf32>
    %slice3A_1554 = vector.extract_strided_slice %convert_element_type3A_570 {offsets = [58, 0], sizes = [1, 36], strides = [1, 1]} : vector<64x36xi32> to vector<1x36xi32>
    %squeeze3A_1555 = vector.shape_cast %slice3A_1554 : vector<1x36xi32> to vector<36xi32>
    %broadcast_in_dim3A_1556 = vector.shape_cast %squeeze3A_1555 : vector<36xi32> to vector<1x36xi32>
    %eq3A_1557 = vector.broadcast %broadcast_in_dim3A_1556 : vector<1x36xi32> to vector<1024x36xi32>
    %eq3A_1558 = arith.cmpi eq, %iota3A_569, %eq3A_1557 : vector<1024x36xi32>
    %convert_element_type3A_1559 = arith.extui %eq3A_1558 : vector<1024x36xi1> to vector<1024x36xi32>
    %convert_element_type3A_1560 = arith.sitofp %convert_element_type3A_1559 : vector<1024x36xi32> to vector<1024x36xf32>
    %slice3A_1561 = vector.extract_strided_slice %reshape3A {offsets = [58, 0, 0], sizes = [1, 32, 1024], strides = [1, 1, 1]} : vector<64x32x1024xf32> to vector<1x32x1024xf32>
    %squeeze3A_1562 = vector.shape_cast %slice3A_1561 : vector<1x32x1024xf32> to vector<32x1024xf32>
    %dot_general3A_1563 = arith.constant dense<0.000000e+00> : vector<32x36xf32>
    %dot_general3A_1564 = tpu.matmul %squeeze3A_1562, %convert_element_type3A_1560, %dot_general3A_1563 {dimension_numbers = #tpu.dot_dimension_numbers<[1], [0], [0], [1], [0, 0, 1, 1], [], []>, precision = #tpu.contract_precision<fp32>, transpose_lhs_hint = false} : vector<32x1024xf32>, vector<1024x36xf32>, vector<32x36xf32> -> vector<32x36xf32>
    %slice3A_1565 = vector.extract_strided_slice %dot_general3A_1564 {offsets = [0, 0], sizes = [8, 36], strides = [1, 1]} : vector<32x36xf32> to vector<8x36xf32>
    %slice3A_1566 = vector.extract_strided_slice %dot_general3A_1564 {offsets = [8, 0], sizes = [8, 36], strides = [1, 1]} : vector<32x36xf32> to vector<8x36xf32>
    %slice3A_1567 = vector.extract_strided_slice %dot_general3A_1564 {offsets = [16, 0], sizes = [8, 36], strides = [1, 1]} : vector<32x36xf32> to vector<8x36xf32>
    %slice3A_1568 = vector.extract_strided_slice %dot_general3A_1564 {offsets = [24, 0], sizes = [8, 36], strides = [1, 1]} : vector<32x36xf32> to vector<8x36xf32>
    %concatenate3A_1569 = tpu.concatenate %slice3A_1565, %slice3A_1566, %slice3A_1567, %slice3A_1568 in 1 : vector<8x36xf32>, vector<8x36xf32>, vector<8x36xf32>, vector<8x36xf32> -> vector<8x144xf32>
    %broadcast_in_dim3A_1570 = vector.shape_cast %concatenate3A_1569 : vector<8x144xf32> to vector<1x8x144xf32>
    %slice3A_1571 = vector.extract_strided_slice %convert_element_type3A_570 {offsets = [59, 0], sizes = [1, 36], strides = [1, 1]} : vector<64x36xi32> to vector<1x36xi32>
    %squeeze3A_1572 = vector.shape_cast %slice3A_1571 : vector<1x36xi32> to vector<36xi32>
    %broadcast_in_dim3A_1573 = vector.shape_cast %squeeze3A_1572 : vector<36xi32> to vector<1x36xi32>
    %eq3A_1574 = vector.broadcast %broadcast_in_dim3A_1573 : vector<1x36xi32> to vector<1024x36xi32>
    %eq3A_1575 = arith.cmpi eq, %iota3A_569, %eq3A_1574 : vector<1024x36xi32>
    %convert_element_type3A_1576 = arith.extui %eq3A_1575 : vector<1024x36xi1> to vector<1024x36xi32>
    %convert_element_type3A_1577 = arith.sitofp %convert_element_type3A_1576 : vector<1024x36xi32> to vector<1024x36xf32>
    %slice3A_1578 = vector.extract_strided_slice %reshape3A {offsets = [59, 0, 0], sizes = [1, 32, 1024], strides = [1, 1, 1]} : vector<64x32x1024xf32> to vector<1x32x1024xf32>
    %squeeze3A_1579 = vector.shape_cast %slice3A_1578 : vector<1x32x1024xf32> to vector<32x1024xf32>
    %dot_general3A_1580 = arith.constant dense<0.000000e+00> : vector<32x36xf32>
    %dot_general3A_1581 = tpu.matmul %squeeze3A_1579, %convert_element_type3A_1577, %dot_general3A_1580 {dimension_numbers = #tpu.dot_dimension_numbers<[1], [0], [0], [1], [0, 0, 1, 1], [], []>, precision = #tpu.contract_precision<fp32>, transpose_lhs_hint = false} : vector<32x1024xf32>, vector<1024x36xf32>, vector<32x36xf32> -> vector<32x36xf32>
    %slice3A_1582 = vector.extract_strided_slice %dot_general3A_1581 {offsets = [0, 0], sizes = [8, 36], strides = [1, 1]} : vector<32x36xf32> to vector<8x36xf32>
    %slice3A_1583 = vector.extract_strided_slice %dot_general3A_1581 {offsets = [8, 0], sizes = [8, 36], strides = [1, 1]} : vector<32x36xf32> to vector<8x36xf32>
    %slice3A_1584 = vector.extract_strided_slice %dot_general3A_1581 {offsets = [16, 0], sizes = [8, 36], strides = [1, 1]} : vector<32x36xf32> to vector<8x36xf32>
    %slice3A_1585 = vector.extract_strided_slice %dot_general3A_1581 {offsets = [24, 0], sizes = [8, 36], strides = [1, 1]} : vector<32x36xf32> to vector<8x36xf32>
    %concatenate3A_1586 = tpu.concatenate %slice3A_1582, %slice3A_1583, %slice3A_1584, %slice3A_1585 in 1 : vector<8x36xf32>, vector<8x36xf32>, vector<8x36xf32>, vector<8x36xf32> -> vector<8x144xf32>
    %broadcast_in_dim3A_1587 = vector.shape_cast %concatenate3A_1586 : vector<8x144xf32> to vector<1x8x144xf32>
    %slice3A_1588 = vector.extract_strided_slice %convert_element_type3A_570 {offsets = [60, 0], sizes = [1, 36], strides = [1, 1]} : vector<64x36xi32> to vector<1x36xi32>
    %squeeze3A_1589 = vector.shape_cast %slice3A_1588 : vector<1x36xi32> to vector<36xi32>
    %broadcast_in_dim3A_1590 = vector.shape_cast %squeeze3A_1589 : vector<36xi32> to vector<1x36xi32>
    %eq3A_1591 = vector.broadcast %broadcast_in_dim3A_1590 : vector<1x36xi32> to vector<1024x36xi32>
    %eq3A_1592 = arith.cmpi eq, %iota3A_569, %eq3A_1591 : vector<1024x36xi32>
    %convert_element_type3A_1593 = arith.extui %eq3A_1592 : vector<1024x36xi1> to vector<1024x36xi32>
    %convert_element_type3A_1594 = arith.sitofp %convert_element_type3A_1593 : vector<1024x36xi32> to vector<1024x36xf32>
    %slice3A_1595 = vector.extract_strided_slice %reshape3A {offsets = [60, 0, 0], sizes = [1, 32, 1024], strides = [1, 1, 1]} : vector<64x32x1024xf32> to vector<1x32x1024xf32>
    %squeeze3A_1596 = vector.shape_cast %slice3A_1595 : vector<1x32x1024xf32> to vector<32x1024xf32>
    %dot_general3A_1597 = arith.constant dense<0.000000e+00> : vector<32x36xf32>
    %dot_general3A_1598 = tpu.matmul %squeeze3A_1596, %convert_element_type3A_1594, %dot_general3A_1597 {dimension_numbers = #tpu.dot_dimension_numbers<[1], [0], [0], [1], [0, 0, 1, 1], [], []>, precision = #tpu.contract_precision<fp32>, transpose_lhs_hint = false} : vector<32x1024xf32>, vector<1024x36xf32>, vector<32x36xf32> -> vector<32x36xf32>
    %slice3A_1599 = vector.extract_strided_slice %dot_general3A_1598 {offsets = [0, 0], sizes = [8, 36], strides = [1, 1]} : vector<32x36xf32> to vector<8x36xf32>
    %slice3A_1600 = vector.extract_strided_slice %dot_general3A_1598 {offsets = [8, 0], sizes = [8, 36], strides = [1, 1]} : vector<32x36xf32> to vector<8x36xf32>
    %slice3A_1601 = vector.extract_strided_slice %dot_general3A_1598 {offsets = [16, 0], sizes = [8, 36], strides = [1, 1]} : vector<32x36xf32> to vector<8x36xf32>
    %slice3A_1602 = vector.extract_strided_slice %dot_general3A_1598 {offsets = [24, 0], sizes = [8, 36], strides = [1, 1]} : vector<32x36xf32> to vector<8x36xf32>
    %concatenate3A_1603 = tpu.concatenate %slice3A_1599, %slice3A_1600, %slice3A_1601, %slice3A_1602 in 1 : vector<8x36xf32>, vector<8x36xf32>, vector<8x36xf32>, vector<8x36xf32> -> vector<8x144xf32>
    %broadcast_in_dim3A_1604 = vector.shape_cast %concatenate3A_1603 : vector<8x144xf32> to vector<1x8x144xf32>
    %slice3A_1605 = vector.extract_strided_slice %convert_element_type3A_570 {offsets = [61, 0], sizes = [1, 36], strides = [1, 1]} : vector<64x36xi32> to vector<1x36xi32>
    %squeeze3A_1606 = vector.shape_cast %slice3A_1605 : vector<1x36xi32> to vector<36xi32>
    %broadcast_in_dim3A_1607 = vector.shape_cast %squeeze3A_1606 : vector<36xi32> to vector<1x36xi32>
    %eq3A_1608 = vector.broadcast %broadcast_in_dim3A_1607 : vector<1x36xi32> to vector<1024x36xi32>
    %eq3A_1609 = arith.cmpi eq, %iota3A_569, %eq3A_1608 : vector<1024x36xi32>
    %convert_element_type3A_1610 = arith.extui %eq3A_1609 : vector<1024x36xi1> to vector<1024x36xi32>
    %convert_element_type3A_1611 = arith.sitofp %convert_element_type3A_1610 : vector<1024x36xi32> to vector<1024x36xf32>
    %slice3A_1612 = vector.extract_strided_slice %reshape3A {offsets = [61, 0, 0], sizes = [1, 32, 1024], strides = [1, 1, 1]} : vector<64x32x1024xf32> to vector<1x32x1024xf32>
    %squeeze3A_1613 = vector.shape_cast %slice3A_1612 : vector<1x32x1024xf32> to vector<32x1024xf32>
    %dot_general3A_1614 = arith.constant dense<0.000000e+00> : vector<32x36xf32>
    %dot_general3A_1615 = tpu.matmul %squeeze3A_1613, %convert_element_type3A_1611, %dot_general3A_1614 {dimension_numbers = #tpu.dot_dimension_numbers<[1], [0], [0], [1], [0, 0, 1, 1], [], []>, precision = #tpu.contract_precision<fp32>, transpose_lhs_hint = false} : vector<32x1024xf32>, vector<1024x36xf32>, vector<32x36xf32> -> vector<32x36xf32>
    %slice3A_1616 = vector.extract_strided_slice %dot_general3A_1615 {offsets = [0, 0], sizes = [8, 36], strides = [1, 1]} : vector<32x36xf32> to vector<8x36xf32>
    %slice3A_1617 = vector.extract_strided_slice %dot_general3A_1615 {offsets = [8, 0], sizes = [8, 36], strides = [1, 1]} : vector<32x36xf32> to vector<8x36xf32>
    %slice3A_1618 = vector.extract_strided_slice %dot_general3A_1615 {offsets = [16, 0], sizes = [8, 36], strides = [1, 1]} : vector<32x36xf32> to vector<8x36xf32>
    %slice3A_1619 = vector.extract_strided_slice %dot_general3A_1615 {offsets = [24, 0], sizes = [8, 36], strides = [1, 1]} : vector<32x36xf32> to vector<8x36xf32>
    %concatenate3A_1620 = tpu.concatenate %slice3A_1616, %slice3A_1617, %slice3A_1618, %slice3A_1619 in 1 : vector<8x36xf32>, vector<8x36xf32>, vector<8x36xf32>, vector<8x36xf32> -> vector<8x144xf32>
    %broadcast_in_dim3A_1621 = vector.shape_cast %concatenate3A_1620 : vector<8x144xf32> to vector<1x8x144xf32>
    %slice3A_1622 = vector.extract_strided_slice %convert_element_type3A_570 {offsets = [62, 0], sizes = [1, 36], strides = [1, 1]} : vector<64x36xi32> to vector<1x36xi32>
    %squeeze3A_1623 = vector.shape_cast %slice3A_1622 : vector<1x36xi32> to vector<36xi32>
    %broadcast_in_dim3A_1624 = vector.shape_cast %squeeze3A_1623 : vector<36xi32> to vector<1x36xi32>
    %eq3A_1625 = vector.broadcast %broadcast_in_dim3A_1624 : vector<1x36xi32> to vector<1024x36xi32>
    %eq3A_1626 = arith.cmpi eq, %iota3A_569, %eq3A_1625 : vector<1024x36xi32>
    %convert_element_type3A_1627 = arith.extui %eq3A_1626 : vector<1024x36xi1> to vector<1024x36xi32>
    %convert_element_type3A_1628 = arith.sitofp %convert_element_type3A_1627 : vector<1024x36xi32> to vector<1024x36xf32>
    %slice3A_1629 = vector.extract_strided_slice %reshape3A {offsets = [62, 0, 0], sizes = [1, 32, 1024], strides = [1, 1, 1]} : vector<64x32x1024xf32> to vector<1x32x1024xf32>
    %squeeze3A_1630 = vector.shape_cast %slice3A_1629 : vector<1x32x1024xf32> to vector<32x1024xf32>
    %dot_general3A_1631 = arith.constant dense<0.000000e+00> : vector<32x36xf32>
    %dot_general3A_1632 = tpu.matmul %squeeze3A_1630, %convert_element_type3A_1628, %dot_general3A_1631 {dimension_numbers = #tpu.dot_dimension_numbers<[1], [0], [0], [1], [0, 0, 1, 1], [], []>, precision = #tpu.contract_precision<fp32>, transpose_lhs_hint = false} : vector<32x1024xf32>, vector<1024x36xf32>, vector<32x36xf32> -> vector<32x36xf32>
    %slice3A_1633 = vector.extract_strided_slice %dot_general3A_1632 {offsets = [0, 0], sizes = [8, 36], strides = [1, 1]} : vector<32x36xf32> to vector<8x36xf32>
    %slice3A_1634 = vector.extract_strided_slice %dot_general3A_1632 {offsets = [8, 0], sizes = [8, 36], strides = [1, 1]} : vector<32x36xf32> to vector<8x36xf32>
    %slice3A_1635 = vector.extract_strided_slice %dot_general3A_1632 {offsets = [16, 0], sizes = [8, 36], strides = [1, 1]} : vector<32x36xf32> to vector<8x36xf32>
    %slice3A_1636 = vector.extract_strided_slice %dot_general3A_1632 {offsets = [24, 0], sizes = [8, 36], strides = [1, 1]} : vector<32x36xf32> to vector<8x36xf32>
    %concatenate3A_1637 = tpu.concatenate %slice3A_1633, %slice3A_1634, %slice3A_1635, %slice3A_1636 in 1 : vector<8x36xf32>, vector<8x36xf32>, vector<8x36xf32>, vector<8x36xf32> -> vector<8x144xf32>
    %broadcast_in_dim3A_1638 = vector.shape_cast %concatenate3A_1637 : vector<8x144xf32> to vector<1x8x144xf32>
    %slice3A_1639 = vector.extract_strided_slice %convert_element_type3A_570 {offsets = [63, 0], sizes = [1, 36], strides = [1, 1]} : vector<64x36xi32> to vector<1x36xi32>
    %squeeze3A_1640 = vector.shape_cast %slice3A_1639 : vector<1x36xi32> to vector<36xi32>
    %broadcast_in_dim3A_1641 = vector.shape_cast %squeeze3A_1640 : vector<36xi32> to vector<1x36xi32>
    %eq3A_1642 = vector.broadcast %broadcast_in_dim3A_1641 : vector<1x36xi32> to vector<1024x36xi32>
    %eq3A_1643 = arith.cmpi eq, %iota3A_569, %eq3A_1642 : vector<1024x36xi32>
    %convert_element_type3A_1644 = arith.extui %eq3A_1643 : vector<1024x36xi1> to vector<1024x36xi32>
    %convert_element_type3A_1645 = arith.sitofp %convert_element_type3A_1644 : vector<1024x36xi32> to vector<1024x36xf32>
    %slice3A_1646 = vector.extract_strided_slice %reshape3A {offsets = [63, 0, 0], sizes = [1, 32, 1024], strides = [1, 1, 1]} : vector<64x32x1024xf32> to vector<1x32x1024xf32>
    %squeeze3A_1647 = vector.shape_cast %slice3A_1646 : vector<1x32x1024xf32> to vector<32x1024xf32>
    %dot_general3A_1648 = arith.constant dense<0.000000e+00> : vector<32x36xf32>
    %dot_general3A_1649 = tpu.matmul %squeeze3A_1647, %convert_element_type3A_1645, %dot_general3A_1648 {dimension_numbers = #tpu.dot_dimension_numbers<[1], [0], [0], [1], [0, 0, 1, 1], [], []>, precision = #tpu.contract_precision<fp32>, transpose_lhs_hint = false} : vector<32x1024xf32>, vector<1024x36xf32>, vector<32x36xf32> -> vector<32x36xf32>
    %slice3A_1650 = vector.extract_strided_slice %dot_general3A_1649 {offsets = [0, 0], sizes = [8, 36], strides = [1, 1]} : vector<32x36xf32> to vector<8x36xf32>
    %slice3A_1651 = vector.extract_strided_slice %dot_general3A_1649 {offsets = [8, 0], sizes = [8, 36], strides = [1, 1]} : vector<32x36xf32> to vector<8x36xf32>
    %slice3A_1652 = vector.extract_strided_slice %dot_general3A_1649 {offsets = [16, 0], sizes = [8, 36], strides = [1, 1]} : vector<32x36xf32> to vector<8x36xf32>
    %slice3A_1653 = vector.extract_strided_slice %dot_general3A_1649 {offsets = [24, 0], sizes = [8, 36], strides = [1, 1]} : vector<32x36xf32> to vector<8x36xf32>
    %concatenate3A_1654 = tpu.concatenate %slice3A_1650, %slice3A_1651, %slice3A_1652, %slice3A_1653 in 1 : vector<8x36xf32>, vector<8x36xf32>, vector<8x36xf32>, vector<8x36xf32> -> vector<8x144xf32>
    %broadcast_in_dim3A_1655 = vector.shape_cast %concatenate3A_1654 : vector<8x144xf32> to vector<1x8x144xf32>
    %concatenate3A_1656 = tpu.concatenate %broadcast_in_dim3A_584, %broadcast_in_dim3A_601, %broadcast_in_dim3A_618, %broadcast_in_dim3A_635, %broadcast_in_dim3A_652, %broadcast_in_dim3A_669, %broadcast_in_dim3A_686, %broadcast_in_dim3A_703, %broadcast_in_dim3A_720, %broadcast_in_dim3A_737, %broadcast_in_dim3A_754, %broadcast_in_dim3A_771, %broadcast_in_dim3A_788, %broadcast_in_dim3A_805, %broadcast_in_dim3A_822, %broadcast_in_dim3A_839, %broadcast_in_dim3A_856, %broadcast_in_dim3A_873, %broadcast_in_dim3A_890, %broadcast_in_dim3A_907, %broadcast_in_dim3A_924, %broadcast_in_dim3A_941, %broadcast_in_dim3A_958, %broadcast_in_dim3A_975, %broadcast_in_dim3A_992, %broadcast_in_dim3A_1009, %broadcast_in_dim3A_1026, %broadcast_in_dim3A_1043, %broadcast_in_dim3A_1060, %broadcast_in_dim3A_1077, %broadcast_in_dim3A_1094, %broadcast_in_dim3A_1111, %broadcast_in_dim3A_1128, %broadcast_in_dim3A_1145, %broadcast_in_dim3A_1162, %broadcast_in_dim3A_1179, %broadcast_in_dim3A_1196, %broadcast_in_dim3A_1213, %broadcast_in_dim3A_1230, %broadcast_in_dim3A_1247, %broadcast_in_dim3A_1264, %broadcast_in_dim3A_1281, %broadcast_in_dim3A_1298, %broadcast_in_dim3A_1315, %broadcast_in_dim3A_1332, %broadcast_in_dim3A_1349, %broadcast_in_dim3A_1366, %broadcast_in_dim3A_1383, %broadcast_in_dim3A_1400, %broadcast_in_dim3A_1417, %broadcast_in_dim3A_1434, %broadcast_in_dim3A_1451, %broadcast_in_dim3A_1468, %broadcast_in_dim3A_1485, %broadcast_in_dim3A_1502, %broadcast_in_dim3A_1519, %broadcast_in_dim3A_1536, %broadcast_in_dim3A_1553, %broadcast_in_dim3A_1570, %broadcast_in_dim3A_1587, %broadcast_in_dim3A_1604, %broadcast_in_dim3A_1621, %broadcast_in_dim3A_1638, %broadcast_in_dim3A_1655 in 0 : vector<1x8x144xf32>, vector<1x8x144xf32>, vector<1x8x144xf32>, vector<1x8x144xf32>, vector<1x8x144xf32>, vector<1x8x144xf32>, vector<1x8x144xf32>, vector<1x8x144xf32>, vector<1x8x144xf32>, vector<1x8x144xf32>, vector<1x8x144xf32>, vector<1x8x144xf32>, vector<1x8x144xf32>, vector<1x8x144xf32>, vector<1x8x144xf32>, vector<1x8x144xf32>, vector<1x8x144xf32>, vector<1x8x144xf32>, vector<1x8x144xf32>, vector<1x8x144xf32>, vector<1x8x144xf32>, vector<1x8x144xf32>, vector<1x8x144xf32>, vector<1x8x144xf32>, vector<1x8x144xf32>, vector<1x8x144xf32>, vector<1x8x144xf32>, vector<1x8x144xf32>, vector<1x8x144xf32>, vector<1x8x144xf32>, vector<1x8x144xf32>, vector<1x8x144xf32>, vector<1x8x144xf32>, vector<1x8x144xf32>, vector<1x8x144xf32>, vector<1x8x144xf32>, vector<1x8x144xf32>, vector<1x8x144xf32>, vector<1x8x144xf32>, vector<1x8x144xf32>, vector<1x8x144xf32>, vector<1x8x144xf32>, vector<1x8x144xf32>, vector<1x8x144xf32>, vector<1x8x144xf32>, vector<1x8x144xf32>, vector<1x8x144xf32>, vector<1x8x144xf32>, vector<1x8x144xf32>, vector<1x8x144xf32>, vector<1x8x144xf32>, vector<1x8x144xf32>, vector<1x8x144xf32>, vector<1x8x144xf32>, vector<1x8x144xf32>, vector<1x8x144xf32>, vector<1x8x144xf32>, vector<1x8x144xf32>, vector<1x8x144xf32>, vector<1x8x144xf32>, vector<1x8x144xf32>, vector<1x8x144xf32>, vector<1x8x144xf32>, vector<1x8x144xf32> -> vector<64x8x144xf32>
    %iota3A_1657 = tpu.iota {dimensions = array<i32: 2>} : vector<64x8x144xi32>
    %iota3A_1658 = tpu.iota {dimensions = array<i32: 1>} : vector<64x8x144xi32>
    %jit3A_1659 = arith.constant 36 : i32
    %div3A = vector.broadcast %jit3A_1659 : i32 to vector<64x8x144xi32>
    %div3A_1660 = arith.divsi %iota3A_1657, %div3A : vector<64x8x144xi32>
    %sign3A = arith.constant 0 : i32
    %sign3A_1661 = vector.broadcast %sign3A : i32 to vector<64x8x144xi32>
    %sign3A_1662 = arith.cmpi sgt, %iota3A_1657, %sign3A_1661 : vector<64x8x144xi32>
    %sign3A_1663 = arith.extui %sign3A_1662 : vector<64x8x144xi1> to vector<64x8x144xi32>
    %sign3A_1664 = arith.constant 0 : i32
    %sign3A_1665 = vector.broadcast %sign3A_1664 : i32 to vector<64x8x144xi32>
    %sign3A_1666 = arith.cmpi slt, %iota3A_1657, %sign3A_1665 : vector<64x8x144xi32>
    %sign3A_1667 = arith.extui %sign3A_1666 : vector<64x8x144xi1> to vector<64x8x144xi32>
    %sign3A_1668 = arith.subi %sign3A_1663, %sign3A_1667 : vector<64x8x144xi32>
    %sign3A_1669 = arith.constant 0 : i32
    %sign3A_1670 = arith.cmpi sgt, %jit3A_1659, %sign3A_1669 : i32
    %sign3A_1671 = arith.extui %sign3A_1670 : i1 to i32
    %sign3A_1672 = arith.constant 0 : i32
    %sign3A_1673 = arith.cmpi slt, %jit3A_1659, %sign3A_1672 : i32
    %sign3A_1674 = arith.extui %sign3A_1673 : i1 to i32
    %sign3A_1675 = arith.subi %sign3A_1671, %sign3A_1674 : i32
    %ne3A = vector.broadcast %sign3A_1675 : i32 to vector<64x8x144xi32>
    %ne3A_1676 = arith.cmpi ne, %sign3A_1668, %ne3A : vector<64x8x144xi32>
    %rem3A = vector.broadcast %jit3A_1659 : i32 to vector<64x8x144xi32>
    %rem3A_1677 = arith.remsi %iota3A_1657, %rem3A : vector<64x8x144xi32>
    %ne3A_1678 = arith.constant 0 : i32
    %ne3A_1679 = vector.broadcast %ne3A_1678 : i32 to vector<64x8x144xi32>
    %ne3A_1680 = arith.cmpi ne, %rem3A_1677, %ne3A_1679 : vector<64x8x144xi32>
    %and3A = arith.andi %ne3A_1676, %ne3A_1680 : vector<64x8x144xi1>
    %sub3A = arith.constant 1 : i32
    %sub3A_1681 = vector.broadcast %sub3A : i32 to vector<64x8x144xi32>
    %sub3A_1682 = arith.subi %div3A_1660, %sub3A_1681 : vector<64x8x144xi32>
    %select_n3A_1683 = arith.select %and3A, %sub3A_1682, %div3A_1660 : vector<64x8x144xi1>, vector<64x8x144xi32>
    %mul3A = arith.constant 8 : i32
    %mul3A_1684 = vector.broadcast %mul3A : i32 to vector<64x8x144xi32>
    %mul3A_1685 = arith.muli %select_n3A_1683, %mul3A_1684 : vector<64x8x144xi32>
    %add3A = arith.addi %mul3A_1685, %iota3A_1658 : vector<64x8x144xi32>
    %broadcast_in_dim3A_1686 = vector.shape_cast %concatenate3A : vector<64x36xf32> to vector<64x1x36xf32>
    %broadcast_in_dim3A_1687 = vector.shape_cast %broadcast_in_dim3A_1686 : vector<64x1x36xf32> to vector<64x1x36xf32>
    %broadcast_in_dim3A_1688 = vector.broadcast %broadcast_in_dim3A_1687 : vector<64x1x36xf32> to vector<64x8x36xf32>
    %concatenate3A_1689 = tpu.concatenate %broadcast_in_dim3A_1688, %broadcast_in_dim3A_1688, %broadcast_in_dim3A_1688, %broadcast_in_dim3A_1688 in 2 : vector<64x8x36xf32>, vector<64x8x36xf32>, vector<64x8x36xf32>, vector<64x8x36xf32> -> vector<64x8x144xf32>
    %convert_element_type3A_1690 = arith.sitofp %add3A : vector<64x8x144xi32> to vector<64x8x144xf32>
    %mul3A_1691 = arith.constant 1.024000e+03 : f32
    %mul3A_1692 = vector.broadcast %mul3A_1691 : f32 to vector<64x8x144xf32>
    %mul3A_1693 = arith.mulf %convert_element_type3A_1690, %mul3A_1692 : vector<64x8x144xf32>
    %add3A_1694 = arith.addf %mul3A_1693, %concatenate3A_1689 : vector<64x8x144xf32>
    %logistic3A = arith.negf %concatenate3A_1656 : vector<64x8x144xf32>
    %logistic3A_1695 = math.exp %logistic3A : vector<64x8x144xf32>
    %logistic3A_1696 = arith.constant 1.000000e+00 : f32
    %logistic3A_1697 = vector.broadcast %logistic3A_1696 : f32 to vector<64x8x144xf32>
    %logistic3A_1698 = arith.addf %logistic3A_1697, %logistic3A_1695 : vector<64x8x144xf32>
    %logistic3A_1699 = arith.divf %logistic3A_1697, %logistic3A_1698 : vector<64x8x144xf32>
    %reduce_max3A_1700 = arith.constant dense<0xFF800000> : vector<64x8xf32>
    %reduce_max3A_1701 = vector.multi_reduction <maximumf>, %logistic3A_1699, %reduce_max3A_1700 [2] : vector<64x8x144xf32> to vector<64x8xf32>
    %reduce_max3A_1702 = arith.constant dense<0xFF800000> : vector<64xf32>
    %reduce_max3A_1703 = vector.multi_reduction <maximumf>, %reduce_max3A_1701, %reduce_max3A_1702 [1] : vector<64x8xf32> to vector<64xf32>
    %broadcast_in_dim3A_1704 = vector.shape_cast %reduce_max3A_1703 : vector<64xf32> to vector<64x1x1xf32>
    %eq3A_1705 = vector.broadcast %broadcast_in_dim3A_1704 : vector<64x1x1xf32> to vector<64x8x144xf32>
    %eq3A_1706 = arith.cmpf oeq, %logistic3A_1699, %eq3A_1705 : vector<64x8x144xf32>
    %jit3A_1707 = arith.constant 1.000000e+09 : f32
    %broadcast_in_dim3A_1708 = vector.broadcast %jit3A_1707 : f32 to vector<64x8x144xf32>
    %select_n3A_1709 = arith.select %eq3A_1706, %add3A_1694, %broadcast_in_dim3A_1708 : vector<64x8x144xi1>, vector<64x8x144xf32>
    %reduce_min3A_1710 = arith.constant dense<0x7F800000> : vector<64x8xf32>
    %reduce_min3A_1711 = vector.multi_reduction <minimumf>, %select_n3A_1709, %reduce_min3A_1710 [2] : vector<64x8x144xf32> to vector<64x8xf32>
    %reduce_min3A_1712 = arith.constant dense<0x7F800000> : vector<64xf32>
    %reduce_min3A_1713 = vector.multi_reduction <minimumf>, %reduce_min3A_1711, %reduce_min3A_1712 [1] : vector<64x8xf32> to vector<64xf32>
    %broadcast_in_dim3A_1714 = vector.shape_cast %reduce_min3A_1713 : vector<64xf32> to vector<64x1x1xf32>
    %squeeze3A_1715 = vector.shape_cast %broadcast_in_dim3A_1714 : vector<64x1x1xf32> to vector<64x1xf32>
    %squeeze3A_1716 = vector.shape_cast %broadcast_in_dim3A_1704 : vector<64x1x1xf32> to vector<64x1xf32>
    %eq3A_1717 = vector.broadcast %broadcast_in_dim3A_1714 : vector<64x1x1xf32> to vector<64x8x144xf32>
    %eq3A_1718 = arith.cmpf oeq, %add3A_1694, %eq3A_1717 : vector<64x8x144xf32>
    %jit3A_1719 = arith.constant -1.000000e+00 : f32
    %broadcast_in_dim3A_1720 = vector.broadcast %jit3A_1719 : f32 to vector<64x8x144xf32>
    %select_n3A_1721 = arith.select %eq3A_1718, %broadcast_in_dim3A_1720, %logistic3A_1699 : vector<64x8x144xi1>, vector<64x8x144xf32>
    %reduce_max3A_1722 = arith.constant dense<0xFF800000> : vector<64x8xf32>
    %reduce_max3A_1723 = vector.multi_reduction <maximumf>, %select_n3A_1721, %reduce_max3A_1722 [2] : vector<64x8x144xf32> to vector<64x8xf32>
    %reduce_max3A_1724 = arith.constant dense<0xFF800000> : vector<64xf32>
    %reduce_max3A_1725 = vector.multi_reduction <maximumf>, %reduce_max3A_1723, %reduce_max3A_1724 [1] : vector<64x8xf32> to vector<64xf32>
    %broadcast_in_dim3A_1726 = vector.shape_cast %reduce_max3A_1725 : vector<64xf32> to vector<64x1x1xf32>
    %eq3A_1727 = vector.broadcast %broadcast_in_dim3A_1726 : vector<64x1x1xf32> to vector<64x8x144xf32>
    %eq3A_1728 = arith.cmpf oeq, %select_n3A_1721, %eq3A_1727 : vector<64x8x144xf32>
    %jit3A_1729 = arith.constant 1.000000e+09 : f32
    %broadcast_in_dim3A_1730 = vector.broadcast %jit3A_1729 : f32 to vector<64x8x144xf32>
    %select_n3A_1731 = arith.select %eq3A_1728, %add3A_1694, %broadcast_in_dim3A_1730 : vector<64x8x144xi1>, vector<64x8x144xf32>
    %reduce_min3A_1732 = arith.constant dense<0x7F800000> : vector<64x8xf32>
    %reduce_min3A_1733 = vector.multi_reduction <minimumf>, %select_n3A_1731, %reduce_min3A_1732 [2] : vector<64x8x144xf32> to vector<64x8xf32>
    %reduce_min3A_1734 = arith.constant dense<0x7F800000> : vector<64xf32>
    %reduce_min3A_1735 = vector.multi_reduction <minimumf>, %reduce_min3A_1733, %reduce_min3A_1734 [1] : vector<64x8xf32> to vector<64xf32>
    %broadcast_in_dim3A_1736 = vector.shape_cast %reduce_min3A_1735 : vector<64xf32> to vector<64x1x1xf32>
    %squeeze3A_1737 = vector.shape_cast %broadcast_in_dim3A_1736 : vector<64x1x1xf32> to vector<64x1xf32>
    %squeeze3A_1738 = vector.shape_cast %broadcast_in_dim3A_1726 : vector<64x1x1xf32> to vector<64x1xf32>
    %eq3A_1739 = vector.broadcast %broadcast_in_dim3A_1736 : vector<64x1x1xf32> to vector<64x8x144xf32>
    %eq3A_1740 = arith.cmpf oeq, %add3A_1694, %eq3A_1739 : vector<64x8x144xf32>
    %jit3A_1741 = arith.constant -1.000000e+00 : f32
    %broadcast_in_dim3A_1742 = vector.broadcast %jit3A_1741 : f32 to vector<64x8x144xf32>
    %select_n3A_1743 = arith.select %eq3A_1740, %broadcast_in_dim3A_1742, %select_n3A_1721 : vector<64x8x144xi1>, vector<64x8x144xf32>
    %reduce_max3A_1744 = arith.constant dense<0xFF800000> : vector<64x8xf32>
    %reduce_max3A_1745 = vector.multi_reduction <maximumf>, %select_n3A_1743, %reduce_max3A_1744 [2] : vector<64x8x144xf32> to vector<64x8xf32>
    %reduce_max3A_1746 = arith.constant dense<0xFF800000> : vector<64xf32>
    %reduce_max3A_1747 = vector.multi_reduction <maximumf>, %reduce_max3A_1745, %reduce_max3A_1746 [1] : vector<64x8xf32> to vector<64xf32>
    %broadcast_in_dim3A_1748 = vector.shape_cast %reduce_max3A_1747 : vector<64xf32> to vector<64x1x1xf32>
    %eq3A_1749 = vector.broadcast %broadcast_in_dim3A_1748 : vector<64x1x1xf32> to vector<64x8x144xf32>
    %eq3A_1750 = arith.cmpf oeq, %select_n3A_1743, %eq3A_1749 : vector<64x8x144xf32>
    %jit3A_1751 = arith.constant 1.000000e+09 : f32
    %broadcast_in_dim3A_1752 = vector.broadcast %jit3A_1751 : f32 to vector<64x8x144xf32>
    %select_n3A_1753 = arith.select %eq3A_1750, %add3A_1694, %broadcast_in_dim3A_1752 : vector<64x8x144xi1>, vector<64x8x144xf32>
    %reduce_min3A_1754 = arith.constant dense<0x7F800000> : vector<64x8xf32>
    %reduce_min3A_1755 = vector.multi_reduction <minimumf>, %select_n3A_1753, %reduce_min3A_1754 [2] : vector<64x8x144xf32> to vector<64x8xf32>
    %reduce_min3A_1756 = arith.constant dense<0x7F800000> : vector<64xf32>
    %reduce_min3A_1757 = vector.multi_reduction <minimumf>, %reduce_min3A_1755, %reduce_min3A_1756 [1] : vector<64x8xf32> to vector<64xf32>
    %broadcast_in_dim3A_1758 = vector.shape_cast %reduce_min3A_1757 : vector<64xf32> to vector<64x1x1xf32>
    %squeeze3A_1759 = vector.shape_cast %broadcast_in_dim3A_1758 : vector<64x1x1xf32> to vector<64x1xf32>
    %squeeze3A_1760 = vector.shape_cast %broadcast_in_dim3A_1748 : vector<64x1x1xf32> to vector<64x1xf32>
    %eq3A_1761 = vector.broadcast %broadcast_in_dim3A_1758 : vector<64x1x1xf32> to vector<64x8x144xf32>
    %eq3A_1762 = arith.cmpf oeq, %add3A_1694, %eq3A_1761 : vector<64x8x144xf32>
    %jit3A_1763 = arith.constant -1.000000e+00 : f32
    %broadcast_in_dim3A_1764 = vector.broadcast %jit3A_1763 : f32 to vector<64x8x144xf32>
    %select_n3A_1765 = arith.select %eq3A_1762, %broadcast_in_dim3A_1764, %select_n3A_1743 : vector<64x8x144xi1>, vector<64x8x144xf32>
    %reduce_max3A_1766 = arith.constant dense<0xFF800000> : vector<64x8xf32>
    %reduce_max3A_1767 = vector.multi_reduction <maximumf>, %select_n3A_1765, %reduce_max3A_1766 [2] : vector<64x8x144xf32> to vector<64x8xf32>
    %reduce_max3A_1768 = arith.constant dense<0xFF800000> : vector<64xf32>
    %reduce_max3A_1769 = vector.multi_reduction <maximumf>, %reduce_max3A_1767, %reduce_max3A_1768 [1] : vector<64x8xf32> to vector<64xf32>
    %broadcast_in_dim3A_1770 = vector.shape_cast %reduce_max3A_1769 : vector<64xf32> to vector<64x1x1xf32>
    %eq3A_1771 = vector.broadcast %broadcast_in_dim3A_1770 : vector<64x1x1xf32> to vector<64x8x144xf32>
    %eq3A_1772 = arith.cmpf oeq, %select_n3A_1765, %eq3A_1771 : vector<64x8x144xf32>
    %jit3A_1773 = arith.constant 1.000000e+09 : f32
    %broadcast_in_dim3A_1774 = vector.broadcast %jit3A_1773 : f32 to vector<64x8x144xf32>
    %select_n3A_1775 = arith.select %eq3A_1772, %add3A_1694, %broadcast_in_dim3A_1774 : vector<64x8x144xi1>, vector<64x8x144xf32>
    %reduce_min3A_1776 = arith.constant dense<0x7F800000> : vector<64x8xf32>
    %reduce_min3A_1777 = vector.multi_reduction <minimumf>, %select_n3A_1775, %reduce_min3A_1776 [2] : vector<64x8x144xf32> to vector<64x8xf32>
    %reduce_min3A_1778 = arith.constant dense<0x7F800000> : vector<64xf32>
    %reduce_min3A_1779 = vector.multi_reduction <minimumf>, %reduce_min3A_1777, %reduce_min3A_1778 [1] : vector<64x8xf32> to vector<64xf32>
    %broadcast_in_dim3A_1780 = vector.shape_cast %reduce_min3A_1779 : vector<64xf32> to vector<64x1x1xf32>
    %squeeze3A_1781 = vector.shape_cast %broadcast_in_dim3A_1780 : vector<64x1x1xf32> to vector<64x1xf32>
    %squeeze3A_1782 = vector.shape_cast %broadcast_in_dim3A_1770 : vector<64x1x1xf32> to vector<64x1xf32>
    %eq3A_1783 = vector.broadcast %broadcast_in_dim3A_1780 : vector<64x1x1xf32> to vector<64x8x144xf32>
    %eq3A_1784 = arith.cmpf oeq, %add3A_1694, %eq3A_1783 : vector<64x8x144xf32>
    %jit3A_1785 = arith.constant -1.000000e+00 : f32
    %broadcast_in_dim3A_1786 = vector.broadcast %jit3A_1785 : f32 to vector<64x8x144xf32>
    %select_n3A_1787 = arith.select %eq3A_1784, %broadcast_in_dim3A_1786, %select_n3A_1765 : vector<64x8x144xi1>, vector<64x8x144xf32>
    %reduce_max3A_1788 = arith.constant dense<0xFF800000> : vector<64x8xf32>
    %reduce_max3A_1789 = vector.multi_reduction <maximumf>, %select_n3A_1787, %reduce_max3A_1788 [2] : vector<64x8x144xf32> to vector<64x8xf32>
    %reduce_max3A_1790 = arith.constant dense<0xFF800000> : vector<64xf32>
    %reduce_max3A_1791 = vector.multi_reduction <maximumf>, %reduce_max3A_1789, %reduce_max3A_1790 [1] : vector<64x8xf32> to vector<64xf32>
    %broadcast_in_dim3A_1792 = vector.shape_cast %reduce_max3A_1791 : vector<64xf32> to vector<64x1x1xf32>
    %eq3A_1793 = vector.broadcast %broadcast_in_dim3A_1792 : vector<64x1x1xf32> to vector<64x8x144xf32>
    %eq3A_1794 = arith.cmpf oeq, %select_n3A_1787, %eq3A_1793 : vector<64x8x144xf32>
    %jit3A_1795 = arith.constant 1.000000e+09 : f32
    %broadcast_in_dim3A_1796 = vector.broadcast %jit3A_1795 : f32 to vector<64x8x144xf32>
    %select_n3A_1797 = arith.select %eq3A_1794, %add3A_1694, %broadcast_in_dim3A_1796 : vector<64x8x144xi1>, vector<64x8x144xf32>
    %reduce_min3A_1798 = arith.constant dense<0x7F800000> : vector<64x8xf32>
    %reduce_min3A_1799 = vector.multi_reduction <minimumf>, %select_n3A_1797, %reduce_min3A_1798 [2] : vector<64x8x144xf32> to vector<64x8xf32>
    %reduce_min3A_1800 = arith.constant dense<0x7F800000> : vector<64xf32>
    %reduce_min3A_1801 = vector.multi_reduction <minimumf>, %reduce_min3A_1799, %reduce_min3A_1800 [1] : vector<64x8xf32> to vector<64xf32>
    %broadcast_in_dim3A_1802 = vector.shape_cast %reduce_min3A_1801 : vector<64xf32> to vector<64x1x1xf32>
    %squeeze3A_1803 = vector.shape_cast %broadcast_in_dim3A_1802 : vector<64x1x1xf32> to vector<64x1xf32>
    %squeeze3A_1804 = vector.shape_cast %broadcast_in_dim3A_1792 : vector<64x1x1xf32> to vector<64x1xf32>
    %eq3A_1805 = vector.broadcast %broadcast_in_dim3A_1802 : vector<64x1x1xf32> to vector<64x8x144xf32>
    %eq3A_1806 = arith.cmpf oeq, %add3A_1694, %eq3A_1805 : vector<64x8x144xf32>
    %jit3A_1807 = arith.constant -1.000000e+00 : f32
    %broadcast_in_dim3A_1808 = vector.broadcast %jit3A_1807 : f32 to vector<64x8x144xf32>
    %select_n3A_1809 = arith.select %eq3A_1806, %broadcast_in_dim3A_1808, %select_n3A_1787 : vector<64x8x144xi1>, vector<64x8x144xf32>
    %reduce_max3A_1810 = arith.constant dense<0xFF800000> : vector<64x8xf32>
    %reduce_max3A_1811 = vector.multi_reduction <maximumf>, %select_n3A_1809, %reduce_max3A_1810 [2] : vector<64x8x144xf32> to vector<64x8xf32>
    %reduce_max3A_1812 = arith.constant dense<0xFF800000> : vector<64xf32>
    %reduce_max3A_1813 = vector.multi_reduction <maximumf>, %reduce_max3A_1811, %reduce_max3A_1812 [1] : vector<64x8xf32> to vector<64xf32>
    %broadcast_in_dim3A_1814 = vector.shape_cast %reduce_max3A_1813 : vector<64xf32> to vector<64x1x1xf32>
    %eq3A_1815 = vector.broadcast %broadcast_in_dim3A_1814 : vector<64x1x1xf32> to vector<64x8x144xf32>
    %eq3A_1816 = arith.cmpf oeq, %select_n3A_1809, %eq3A_1815 : vector<64x8x144xf32>
    %jit3A_1817 = arith.constant 1.000000e+09 : f32
    %broadcast_in_dim3A_1818 = vector.broadcast %jit3A_1817 : f32 to vector<64x8x144xf32>
    %select_n3A_1819 = arith.select %eq3A_1816, %add3A_1694, %broadcast_in_dim3A_1818 : vector<64x8x144xi1>, vector<64x8x144xf32>
    %reduce_min3A_1820 = arith.constant dense<0x7F800000> : vector<64x8xf32>
    %reduce_min3A_1821 = vector.multi_reduction <minimumf>, %select_n3A_1819, %reduce_min3A_1820 [2] : vector<64x8x144xf32> to vector<64x8xf32>
    %reduce_min3A_1822 = arith.constant dense<0x7F800000> : vector<64xf32>
    %reduce_min3A_1823 = vector.multi_reduction <minimumf>, %reduce_min3A_1821, %reduce_min3A_1822 [1] : vector<64x8xf32> to vector<64xf32>
    %broadcast_in_dim3A_1824 = vector.shape_cast %reduce_min3A_1823 : vector<64xf32> to vector<64x1x1xf32>
    %squeeze3A_1825 = vector.shape_cast %broadcast_in_dim3A_1824 : vector<64x1x1xf32> to vector<64x1xf32>
    %squeeze3A_1826 = vector.shape_cast %broadcast_in_dim3A_1814 : vector<64x1x1xf32> to vector<64x1xf32>
    %eq3A_1827 = vector.broadcast %broadcast_in_dim3A_1824 : vector<64x1x1xf32> to vector<64x8x144xf32>
    %eq3A_1828 = arith.cmpf oeq, %add3A_1694, %eq3A_1827 : vector<64x8x144xf32>
    %jit3A_1829 = arith.constant -1.000000e+00 : f32
    %broadcast_in_dim3A_1830 = vector.broadcast %jit3A_1829 : f32 to vector<64x8x144xf32>
    %select_n3A_1831 = arith.select %eq3A_1828, %broadcast_in_dim3A_1830, %select_n3A_1809 : vector<64x8x144xi1>, vector<64x8x144xf32>
    %reduce_max3A_1832 = arith.constant dense<0xFF800000> : vector<64x8xf32>
    %reduce_max3A_1833 = vector.multi_reduction <maximumf>, %select_n3A_1831, %reduce_max3A_1832 [2] : vector<64x8x144xf32> to vector<64x8xf32>
    %reduce_max3A_1834 = arith.constant dense<0xFF800000> : vector<64xf32>
    %reduce_max3A_1835 = vector.multi_reduction <maximumf>, %reduce_max3A_1833, %reduce_max3A_1834 [1] : vector<64x8xf32> to vector<64xf32>
    %broadcast_in_dim3A_1836 = vector.shape_cast %reduce_max3A_1835 : vector<64xf32> to vector<64x1x1xf32>
    %eq3A_1837 = vector.broadcast %broadcast_in_dim3A_1836 : vector<64x1x1xf32> to vector<64x8x144xf32>
    %eq3A_1838 = arith.cmpf oeq, %select_n3A_1831, %eq3A_1837 : vector<64x8x144xf32>
    %jit3A_1839 = arith.constant 1.000000e+09 : f32
    %broadcast_in_dim3A_1840 = vector.broadcast %jit3A_1839 : f32 to vector<64x8x144xf32>
    %select_n3A_1841 = arith.select %eq3A_1838, %add3A_1694, %broadcast_in_dim3A_1840 : vector<64x8x144xi1>, vector<64x8x144xf32>
    %reduce_min3A_1842 = arith.constant dense<0x7F800000> : vector<64x8xf32>
    %reduce_min3A_1843 = vector.multi_reduction <minimumf>, %select_n3A_1841, %reduce_min3A_1842 [2] : vector<64x8x144xf32> to vector<64x8xf32>
    %reduce_min3A_1844 = arith.constant dense<0x7F800000> : vector<64xf32>
    %reduce_min3A_1845 = vector.multi_reduction <minimumf>, %reduce_min3A_1843, %reduce_min3A_1844 [1] : vector<64x8xf32> to vector<64xf32>
    %broadcast_in_dim3A_1846 = vector.shape_cast %reduce_min3A_1845 : vector<64xf32> to vector<64x1x1xf32>
    %squeeze3A_1847 = vector.shape_cast %broadcast_in_dim3A_1846 : vector<64x1x1xf32> to vector<64x1xf32>
    %squeeze3A_1848 = vector.shape_cast %broadcast_in_dim3A_1836 : vector<64x1x1xf32> to vector<64x1xf32>
    %eq3A_1849 = vector.broadcast %broadcast_in_dim3A_1846 : vector<64x1x1xf32> to vector<64x8x144xf32>
    %eq3A_1850 = arith.cmpf oeq, %add3A_1694, %eq3A_1849 : vector<64x8x144xf32>
    %jit3A_1851 = arith.constant -1.000000e+00 : f32
    %broadcast_in_dim3A_1852 = vector.broadcast %jit3A_1851 : f32 to vector<64x8x144xf32>
    %select_n3A_1853 = arith.select %eq3A_1850, %broadcast_in_dim3A_1852, %select_n3A_1831 : vector<64x8x144xi1>, vector<64x8x144xf32>
    %reduce_max3A_1854 = arith.constant dense<0xFF800000> : vector<64x8xf32>
    %reduce_max3A_1855 = vector.multi_reduction <maximumf>, %select_n3A_1853, %reduce_max3A_1854 [2] : vector<64x8x144xf32> to vector<64x8xf32>
    %reduce_max3A_1856 = arith.constant dense<0xFF800000> : vector<64xf32>
    %reduce_max3A_1857 = vector.multi_reduction <maximumf>, %reduce_max3A_1855, %reduce_max3A_1856 [1] : vector<64x8xf32> to vector<64xf32>
    %broadcast_in_dim3A_1858 = vector.shape_cast %reduce_max3A_1857 : vector<64xf32> to vector<64x1x1xf32>
    %eq3A_1859 = vector.broadcast %broadcast_in_dim3A_1858 : vector<64x1x1xf32> to vector<64x8x144xf32>
    %eq3A_1860 = arith.cmpf oeq, %select_n3A_1853, %eq3A_1859 : vector<64x8x144xf32>
    %jit3A_1861 = arith.constant 1.000000e+09 : f32
    %broadcast_in_dim3A_1862 = vector.broadcast %jit3A_1861 : f32 to vector<64x8x144xf32>
    %select_n3A_1863 = arith.select %eq3A_1860, %add3A_1694, %broadcast_in_dim3A_1862 : vector<64x8x144xi1>, vector<64x8x144xf32>
    %reduce_min3A_1864 = arith.constant dense<0x7F800000> : vector<64x8xf32>
    %reduce_min3A_1865 = vector.multi_reduction <minimumf>, %select_n3A_1863, %reduce_min3A_1864 [2] : vector<64x8x144xf32> to vector<64x8xf32>
    %reduce_min3A_1866 = arith.constant dense<0x7F800000> : vector<64xf32>
    %reduce_min3A_1867 = vector.multi_reduction <minimumf>, %reduce_min3A_1865, %reduce_min3A_1866 [1] : vector<64x8xf32> to vector<64xf32>
    %broadcast_in_dim3A_1868 = vector.shape_cast %reduce_min3A_1867 : vector<64xf32> to vector<64x1x1xf32>
    %squeeze3A_1869 = vector.shape_cast %broadcast_in_dim3A_1868 : vector<64x1x1xf32> to vector<64x1xf32>
    %squeeze3A_1870 = vector.shape_cast %broadcast_in_dim3A_1858 : vector<64x1x1xf32> to vector<64x1xf32>
    %eq3A_1871 = vector.broadcast %broadcast_in_dim3A_1868 : vector<64x1x1xf32> to vector<64x8x144xf32>
    %eq3A_1872 = arith.cmpf oeq, %add3A_1694, %eq3A_1871 : vector<64x8x144xf32>
    %jit3A_1873 = arith.constant -1.000000e+00 : f32
    %broadcast_in_dim3A_1874 = vector.broadcast %jit3A_1873 : f32 to vector<64x8x144xf32>
    %select_n3A_1875 = arith.select %eq3A_1872, %broadcast_in_dim3A_1874, %select_n3A_1853 : vector<64x8x144xi1>, vector<64x8x144xf32>
    %reduce_max3A_1876 = arith.constant dense<0xFF800000> : vector<64x8xf32>
    %reduce_max3A_1877 = vector.multi_reduction <maximumf>, %select_n3A_1875, %reduce_max3A_1876 [2] : vector<64x8x144xf32> to vector<64x8xf32>
    %reduce_max3A_1878 = arith.constant dense<0xFF800000> : vector<64xf32>
    %reduce_max3A_1879 = vector.multi_reduction <maximumf>, %reduce_max3A_1877, %reduce_max3A_1878 [1] : vector<64x8xf32> to vector<64xf32>
    %broadcast_in_dim3A_1880 = vector.shape_cast %reduce_max3A_1879 : vector<64xf32> to vector<64x1x1xf32>
    %eq3A_1881 = vector.broadcast %broadcast_in_dim3A_1880 : vector<64x1x1xf32> to vector<64x8x144xf32>
    %eq3A_1882 = arith.cmpf oeq, %select_n3A_1875, %eq3A_1881 : vector<64x8x144xf32>
    %jit3A_1883 = arith.constant 1.000000e+09 : f32
    %broadcast_in_dim3A_1884 = vector.broadcast %jit3A_1883 : f32 to vector<64x8x144xf32>
    %select_n3A_1885 = arith.select %eq3A_1882, %add3A_1694, %broadcast_in_dim3A_1884 : vector<64x8x144xi1>, vector<64x8x144xf32>
    %reduce_min3A_1886 = arith.constant dense<0x7F800000> : vector<64x8xf32>
    %reduce_min3A_1887 = vector.multi_reduction <minimumf>, %select_n3A_1885, %reduce_min3A_1886 [2] : vector<64x8x144xf32> to vector<64x8xf32>
    %reduce_min3A_1888 = arith.constant dense<0x7F800000> : vector<64xf32>
    %reduce_min3A_1889 = vector.multi_reduction <minimumf>, %reduce_min3A_1887, %reduce_min3A_1888 [1] : vector<64x8xf32> to vector<64xf32>
    %broadcast_in_dim3A_1890 = vector.shape_cast %reduce_min3A_1889 : vector<64xf32> to vector<64x1x1xf32>
    %squeeze3A_1891 = vector.shape_cast %broadcast_in_dim3A_1890 : vector<64x1x1xf32> to vector<64x1xf32>
    %squeeze3A_1892 = vector.shape_cast %broadcast_in_dim3A_1880 : vector<64x1x1xf32> to vector<64x1xf32>
    %eq3A_1893 = vector.broadcast %broadcast_in_dim3A_1890 : vector<64x1x1xf32> to vector<64x8x144xf32>
    %eq3A_1894 = arith.cmpf oeq, %add3A_1694, %eq3A_1893 : vector<64x8x144xf32>
    %jit3A_1895 = arith.constant -1.000000e+00 : f32
    %broadcast_in_dim3A_1896 = vector.broadcast %jit3A_1895 : f32 to vector<64x8x144xf32>
    %select_n3A_1897 = arith.select %eq3A_1894, %broadcast_in_dim3A_1896, %select_n3A_1875 : vector<64x8x144xi1>, vector<64x8x144xf32>
    %reduce_max3A_1898 = arith.constant dense<0xFF800000> : vector<64x8xf32>
    %reduce_max3A_1899 = vector.multi_reduction <maximumf>, %select_n3A_1897, %reduce_max3A_1898 [2] : vector<64x8x144xf32> to vector<64x8xf32>
    %reduce_max3A_1900 = arith.constant dense<0xFF800000> : vector<64xf32>
    %reduce_max3A_1901 = vector.multi_reduction <maximumf>, %reduce_max3A_1899, %reduce_max3A_1900 [1] : vector<64x8xf32> to vector<64xf32>
    %broadcast_in_dim3A_1902 = vector.shape_cast %reduce_max3A_1901 : vector<64xf32> to vector<64x1x1xf32>
    %eq3A_1903 = vector.broadcast %broadcast_in_dim3A_1902 : vector<64x1x1xf32> to vector<64x8x144xf32>
    %eq3A_1904 = arith.cmpf oeq, %select_n3A_1897, %eq3A_1903 : vector<64x8x144xf32>
    %jit3A_1905 = arith.constant 1.000000e+09 : f32
    %broadcast_in_dim3A_1906 = vector.broadcast %jit3A_1905 : f32 to vector<64x8x144xf32>
    %select_n3A_1907 = arith.select %eq3A_1904, %add3A_1694, %broadcast_in_dim3A_1906 : vector<64x8x144xi1>, vector<64x8x144xf32>
    %reduce_min3A_1908 = arith.constant dense<0x7F800000> : vector<64x8xf32>
    %reduce_min3A_1909 = vector.multi_reduction <minimumf>, %select_n3A_1907, %reduce_min3A_1908 [2] : vector<64x8x144xf32> to vector<64x8xf32>
    %reduce_min3A_1910 = arith.constant dense<0x7F800000> : vector<64xf32>
    %reduce_min3A_1911 = vector.multi_reduction <minimumf>, %reduce_min3A_1909, %reduce_min3A_1910 [1] : vector<64x8xf32> to vector<64xf32>
    %broadcast_in_dim3A_1912 = vector.shape_cast %reduce_min3A_1911 : vector<64xf32> to vector<64x1x1xf32>
    %squeeze3A_1913 = vector.shape_cast %broadcast_in_dim3A_1912 : vector<64x1x1xf32> to vector<64x1xf32>
    %squeeze3A_1914 = vector.shape_cast %broadcast_in_dim3A_1902 : vector<64x1x1xf32> to vector<64x1xf32>
    %eq3A_1915 = vector.broadcast %broadcast_in_dim3A_1912 : vector<64x1x1xf32> to vector<64x8x144xf32>
    %eq3A_1916 = arith.cmpf oeq, %add3A_1694, %eq3A_1915 : vector<64x8x144xf32>
    %jit3A_1917 = arith.constant -1.000000e+00 : f32
    %broadcast_in_dim3A_1918 = vector.broadcast %jit3A_1917 : f32 to vector<64x8x144xf32>
    %select_n3A_1919 = arith.select %eq3A_1916, %broadcast_in_dim3A_1918, %select_n3A_1897 : vector<64x8x144xi1>, vector<64x8x144xf32>
    %reduce_max3A_1920 = arith.constant dense<0xFF800000> : vector<64x8xf32>
    %reduce_max3A_1921 = vector.multi_reduction <maximumf>, %select_n3A_1919, %reduce_max3A_1920 [2] : vector<64x8x144xf32> to vector<64x8xf32>
    %reduce_max3A_1922 = arith.constant dense<0xFF800000> : vector<64xf32>
    %reduce_max3A_1923 = vector.multi_reduction <maximumf>, %reduce_max3A_1921, %reduce_max3A_1922 [1] : vector<64x8xf32> to vector<64xf32>
    %broadcast_in_dim3A_1924 = vector.shape_cast %reduce_max3A_1923 : vector<64xf32> to vector<64x1x1xf32>
    %eq3A_1925 = vector.broadcast %broadcast_in_dim3A_1924 : vector<64x1x1xf32> to vector<64x8x144xf32>
    %eq3A_1926 = arith.cmpf oeq, %select_n3A_1919, %eq3A_1925 : vector<64x8x144xf32>
    %jit3A_1927 = arith.constant 1.000000e+09 : f32
    %broadcast_in_dim3A_1928 = vector.broadcast %jit3A_1927 : f32 to vector<64x8x144xf32>
    %select_n3A_1929 = arith.select %eq3A_1926, %add3A_1694, %broadcast_in_dim3A_1928 : vector<64x8x144xi1>, vector<64x8x144xf32>
    %reduce_min3A_1930 = arith.constant dense<0x7F800000> : vector<64x8xf32>
    %reduce_min3A_1931 = vector.multi_reduction <minimumf>, %select_n3A_1929, %reduce_min3A_1930 [2] : vector<64x8x144xf32> to vector<64x8xf32>
    %reduce_min3A_1932 = arith.constant dense<0x7F800000> : vector<64xf32>
    %reduce_min3A_1933 = vector.multi_reduction <minimumf>, %reduce_min3A_1931, %reduce_min3A_1932 [1] : vector<64x8xf32> to vector<64xf32>
    %broadcast_in_dim3A_1934 = vector.shape_cast %reduce_min3A_1933 : vector<64xf32> to vector<64x1x1xf32>
    %squeeze3A_1935 = vector.shape_cast %broadcast_in_dim3A_1934 : vector<64x1x1xf32> to vector<64x1xf32>
    %squeeze3A_1936 = vector.shape_cast %broadcast_in_dim3A_1924 : vector<64x1x1xf32> to vector<64x1xf32>
    %eq3A_1937 = vector.broadcast %broadcast_in_dim3A_1934 : vector<64x1x1xf32> to vector<64x8x144xf32>
    %eq3A_1938 = arith.cmpf oeq, %add3A_1694, %eq3A_1937 : vector<64x8x144xf32>
    %jit3A_1939 = arith.constant -1.000000e+00 : f32
    %broadcast_in_dim3A_1940 = vector.broadcast %jit3A_1939 : f32 to vector<64x8x144xf32>
    %select_n3A_1941 = arith.select %eq3A_1938, %broadcast_in_dim3A_1940, %select_n3A_1919 : vector<64x8x144xi1>, vector<64x8x144xf32>
    %reduce_max3A_1942 = arith.constant dense<0xFF800000> : vector<64x8xf32>
    %reduce_max3A_1943 = vector.multi_reduction <maximumf>, %select_n3A_1941, %reduce_max3A_1942 [2] : vector<64x8x144xf32> to vector<64x8xf32>
    %reduce_max3A_1944 = arith.constant dense<0xFF800000> : vector<64xf32>
    %reduce_max3A_1945 = vector.multi_reduction <maximumf>, %reduce_max3A_1943, %reduce_max3A_1944 [1] : vector<64x8xf32> to vector<64xf32>
    %broadcast_in_dim3A_1946 = vector.shape_cast %reduce_max3A_1945 : vector<64xf32> to vector<64x1x1xf32>
    %eq3A_1947 = vector.broadcast %broadcast_in_dim3A_1946 : vector<64x1x1xf32> to vector<64x8x144xf32>
    %eq3A_1948 = arith.cmpf oeq, %select_n3A_1941, %eq3A_1947 : vector<64x8x144xf32>
    %jit3A_1949 = arith.constant 1.000000e+09 : f32
    %broadcast_in_dim3A_1950 = vector.broadcast %jit3A_1949 : f32 to vector<64x8x144xf32>
    %select_n3A_1951 = arith.select %eq3A_1948, %add3A_1694, %broadcast_in_dim3A_1950 : vector<64x8x144xi1>, vector<64x8x144xf32>
    %reduce_min3A_1952 = arith.constant dense<0x7F800000> : vector<64x8xf32>
    %reduce_min3A_1953 = vector.multi_reduction <minimumf>, %select_n3A_1951, %reduce_min3A_1952 [2] : vector<64x8x144xf32> to vector<64x8xf32>
    %reduce_min3A_1954 = arith.constant dense<0x7F800000> : vector<64xf32>
    %reduce_min3A_1955 = vector.multi_reduction <minimumf>, %reduce_min3A_1953, %reduce_min3A_1954 [1] : vector<64x8xf32> to vector<64xf32>
    %broadcast_in_dim3A_1956 = vector.shape_cast %reduce_min3A_1955 : vector<64xf32> to vector<64x1x1xf32>
    %squeeze3A_1957 = vector.shape_cast %broadcast_in_dim3A_1956 : vector<64x1x1xf32> to vector<64x1xf32>
    %squeeze3A_1958 = vector.shape_cast %broadcast_in_dim3A_1946 : vector<64x1x1xf32> to vector<64x1xf32>
    %eq3A_1959 = vector.broadcast %broadcast_in_dim3A_1956 : vector<64x1x1xf32> to vector<64x8x144xf32>
    %eq3A_1960 = arith.cmpf oeq, %add3A_1694, %eq3A_1959 : vector<64x8x144xf32>
    %jit3A_1961 = arith.constant -1.000000e+00 : f32
    %broadcast_in_dim3A_1962 = vector.broadcast %jit3A_1961 : f32 to vector<64x8x144xf32>
    %select_n3A_1963 = arith.select %eq3A_1960, %broadcast_in_dim3A_1962, %select_n3A_1941 : vector<64x8x144xi1>, vector<64x8x144xf32>
    %reduce_max3A_1964 = arith.constant dense<0xFF800000> : vector<64x8xf32>
    %reduce_max3A_1965 = vector.multi_reduction <maximumf>, %select_n3A_1963, %reduce_max3A_1964 [2] : vector<64x8x144xf32> to vector<64x8xf32>
    %reduce_max3A_1966 = arith.constant dense<0xFF800000> : vector<64xf32>
    %reduce_max3A_1967 = vector.multi_reduction <maximumf>, %reduce_max3A_1965, %reduce_max3A_1966 [1] : vector<64x8xf32> to vector<64xf32>
    %broadcast_in_dim3A_1968 = vector.shape_cast %reduce_max3A_1967 : vector<64xf32> to vector<64x1x1xf32>
    %eq3A_1969 = vector.broadcast %broadcast_in_dim3A_1968 : vector<64x1x1xf32> to vector<64x8x144xf32>
    %eq3A_1970 = arith.cmpf oeq, %select_n3A_1963, %eq3A_1969 : vector<64x8x144xf32>
    %jit3A_1971 = arith.constant 1.000000e+09 : f32
    %broadcast_in_dim3A_1972 = vector.broadcast %jit3A_1971 : f32 to vector<64x8x144xf32>
    %select_n3A_1973 = arith.select %eq3A_1970, %add3A_1694, %broadcast_in_dim3A_1972 : vector<64x8x144xi1>, vector<64x8x144xf32>
    %reduce_min3A_1974 = arith.constant dense<0x7F800000> : vector<64x8xf32>
    %reduce_min3A_1975 = vector.multi_reduction <minimumf>, %select_n3A_1973, %reduce_min3A_1974 [2] : vector<64x8x144xf32> to vector<64x8xf32>
    %reduce_min3A_1976 = arith.constant dense<0x7F800000> : vector<64xf32>
    %reduce_min3A_1977 = vector.multi_reduction <minimumf>, %reduce_min3A_1975, %reduce_min3A_1976 [1] : vector<64x8xf32> to vector<64xf32>
    %broadcast_in_dim3A_1978 = vector.shape_cast %reduce_min3A_1977 : vector<64xf32> to vector<64x1x1xf32>
    %squeeze3A_1979 = vector.shape_cast %broadcast_in_dim3A_1978 : vector<64x1x1xf32> to vector<64x1xf32>
    %squeeze3A_1980 = vector.shape_cast %broadcast_in_dim3A_1968 : vector<64x1x1xf32> to vector<64x1xf32>
    %eq3A_1981 = vector.broadcast %broadcast_in_dim3A_1978 : vector<64x1x1xf32> to vector<64x8x144xf32>
    %eq3A_1982 = arith.cmpf oeq, %add3A_1694, %eq3A_1981 : vector<64x8x144xf32>
    %jit3A_1983 = arith.constant -1.000000e+00 : f32
    %broadcast_in_dim3A_1984 = vector.broadcast %jit3A_1983 : f32 to vector<64x8x144xf32>
    %select_n3A_1985 = arith.select %eq3A_1982, %broadcast_in_dim3A_1984, %select_n3A_1963 : vector<64x8x144xi1>, vector<64x8x144xf32>
    %reduce_max3A_1986 = arith.constant dense<0xFF800000> : vector<64x8xf32>
    %reduce_max3A_1987 = vector.multi_reduction <maximumf>, %select_n3A_1985, %reduce_max3A_1986 [2] : vector<64x8x144xf32> to vector<64x8xf32>
    %reduce_max3A_1988 = arith.constant dense<0xFF800000> : vector<64xf32>
    %reduce_max3A_1989 = vector.multi_reduction <maximumf>, %reduce_max3A_1987, %reduce_max3A_1988 [1] : vector<64x8xf32> to vector<64xf32>
    %broadcast_in_dim3A_1990 = vector.shape_cast %reduce_max3A_1989 : vector<64xf32> to vector<64x1x1xf32>
    %eq3A_1991 = vector.broadcast %broadcast_in_dim3A_1990 : vector<64x1x1xf32> to vector<64x8x144xf32>
    %eq3A_1992 = arith.cmpf oeq, %select_n3A_1985, %eq3A_1991 : vector<64x8x144xf32>
    %jit3A_1993 = arith.constant 1.000000e+09 : f32
    %broadcast_in_dim3A_1994 = vector.broadcast %jit3A_1993 : f32 to vector<64x8x144xf32>
    %select_n3A_1995 = arith.select %eq3A_1992, %add3A_1694, %broadcast_in_dim3A_1994 : vector<64x8x144xi1>, vector<64x8x144xf32>
    %reduce_min3A_1996 = arith.constant dense<0x7F800000> : vector<64x8xf32>
    %reduce_min3A_1997 = vector.multi_reduction <minimumf>, %select_n3A_1995, %reduce_min3A_1996 [2] : vector<64x8x144xf32> to vector<64x8xf32>
    %reduce_min3A_1998 = arith.constant dense<0x7F800000> : vector<64xf32>
    %reduce_min3A_1999 = vector.multi_reduction <minimumf>, %reduce_min3A_1997, %reduce_min3A_1998 [1] : vector<64x8xf32> to vector<64xf32>
    %broadcast_in_dim3A_2000 = vector.shape_cast %reduce_min3A_1999 : vector<64xf32> to vector<64x1x1xf32>
    %squeeze3A_2001 = vector.shape_cast %broadcast_in_dim3A_2000 : vector<64x1x1xf32> to vector<64x1xf32>
    %squeeze3A_2002 = vector.shape_cast %broadcast_in_dim3A_1990 : vector<64x1x1xf32> to vector<64x1xf32>
    %eq3A_2003 = vector.broadcast %broadcast_in_dim3A_2000 : vector<64x1x1xf32> to vector<64x8x144xf32>
    %eq3A_2004 = arith.cmpf oeq, %add3A_1694, %eq3A_2003 : vector<64x8x144xf32>
    %jit3A_2005 = arith.constant -1.000000e+00 : f32
    %broadcast_in_dim3A_2006 = vector.broadcast %jit3A_2005 : f32 to vector<64x8x144xf32>
    %select_n3A_2007 = arith.select %eq3A_2004, %broadcast_in_dim3A_2006, %select_n3A_1985 : vector<64x8x144xi1>, vector<64x8x144xf32>
    %reduce_max3A_2008 = arith.constant dense<0xFF800000> : vector<64x8xf32>
    %reduce_max3A_2009 = vector.multi_reduction <maximumf>, %select_n3A_2007, %reduce_max3A_2008 [2] : vector<64x8x144xf32> to vector<64x8xf32>
    %reduce_max3A_2010 = arith.constant dense<0xFF800000> : vector<64xf32>
    %reduce_max3A_2011 = vector.multi_reduction <maximumf>, %reduce_max3A_2009, %reduce_max3A_2010 [1] : vector<64x8xf32> to vector<64xf32>
    %broadcast_in_dim3A_2012 = vector.shape_cast %reduce_max3A_2011 : vector<64xf32> to vector<64x1x1xf32>
    %eq3A_2013 = vector.broadcast %broadcast_in_dim3A_2012 : vector<64x1x1xf32> to vector<64x8x144xf32>
    %eq3A_2014 = arith.cmpf oeq, %select_n3A_2007, %eq3A_2013 : vector<64x8x144xf32>
    %jit3A_2015 = arith.constant 1.000000e+09 : f32
    %broadcast_in_dim3A_2016 = vector.broadcast %jit3A_2015 : f32 to vector<64x8x144xf32>
    %select_n3A_2017 = arith.select %eq3A_2014, %add3A_1694, %broadcast_in_dim3A_2016 : vector<64x8x144xi1>, vector<64x8x144xf32>
    %reduce_min3A_2018 = arith.constant dense<0x7F800000> : vector<64x8xf32>
    %reduce_min3A_2019 = vector.multi_reduction <minimumf>, %select_n3A_2017, %reduce_min3A_2018 [2] : vector<64x8x144xf32> to vector<64x8xf32>
    %reduce_min3A_2020 = arith.constant dense<0x7F800000> : vector<64xf32>
    %reduce_min3A_2021 = vector.multi_reduction <minimumf>, %reduce_min3A_2019, %reduce_min3A_2020 [1] : vector<64x8xf32> to vector<64xf32>
    %broadcast_in_dim3A_2022 = vector.shape_cast %reduce_min3A_2021 : vector<64xf32> to vector<64x1x1xf32>
    %squeeze3A_2023 = vector.shape_cast %broadcast_in_dim3A_2022 : vector<64x1x1xf32> to vector<64x1xf32>
    %squeeze3A_2024 = vector.shape_cast %broadcast_in_dim3A_2012 : vector<64x1x1xf32> to vector<64x1xf32>
    %eq3A_2025 = vector.broadcast %broadcast_in_dim3A_2022 : vector<64x1x1xf32> to vector<64x8x144xf32>
    %eq3A_2026 = arith.cmpf oeq, %add3A_1694, %eq3A_2025 : vector<64x8x144xf32>
    %jit3A_2027 = arith.constant -1.000000e+00 : f32
    %broadcast_in_dim3A_2028 = vector.broadcast %jit3A_2027 : f32 to vector<64x8x144xf32>
    %select_n3A_2029 = arith.select %eq3A_2026, %broadcast_in_dim3A_2028, %select_n3A_2007 : vector<64x8x144xi1>, vector<64x8x144xf32>
    %reduce_max3A_2030 = arith.constant dense<0xFF800000> : vector<64x8xf32>
    %reduce_max3A_2031 = vector.multi_reduction <maximumf>, %select_n3A_2029, %reduce_max3A_2030 [2] : vector<64x8x144xf32> to vector<64x8xf32>
    %reduce_max3A_2032 = arith.constant dense<0xFF800000> : vector<64xf32>
    %reduce_max3A_2033 = vector.multi_reduction <maximumf>, %reduce_max3A_2031, %reduce_max3A_2032 [1] : vector<64x8xf32> to vector<64xf32>
    %broadcast_in_dim3A_2034 = vector.shape_cast %reduce_max3A_2033 : vector<64xf32> to vector<64x1x1xf32>
    %eq3A_2035 = vector.broadcast %broadcast_in_dim3A_2034 : vector<64x1x1xf32> to vector<64x8x144xf32>
    %eq3A_2036 = arith.cmpf oeq, %select_n3A_2029, %eq3A_2035 : vector<64x8x144xf32>
    %jit3A_2037 = arith.constant 1.000000e+09 : f32
    %broadcast_in_dim3A_2038 = vector.broadcast %jit3A_2037 : f32 to vector<64x8x144xf32>
    %select_n3A_2039 = arith.select %eq3A_2036, %add3A_1694, %broadcast_in_dim3A_2038 : vector<64x8x144xi1>, vector<64x8x144xf32>
    %reduce_min3A_2040 = arith.constant dense<0x7F800000> : vector<64x8xf32>
    %reduce_min3A_2041 = vector.multi_reduction <minimumf>, %select_n3A_2039, %reduce_min3A_2040 [2] : vector<64x8x144xf32> to vector<64x8xf32>
    %reduce_min3A_2042 = arith.constant dense<0x7F800000> : vector<64xf32>
    %reduce_min3A_2043 = vector.multi_reduction <minimumf>, %reduce_min3A_2041, %reduce_min3A_2042 [1] : vector<64x8xf32> to vector<64xf32>
    %broadcast_in_dim3A_2044 = vector.shape_cast %reduce_min3A_2043 : vector<64xf32> to vector<64x1x1xf32>
    %squeeze3A_2045 = vector.shape_cast %broadcast_in_dim3A_2044 : vector<64x1x1xf32> to vector<64x1xf32>
    %squeeze3A_2046 = vector.shape_cast %broadcast_in_dim3A_2034 : vector<64x1x1xf32> to vector<64x1xf32>
    %eq3A_2047 = vector.broadcast %broadcast_in_dim3A_2044 : vector<64x1x1xf32> to vector<64x8x144xf32>
    %eq3A_2048 = arith.cmpf oeq, %add3A_1694, %eq3A_2047 : vector<64x8x144xf32>
    %jit3A_2049 = arith.constant -1.000000e+00 : f32
    %broadcast_in_dim3A_2050 = vector.broadcast %jit3A_2049 : f32 to vector<64x8x144xf32>
    %select_n3A_2051 = arith.select %eq3A_2048, %broadcast_in_dim3A_2050, %select_n3A_2029 : vector<64x8x144xi1>, vector<64x8x144xf32>
    %reduce_max3A_2052 = arith.constant dense<0xFF800000> : vector<64x8xf32>
    %reduce_max3A_2053 = vector.multi_reduction <maximumf>, %select_n3A_2051, %reduce_max3A_2052 [2] : vector<64x8x144xf32> to vector<64x8xf32>
    %reduce_max3A_2054 = arith.constant dense<0xFF800000> : vector<64xf32>
    %reduce_max3A_2055 = vector.multi_reduction <maximumf>, %reduce_max3A_2053, %reduce_max3A_2054 [1] : vector<64x8xf32> to vector<64xf32>
    %broadcast_in_dim3A_2056 = vector.shape_cast %reduce_max3A_2055 : vector<64xf32> to vector<64x1x1xf32>
    %eq3A_2057 = vector.broadcast %broadcast_in_dim3A_2056 : vector<64x1x1xf32> to vector<64x8x144xf32>
    %eq3A_2058 = arith.cmpf oeq, %select_n3A_2051, %eq3A_2057 : vector<64x8x144xf32>
    %jit3A_2059 = arith.constant 1.000000e+09 : f32
    %broadcast_in_dim3A_2060 = vector.broadcast %jit3A_2059 : f32 to vector<64x8x144xf32>
    %select_n3A_2061 = arith.select %eq3A_2058, %add3A_1694, %broadcast_in_dim3A_2060 : vector<64x8x144xi1>, vector<64x8x144xf32>
    %reduce_min3A_2062 = arith.constant dense<0x7F800000> : vector<64x8xf32>
    %reduce_min3A_2063 = vector.multi_reduction <minimumf>, %select_n3A_2061, %reduce_min3A_2062 [2] : vector<64x8x144xf32> to vector<64x8xf32>
    %reduce_min3A_2064 = arith.constant dense<0x7F800000> : vector<64xf32>
    %reduce_min3A_2065 = vector.multi_reduction <minimumf>, %reduce_min3A_2063, %reduce_min3A_2064 [1] : vector<64x8xf32> to vector<64xf32>
    %broadcast_in_dim3A_2066 = vector.shape_cast %reduce_min3A_2065 : vector<64xf32> to vector<64x1x1xf32>
    %squeeze3A_2067 = vector.shape_cast %broadcast_in_dim3A_2066 : vector<64x1x1xf32> to vector<64x1xf32>
    %squeeze3A_2068 = vector.shape_cast %broadcast_in_dim3A_2056 : vector<64x1x1xf32> to vector<64x1xf32>
    %eq3A_2069 = vector.broadcast %broadcast_in_dim3A_2066 : vector<64x1x1xf32> to vector<64x8x144xf32>
    %eq3A_2070 = arith.cmpf oeq, %add3A_1694, %eq3A_2069 : vector<64x8x144xf32>
    %jit3A_2071 = arith.constant -1.000000e+00 : f32
    %broadcast_in_dim3A_2072 = vector.broadcast %jit3A_2071 : f32 to vector<64x8x144xf32>
    %select_n3A_2073 = arith.select %eq3A_2070, %broadcast_in_dim3A_2072, %select_n3A_2051 : vector<64x8x144xi1>, vector<64x8x144xf32>
    %reduce_max3A_2074 = arith.constant dense<0xFF800000> : vector<64x8xf32>
    %reduce_max3A_2075 = vector.multi_reduction <maximumf>, %select_n3A_2073, %reduce_max3A_2074 [2] : vector<64x8x144xf32> to vector<64x8xf32>
    %reduce_max3A_2076 = arith.constant dense<0xFF800000> : vector<64xf32>
    %reduce_max3A_2077 = vector.multi_reduction <maximumf>, %reduce_max3A_2075, %reduce_max3A_2076 [1] : vector<64x8xf32> to vector<64xf32>
    %broadcast_in_dim3A_2078 = vector.shape_cast %reduce_max3A_2077 : vector<64xf32> to vector<64x1x1xf32>
    %eq3A_2079 = vector.broadcast %broadcast_in_dim3A_2078 : vector<64x1x1xf32> to vector<64x8x144xf32>
    %eq3A_2080 = arith.cmpf oeq, %select_n3A_2073, %eq3A_2079 : vector<64x8x144xf32>
    %jit3A_2081 = arith.constant 1.000000e+09 : f32
    %broadcast_in_dim3A_2082 = vector.broadcast %jit3A_2081 : f32 to vector<64x8x144xf32>
    %select_n3A_2083 = arith.select %eq3A_2080, %add3A_1694, %broadcast_in_dim3A_2082 : vector<64x8x144xi1>, vector<64x8x144xf32>
    %reduce_min3A_2084 = arith.constant dense<0x7F800000> : vector<64x8xf32>
    %reduce_min3A_2085 = vector.multi_reduction <minimumf>, %select_n3A_2083, %reduce_min3A_2084 [2] : vector<64x8x144xf32> to vector<64x8xf32>
    %reduce_min3A_2086 = arith.constant dense<0x7F800000> : vector<64xf32>
    %reduce_min3A_2087 = vector.multi_reduction <minimumf>, %reduce_min3A_2085, %reduce_min3A_2086 [1] : vector<64x8xf32> to vector<64xf32>
    %broadcast_in_dim3A_2088 = vector.shape_cast %reduce_min3A_2087 : vector<64xf32> to vector<64x1x1xf32>
    %squeeze3A_2089 = vector.shape_cast %broadcast_in_dim3A_2088 : vector<64x1x1xf32> to vector<64x1xf32>
    %squeeze3A_2090 = vector.shape_cast %broadcast_in_dim3A_2078 : vector<64x1x1xf32> to vector<64x1xf32>
    %eq3A_2091 = vector.broadcast %broadcast_in_dim3A_2088 : vector<64x1x1xf32> to vector<64x8x144xf32>
    %eq3A_2092 = arith.cmpf oeq, %add3A_1694, %eq3A_2091 : vector<64x8x144xf32>
    %jit3A_2093 = arith.constant -1.000000e+00 : f32
    %broadcast_in_dim3A_2094 = vector.broadcast %jit3A_2093 : f32 to vector<64x8x144xf32>
    %select_n3A_2095 = arith.select %eq3A_2092, %broadcast_in_dim3A_2094, %select_n3A_2073 : vector<64x8x144xi1>, vector<64x8x144xf32>
    %reduce_max3A_2096 = arith.constant dense<0xFF800000> : vector<64x8xf32>
    %reduce_max3A_2097 = vector.multi_reduction <maximumf>, %select_n3A_2095, %reduce_max3A_2096 [2] : vector<64x8x144xf32> to vector<64x8xf32>
    %reduce_max3A_2098 = arith.constant dense<0xFF800000> : vector<64xf32>
    %reduce_max3A_2099 = vector.multi_reduction <maximumf>, %reduce_max3A_2097, %reduce_max3A_2098 [1] : vector<64x8xf32> to vector<64xf32>
    %broadcast_in_dim3A_2100 = vector.shape_cast %reduce_max3A_2099 : vector<64xf32> to vector<64x1x1xf32>
    %eq3A_2101 = vector.broadcast %broadcast_in_dim3A_2100 : vector<64x1x1xf32> to vector<64x8x144xf32>
    %eq3A_2102 = arith.cmpf oeq, %select_n3A_2095, %eq3A_2101 : vector<64x8x144xf32>
    %jit3A_2103 = arith.constant 1.000000e+09 : f32
    %broadcast_in_dim3A_2104 = vector.broadcast %jit3A_2103 : f32 to vector<64x8x144xf32>
    %select_n3A_2105 = arith.select %eq3A_2102, %add3A_1694, %broadcast_in_dim3A_2104 : vector<64x8x144xi1>, vector<64x8x144xf32>
    %reduce_min3A_2106 = arith.constant dense<0x7F800000> : vector<64x8xf32>
    %reduce_min3A_2107 = vector.multi_reduction <minimumf>, %select_n3A_2105, %reduce_min3A_2106 [2] : vector<64x8x144xf32> to vector<64x8xf32>
    %reduce_min3A_2108 = arith.constant dense<0x7F800000> : vector<64xf32>
    %reduce_min3A_2109 = vector.multi_reduction <minimumf>, %reduce_min3A_2107, %reduce_min3A_2108 [1] : vector<64x8xf32> to vector<64xf32>
    %broadcast_in_dim3A_2110 = vector.shape_cast %reduce_min3A_2109 : vector<64xf32> to vector<64x1x1xf32>
    %squeeze3A_2111 = vector.shape_cast %broadcast_in_dim3A_2110 : vector<64x1x1xf32> to vector<64x1xf32>
    %squeeze3A_2112 = vector.shape_cast %broadcast_in_dim3A_2100 : vector<64x1x1xf32> to vector<64x1xf32>
    %eq3A_2113 = vector.broadcast %broadcast_in_dim3A_2110 : vector<64x1x1xf32> to vector<64x8x144xf32>
    %eq3A_2114 = arith.cmpf oeq, %add3A_1694, %eq3A_2113 : vector<64x8x144xf32>
    %jit3A_2115 = arith.constant -1.000000e+00 : f32
    %broadcast_in_dim3A_2116 = vector.broadcast %jit3A_2115 : f32 to vector<64x8x144xf32>
    %select_n3A_2117 = arith.select %eq3A_2114, %broadcast_in_dim3A_2116, %select_n3A_2095 : vector<64x8x144xi1>, vector<64x8x144xf32>
    %reduce_max3A_2118 = arith.constant dense<0xFF800000> : vector<64x8xf32>
    %reduce_max3A_2119 = vector.multi_reduction <maximumf>, %select_n3A_2117, %reduce_max3A_2118 [2] : vector<64x8x144xf32> to vector<64x8xf32>
    %reduce_max3A_2120 = arith.constant dense<0xFF800000> : vector<64xf32>
    %reduce_max3A_2121 = vector.multi_reduction <maximumf>, %reduce_max3A_2119, %reduce_max3A_2120 [1] : vector<64x8xf32> to vector<64xf32>
    %broadcast_in_dim3A_2122 = vector.shape_cast %reduce_max3A_2121 : vector<64xf32> to vector<64x1x1xf32>
    %eq3A_2123 = vector.broadcast %broadcast_in_dim3A_2122 : vector<64x1x1xf32> to vector<64x8x144xf32>
    %eq3A_2124 = arith.cmpf oeq, %select_n3A_2117, %eq3A_2123 : vector<64x8x144xf32>
    %jit3A_2125 = arith.constant 1.000000e+09 : f32
    %broadcast_in_dim3A_2126 = vector.broadcast %jit3A_2125 : f32 to vector<64x8x144xf32>
    %select_n3A_2127 = arith.select %eq3A_2124, %add3A_1694, %broadcast_in_dim3A_2126 : vector<64x8x144xi1>, vector<64x8x144xf32>
    %reduce_min3A_2128 = arith.constant dense<0x7F800000> : vector<64x8xf32>
    %reduce_min3A_2129 = vector.multi_reduction <minimumf>, %select_n3A_2127, %reduce_min3A_2128 [2] : vector<64x8x144xf32> to vector<64x8xf32>
    %reduce_min3A_2130 = arith.constant dense<0x7F800000> : vector<64xf32>
    %reduce_min3A_2131 = vector.multi_reduction <minimumf>, %reduce_min3A_2129, %reduce_min3A_2130 [1] : vector<64x8xf32> to vector<64xf32>
    %broadcast_in_dim3A_2132 = vector.shape_cast %reduce_min3A_2131 : vector<64xf32> to vector<64x1x1xf32>
    %squeeze3A_2133 = vector.shape_cast %broadcast_in_dim3A_2132 : vector<64x1x1xf32> to vector<64x1xf32>
    %squeeze3A_2134 = vector.shape_cast %broadcast_in_dim3A_2122 : vector<64x1x1xf32> to vector<64x1xf32>
    %eq3A_2135 = vector.broadcast %broadcast_in_dim3A_2132 : vector<64x1x1xf32> to vector<64x8x144xf32>
    %eq3A_2136 = arith.cmpf oeq, %add3A_1694, %eq3A_2135 : vector<64x8x144xf32>
    %jit3A_2137 = arith.constant -1.000000e+00 : f32
    %broadcast_in_dim3A_2138 = vector.broadcast %jit3A_2137 : f32 to vector<64x8x144xf32>
    %select_n3A_2139 = arith.select %eq3A_2136, %broadcast_in_dim3A_2138, %select_n3A_2117 : vector<64x8x144xi1>, vector<64x8x144xf32>
    %reduce_max3A_2140 = arith.constant dense<0xFF800000> : vector<64x8xf32>
    %reduce_max3A_2141 = vector.multi_reduction <maximumf>, %select_n3A_2139, %reduce_max3A_2140 [2] : vector<64x8x144xf32> to vector<64x8xf32>
    %reduce_max3A_2142 = arith.constant dense<0xFF800000> : vector<64xf32>
    %reduce_max3A_2143 = vector.multi_reduction <maximumf>, %reduce_max3A_2141, %reduce_max3A_2142 [1] : vector<64x8xf32> to vector<64xf32>
    %broadcast_in_dim3A_2144 = vector.shape_cast %reduce_max3A_2143 : vector<64xf32> to vector<64x1x1xf32>
    %eq3A_2145 = vector.broadcast %broadcast_in_dim3A_2144 : vector<64x1x1xf32> to vector<64x8x144xf32>
    %eq3A_2146 = arith.cmpf oeq, %select_n3A_2139, %eq3A_2145 : vector<64x8x144xf32>
    %jit3A_2147 = arith.constant 1.000000e+09 : f32
    %broadcast_in_dim3A_2148 = vector.broadcast %jit3A_2147 : f32 to vector<64x8x144xf32>
    %select_n3A_2149 = arith.select %eq3A_2146, %add3A_1694, %broadcast_in_dim3A_2148 : vector<64x8x144xi1>, vector<64x8x144xf32>
    %reduce_min3A_2150 = arith.constant dense<0x7F800000> : vector<64x8xf32>
    %reduce_min3A_2151 = vector.multi_reduction <minimumf>, %select_n3A_2149, %reduce_min3A_2150 [2] : vector<64x8x144xf32> to vector<64x8xf32>
    %reduce_min3A_2152 = arith.constant dense<0x7F800000> : vector<64xf32>
    %reduce_min3A_2153 = vector.multi_reduction <minimumf>, %reduce_min3A_2151, %reduce_min3A_2152 [1] : vector<64x8xf32> to vector<64xf32>
    %broadcast_in_dim3A_2154 = vector.shape_cast %reduce_min3A_2153 : vector<64xf32> to vector<64x1x1xf32>
    %squeeze3A_2155 = vector.shape_cast %broadcast_in_dim3A_2154 : vector<64x1x1xf32> to vector<64x1xf32>
    %squeeze3A_2156 = vector.shape_cast %broadcast_in_dim3A_2144 : vector<64x1x1xf32> to vector<64x1xf32>
    %eq3A_2157 = vector.broadcast %broadcast_in_dim3A_2154 : vector<64x1x1xf32> to vector<64x8x144xf32>
    %eq3A_2158 = arith.cmpf oeq, %add3A_1694, %eq3A_2157 : vector<64x8x144xf32>
    %jit3A_2159 = arith.constant -1.000000e+00 : f32
    %broadcast_in_dim3A_2160 = vector.broadcast %jit3A_2159 : f32 to vector<64x8x144xf32>
    %select_n3A_2161 = arith.select %eq3A_2158, %broadcast_in_dim3A_2160, %select_n3A_2139 : vector<64x8x144xi1>, vector<64x8x144xf32>
    %reduce_max3A_2162 = arith.constant dense<0xFF800000> : vector<64x8xf32>
    %reduce_max3A_2163 = vector.multi_reduction <maximumf>, %select_n3A_2161, %reduce_max3A_2162 [2] : vector<64x8x144xf32> to vector<64x8xf32>
    %reduce_max3A_2164 = arith.constant dense<0xFF800000> : vector<64xf32>
    %reduce_max3A_2165 = vector.multi_reduction <maximumf>, %reduce_max3A_2163, %reduce_max3A_2164 [1] : vector<64x8xf32> to vector<64xf32>
    %broadcast_in_dim3A_2166 = vector.shape_cast %reduce_max3A_2165 : vector<64xf32> to vector<64x1x1xf32>
    %eq3A_2167 = vector.broadcast %broadcast_in_dim3A_2166 : vector<64x1x1xf32> to vector<64x8x144xf32>
    %eq3A_2168 = arith.cmpf oeq, %select_n3A_2161, %eq3A_2167 : vector<64x8x144xf32>
    %jit3A_2169 = arith.constant 1.000000e+09 : f32
    %broadcast_in_dim3A_2170 = vector.broadcast %jit3A_2169 : f32 to vector<64x8x144xf32>
    %select_n3A_2171 = arith.select %eq3A_2168, %add3A_1694, %broadcast_in_dim3A_2170 : vector<64x8x144xi1>, vector<64x8x144xf32>
    %reduce_min3A_2172 = arith.constant dense<0x7F800000> : vector<64x8xf32>
    %reduce_min3A_2173 = vector.multi_reduction <minimumf>, %select_n3A_2171, %reduce_min3A_2172 [2] : vector<64x8x144xf32> to vector<64x8xf32>
    %reduce_min3A_2174 = arith.constant dense<0x7F800000> : vector<64xf32>
    %reduce_min3A_2175 = vector.multi_reduction <minimumf>, %reduce_min3A_2173, %reduce_min3A_2174 [1] : vector<64x8xf32> to vector<64xf32>
    %broadcast_in_dim3A_2176 = vector.shape_cast %reduce_min3A_2175 : vector<64xf32> to vector<64x1x1xf32>
    %squeeze3A_2177 = vector.shape_cast %broadcast_in_dim3A_2176 : vector<64x1x1xf32> to vector<64x1xf32>
    %squeeze3A_2178 = vector.shape_cast %broadcast_in_dim3A_2166 : vector<64x1x1xf32> to vector<64x1xf32>
    %eq3A_2179 = vector.broadcast %broadcast_in_dim3A_2176 : vector<64x1x1xf32> to vector<64x8x144xf32>
    %eq3A_2180 = arith.cmpf oeq, %add3A_1694, %eq3A_2179 : vector<64x8x144xf32>
    %jit3A_2181 = arith.constant -1.000000e+00 : f32
    %broadcast_in_dim3A_2182 = vector.broadcast %jit3A_2181 : f32 to vector<64x8x144xf32>
    %select_n3A_2183 = arith.select %eq3A_2180, %broadcast_in_dim3A_2182, %select_n3A_2161 : vector<64x8x144xi1>, vector<64x8x144xf32>
    %reduce_max3A_2184 = arith.constant dense<0xFF800000> : vector<64x8xf32>
    %reduce_max3A_2185 = vector.multi_reduction <maximumf>, %select_n3A_2183, %reduce_max3A_2184 [2] : vector<64x8x144xf32> to vector<64x8xf32>
    %reduce_max3A_2186 = arith.constant dense<0xFF800000> : vector<64xf32>
    %reduce_max3A_2187 = vector.multi_reduction <maximumf>, %reduce_max3A_2185, %reduce_max3A_2186 [1] : vector<64x8xf32> to vector<64xf32>
    %broadcast_in_dim3A_2188 = vector.shape_cast %reduce_max3A_2187 : vector<64xf32> to vector<64x1x1xf32>
    %eq3A_2189 = vector.broadcast %broadcast_in_dim3A_2188 : vector<64x1x1xf32> to vector<64x8x144xf32>
    %eq3A_2190 = arith.cmpf oeq, %select_n3A_2183, %eq3A_2189 : vector<64x8x144xf32>
    %jit3A_2191 = arith.constant 1.000000e+09 : f32
    %broadcast_in_dim3A_2192 = vector.broadcast %jit3A_2191 : f32 to vector<64x8x144xf32>
    %select_n3A_2193 = arith.select %eq3A_2190, %add3A_1694, %broadcast_in_dim3A_2192 : vector<64x8x144xi1>, vector<64x8x144xf32>
    %reduce_min3A_2194 = arith.constant dense<0x7F800000> : vector<64x8xf32>
    %reduce_min3A_2195 = vector.multi_reduction <minimumf>, %select_n3A_2193, %reduce_min3A_2194 [2] : vector<64x8x144xf32> to vector<64x8xf32>
    %reduce_min3A_2196 = arith.constant dense<0x7F800000> : vector<64xf32>
    %reduce_min3A_2197 = vector.multi_reduction <minimumf>, %reduce_min3A_2195, %reduce_min3A_2196 [1] : vector<64x8xf32> to vector<64xf32>
    %broadcast_in_dim3A_2198 = vector.shape_cast %reduce_min3A_2197 : vector<64xf32> to vector<64x1x1xf32>
    %squeeze3A_2199 = vector.shape_cast %broadcast_in_dim3A_2198 : vector<64x1x1xf32> to vector<64x1xf32>
    %squeeze3A_2200 = vector.shape_cast %broadcast_in_dim3A_2188 : vector<64x1x1xf32> to vector<64x1xf32>
    %eq3A_2201 = vector.broadcast %broadcast_in_dim3A_2198 : vector<64x1x1xf32> to vector<64x8x144xf32>
    %eq3A_2202 = arith.cmpf oeq, %add3A_1694, %eq3A_2201 : vector<64x8x144xf32>
    %jit3A_2203 = arith.constant -1.000000e+00 : f32
    %broadcast_in_dim3A_2204 = vector.broadcast %jit3A_2203 : f32 to vector<64x8x144xf32>
    %select_n3A_2205 = arith.select %eq3A_2202, %broadcast_in_dim3A_2204, %select_n3A_2183 : vector<64x8x144xi1>, vector<64x8x144xf32>
    %reduce_max3A_2206 = arith.constant dense<0xFF800000> : vector<64x8xf32>
    %reduce_max3A_2207 = vector.multi_reduction <maximumf>, %select_n3A_2205, %reduce_max3A_2206 [2] : vector<64x8x144xf32> to vector<64x8xf32>
    %reduce_max3A_2208 = arith.constant dense<0xFF800000> : vector<64xf32>
    %reduce_max3A_2209 = vector.multi_reduction <maximumf>, %reduce_max3A_2207, %reduce_max3A_2208 [1] : vector<64x8xf32> to vector<64xf32>
    %broadcast_in_dim3A_2210 = vector.shape_cast %reduce_max3A_2209 : vector<64xf32> to vector<64x1x1xf32>
    %eq3A_2211 = vector.broadcast %broadcast_in_dim3A_2210 : vector<64x1x1xf32> to vector<64x8x144xf32>
    %eq3A_2212 = arith.cmpf oeq, %select_n3A_2205, %eq3A_2211 : vector<64x8x144xf32>
    %jit3A_2213 = arith.constant 1.000000e+09 : f32
    %broadcast_in_dim3A_2214 = vector.broadcast %jit3A_2213 : f32 to vector<64x8x144xf32>
    %select_n3A_2215 = arith.select %eq3A_2212, %add3A_1694, %broadcast_in_dim3A_2214 : vector<64x8x144xi1>, vector<64x8x144xf32>
    %reduce_min3A_2216 = arith.constant dense<0x7F800000> : vector<64x8xf32>
    %reduce_min3A_2217 = vector.multi_reduction <minimumf>, %select_n3A_2215, %reduce_min3A_2216 [2] : vector<64x8x144xf32> to vector<64x8xf32>
    %reduce_min3A_2218 = arith.constant dense<0x7F800000> : vector<64xf32>
    %reduce_min3A_2219 = vector.multi_reduction <minimumf>, %reduce_min3A_2217, %reduce_min3A_2218 [1] : vector<64x8xf32> to vector<64xf32>
    %broadcast_in_dim3A_2220 = vector.shape_cast %reduce_min3A_2219 : vector<64xf32> to vector<64x1x1xf32>
    %squeeze3A_2221 = vector.shape_cast %broadcast_in_dim3A_2220 : vector<64x1x1xf32> to vector<64x1xf32>
    %squeeze3A_2222 = vector.shape_cast %broadcast_in_dim3A_2210 : vector<64x1x1xf32> to vector<64x1xf32>
    %eq3A_2223 = vector.broadcast %broadcast_in_dim3A_2220 : vector<64x1x1xf32> to vector<64x8x144xf32>
    %eq3A_2224 = arith.cmpf oeq, %add3A_1694, %eq3A_2223 : vector<64x8x144xf32>
    %jit3A_2225 = arith.constant -1.000000e+00 : f32
    %broadcast_in_dim3A_2226 = vector.broadcast %jit3A_2225 : f32 to vector<64x8x144xf32>
    %select_n3A_2227 = arith.select %eq3A_2224, %broadcast_in_dim3A_2226, %select_n3A_2205 : vector<64x8x144xi1>, vector<64x8x144xf32>
    %reduce_max3A_2228 = arith.constant dense<0xFF800000> : vector<64x8xf32>
    %reduce_max3A_2229 = vector.multi_reduction <maximumf>, %select_n3A_2227, %reduce_max3A_2228 [2] : vector<64x8x144xf32> to vector<64x8xf32>
    %reduce_max3A_2230 = arith.constant dense<0xFF800000> : vector<64xf32>
    %reduce_max3A_2231 = vector.multi_reduction <maximumf>, %reduce_max3A_2229, %reduce_max3A_2230 [1] : vector<64x8xf32> to vector<64xf32>
    %broadcast_in_dim3A_2232 = vector.shape_cast %reduce_max3A_2231 : vector<64xf32> to vector<64x1x1xf32>
    %eq3A_2233 = vector.broadcast %broadcast_in_dim3A_2232 : vector<64x1x1xf32> to vector<64x8x144xf32>
    %eq3A_2234 = arith.cmpf oeq, %select_n3A_2227, %eq3A_2233 : vector<64x8x144xf32>
    %jit3A_2235 = arith.constant 1.000000e+09 : f32
    %broadcast_in_dim3A_2236 = vector.broadcast %jit3A_2235 : f32 to vector<64x8x144xf32>
    %select_n3A_2237 = arith.select %eq3A_2234, %add3A_1694, %broadcast_in_dim3A_2236 : vector<64x8x144xi1>, vector<64x8x144xf32>
    %reduce_min3A_2238 = arith.constant dense<0x7F800000> : vector<64x8xf32>
    %reduce_min3A_2239 = vector.multi_reduction <minimumf>, %select_n3A_2237, %reduce_min3A_2238 [2] : vector<64x8x144xf32> to vector<64x8xf32>
    %reduce_min3A_2240 = arith.constant dense<0x7F800000> : vector<64xf32>
    %reduce_min3A_2241 = vector.multi_reduction <minimumf>, %reduce_min3A_2239, %reduce_min3A_2240 [1] : vector<64x8xf32> to vector<64xf32>
    %broadcast_in_dim3A_2242 = vector.shape_cast %reduce_min3A_2241 : vector<64xf32> to vector<64x1x1xf32>
    %squeeze3A_2243 = vector.shape_cast %broadcast_in_dim3A_2242 : vector<64x1x1xf32> to vector<64x1xf32>
    %squeeze3A_2244 = vector.shape_cast %broadcast_in_dim3A_2232 : vector<64x1x1xf32> to vector<64x1xf32>
    %eq3A_2245 = vector.broadcast %broadcast_in_dim3A_2242 : vector<64x1x1xf32> to vector<64x8x144xf32>
    %eq3A_2246 = arith.cmpf oeq, %add3A_1694, %eq3A_2245 : vector<64x8x144xf32>
    %jit3A_2247 = arith.constant -1.000000e+00 : f32
    %broadcast_in_dim3A_2248 = vector.broadcast %jit3A_2247 : f32 to vector<64x8x144xf32>
    %select_n3A_2249 = arith.select %eq3A_2246, %broadcast_in_dim3A_2248, %select_n3A_2227 : vector<64x8x144xi1>, vector<64x8x144xf32>
    %reduce_max3A_2250 = arith.constant dense<0xFF800000> : vector<64x8xf32>
    %reduce_max3A_2251 = vector.multi_reduction <maximumf>, %select_n3A_2249, %reduce_max3A_2250 [2] : vector<64x8x144xf32> to vector<64x8xf32>
    %reduce_max3A_2252 = arith.constant dense<0xFF800000> : vector<64xf32>
    %reduce_max3A_2253 = vector.multi_reduction <maximumf>, %reduce_max3A_2251, %reduce_max3A_2252 [1] : vector<64x8xf32> to vector<64xf32>
    %broadcast_in_dim3A_2254 = vector.shape_cast %reduce_max3A_2253 : vector<64xf32> to vector<64x1x1xf32>
    %eq3A_2255 = vector.broadcast %broadcast_in_dim3A_2254 : vector<64x1x1xf32> to vector<64x8x144xf32>
    %eq3A_2256 = arith.cmpf oeq, %select_n3A_2249, %eq3A_2255 : vector<64x8x144xf32>
    %jit3A_2257 = arith.constant 1.000000e+09 : f32
    %broadcast_in_dim3A_2258 = vector.broadcast %jit3A_2257 : f32 to vector<64x8x144xf32>
    %select_n3A_2259 = arith.select %eq3A_2256, %add3A_1694, %broadcast_in_dim3A_2258 : vector<64x8x144xi1>, vector<64x8x144xf32>
    %reduce_min3A_2260 = arith.constant dense<0x7F800000> : vector<64x8xf32>
    %reduce_min3A_2261 = vector.multi_reduction <minimumf>, %select_n3A_2259, %reduce_min3A_2260 [2] : vector<64x8x144xf32> to vector<64x8xf32>
    %reduce_min3A_2262 = arith.constant dense<0x7F800000> : vector<64xf32>
    %reduce_min3A_2263 = vector.multi_reduction <minimumf>, %reduce_min3A_2261, %reduce_min3A_2262 [1] : vector<64x8xf32> to vector<64xf32>
    %broadcast_in_dim3A_2264 = vector.shape_cast %reduce_min3A_2263 : vector<64xf32> to vector<64x1x1xf32>
    %squeeze3A_2265 = vector.shape_cast %broadcast_in_dim3A_2264 : vector<64x1x1xf32> to vector<64x1xf32>
    %squeeze3A_2266 = vector.shape_cast %broadcast_in_dim3A_2254 : vector<64x1x1xf32> to vector<64x1xf32>
    %eq3A_2267 = vector.broadcast %broadcast_in_dim3A_2264 : vector<64x1x1xf32> to vector<64x8x144xf32>
    %eq3A_2268 = arith.cmpf oeq, %add3A_1694, %eq3A_2267 : vector<64x8x144xf32>
    %jit3A_2269 = arith.constant -1.000000e+00 : f32
    %broadcast_in_dim3A_2270 = vector.broadcast %jit3A_2269 : f32 to vector<64x8x144xf32>
    %select_n3A_2271 = arith.select %eq3A_2268, %broadcast_in_dim3A_2270, %select_n3A_2249 : vector<64x8x144xi1>, vector<64x8x144xf32>
    %reduce_max3A_2272 = arith.constant dense<0xFF800000> : vector<64x8xf32>
    %reduce_max3A_2273 = vector.multi_reduction <maximumf>, %select_n3A_2271, %reduce_max3A_2272 [2] : vector<64x8x144xf32> to vector<64x8xf32>
    %reduce_max3A_2274 = arith.constant dense<0xFF800000> : vector<64xf32>
    %reduce_max3A_2275 = vector.multi_reduction <maximumf>, %reduce_max3A_2273, %reduce_max3A_2274 [1] : vector<64x8xf32> to vector<64xf32>
    %broadcast_in_dim3A_2276 = vector.shape_cast %reduce_max3A_2275 : vector<64xf32> to vector<64x1x1xf32>
    %eq3A_2277 = vector.broadcast %broadcast_in_dim3A_2276 : vector<64x1x1xf32> to vector<64x8x144xf32>
    %eq3A_2278 = arith.cmpf oeq, %select_n3A_2271, %eq3A_2277 : vector<64x8x144xf32>
    %jit3A_2279 = arith.constant 1.000000e+09 : f32
    %broadcast_in_dim3A_2280 = vector.broadcast %jit3A_2279 : f32 to vector<64x8x144xf32>
    %select_n3A_2281 = arith.select %eq3A_2278, %add3A_1694, %broadcast_in_dim3A_2280 : vector<64x8x144xi1>, vector<64x8x144xf32>
    %reduce_min3A_2282 = arith.constant dense<0x7F800000> : vector<64x8xf32>
    %reduce_min3A_2283 = vector.multi_reduction <minimumf>, %select_n3A_2281, %reduce_min3A_2282 [2] : vector<64x8x144xf32> to vector<64x8xf32>
    %reduce_min3A_2284 = arith.constant dense<0x7F800000> : vector<64xf32>
    %reduce_min3A_2285 = vector.multi_reduction <minimumf>, %reduce_min3A_2283, %reduce_min3A_2284 [1] : vector<64x8xf32> to vector<64xf32>
    %broadcast_in_dim3A_2286 = vector.shape_cast %reduce_min3A_2285 : vector<64xf32> to vector<64x1x1xf32>
    %squeeze3A_2287 = vector.shape_cast %broadcast_in_dim3A_2286 : vector<64x1x1xf32> to vector<64x1xf32>
    %squeeze3A_2288 = vector.shape_cast %broadcast_in_dim3A_2276 : vector<64x1x1xf32> to vector<64x1xf32>
    %eq3A_2289 = vector.broadcast %broadcast_in_dim3A_2286 : vector<64x1x1xf32> to vector<64x8x144xf32>
    %eq3A_2290 = arith.cmpf oeq, %add3A_1694, %eq3A_2289 : vector<64x8x144xf32>
    %jit3A_2291 = arith.constant -1.000000e+00 : f32
    %broadcast_in_dim3A_2292 = vector.broadcast %jit3A_2291 : f32 to vector<64x8x144xf32>
    %select_n3A_2293 = arith.select %eq3A_2290, %broadcast_in_dim3A_2292, %select_n3A_2271 : vector<64x8x144xi1>, vector<64x8x144xf32>
    %reduce_max3A_2294 = arith.constant dense<0xFF800000> : vector<64x8xf32>
    %reduce_max3A_2295 = vector.multi_reduction <maximumf>, %select_n3A_2293, %reduce_max3A_2294 [2] : vector<64x8x144xf32> to vector<64x8xf32>
    %reduce_max3A_2296 = arith.constant dense<0xFF800000> : vector<64xf32>
    %reduce_max3A_2297 = vector.multi_reduction <maximumf>, %reduce_max3A_2295, %reduce_max3A_2296 [1] : vector<64x8xf32> to vector<64xf32>
    %broadcast_in_dim3A_2298 = vector.shape_cast %reduce_max3A_2297 : vector<64xf32> to vector<64x1x1xf32>
    %eq3A_2299 = vector.broadcast %broadcast_in_dim3A_2298 : vector<64x1x1xf32> to vector<64x8x144xf32>
    %eq3A_2300 = arith.cmpf oeq, %select_n3A_2293, %eq3A_2299 : vector<64x8x144xf32>
    %jit3A_2301 = arith.constant 1.000000e+09 : f32
    %broadcast_in_dim3A_2302 = vector.broadcast %jit3A_2301 : f32 to vector<64x8x144xf32>
    %select_n3A_2303 = arith.select %eq3A_2300, %add3A_1694, %broadcast_in_dim3A_2302 : vector<64x8x144xi1>, vector<64x8x144xf32>
    %reduce_min3A_2304 = arith.constant dense<0x7F800000> : vector<64x8xf32>
    %reduce_min3A_2305 = vector.multi_reduction <minimumf>, %select_n3A_2303, %reduce_min3A_2304 [2] : vector<64x8x144xf32> to vector<64x8xf32>
    %reduce_min3A_2306 = arith.constant dense<0x7F800000> : vector<64xf32>
    %reduce_min3A_2307 = vector.multi_reduction <minimumf>, %reduce_min3A_2305, %reduce_min3A_2306 [1] : vector<64x8xf32> to vector<64xf32>
    %broadcast_in_dim3A_2308 = vector.shape_cast %reduce_min3A_2307 : vector<64xf32> to vector<64x1x1xf32>
    %squeeze3A_2309 = vector.shape_cast %broadcast_in_dim3A_2308 : vector<64x1x1xf32> to vector<64x1xf32>
    %squeeze3A_2310 = vector.shape_cast %broadcast_in_dim3A_2298 : vector<64x1x1xf32> to vector<64x1xf32>
    %eq3A_2311 = vector.broadcast %broadcast_in_dim3A_2308 : vector<64x1x1xf32> to vector<64x8x144xf32>
    %eq3A_2312 = arith.cmpf oeq, %add3A_1694, %eq3A_2311 : vector<64x8x144xf32>
    %jit3A_2313 = arith.constant -1.000000e+00 : f32
    %broadcast_in_dim3A_2314 = vector.broadcast %jit3A_2313 : f32 to vector<64x8x144xf32>
    %select_n3A_2315 = arith.select %eq3A_2312, %broadcast_in_dim3A_2314, %select_n3A_2293 : vector<64x8x144xi1>, vector<64x8x144xf32>
    %reduce_max3A_2316 = arith.constant dense<0xFF800000> : vector<64x8xf32>
    %reduce_max3A_2317 = vector.multi_reduction <maximumf>, %select_n3A_2315, %reduce_max3A_2316 [2] : vector<64x8x144xf32> to vector<64x8xf32>
    %reduce_max3A_2318 = arith.constant dense<0xFF800000> : vector<64xf32>
    %reduce_max3A_2319 = vector.multi_reduction <maximumf>, %reduce_max3A_2317, %reduce_max3A_2318 [1] : vector<64x8xf32> to vector<64xf32>
    %broadcast_in_dim3A_2320 = vector.shape_cast %reduce_max3A_2319 : vector<64xf32> to vector<64x1x1xf32>
    %eq3A_2321 = vector.broadcast %broadcast_in_dim3A_2320 : vector<64x1x1xf32> to vector<64x8x144xf32>
    %eq3A_2322 = arith.cmpf oeq, %select_n3A_2315, %eq3A_2321 : vector<64x8x144xf32>
    %jit3A_2323 = arith.constant 1.000000e+09 : f32
    %broadcast_in_dim3A_2324 = vector.broadcast %jit3A_2323 : f32 to vector<64x8x144xf32>
    %select_n3A_2325 = arith.select %eq3A_2322, %add3A_1694, %broadcast_in_dim3A_2324 : vector<64x8x144xi1>, vector<64x8x144xf32>
    %reduce_min3A_2326 = arith.constant dense<0x7F800000> : vector<64x8xf32>
    %reduce_min3A_2327 = vector.multi_reduction <minimumf>, %select_n3A_2325, %reduce_min3A_2326 [2] : vector<64x8x144xf32> to vector<64x8xf32>
    %reduce_min3A_2328 = arith.constant dense<0x7F800000> : vector<64xf32>
    %reduce_min3A_2329 = vector.multi_reduction <minimumf>, %reduce_min3A_2327, %reduce_min3A_2328 [1] : vector<64x8xf32> to vector<64xf32>
    %broadcast_in_dim3A_2330 = vector.shape_cast %reduce_min3A_2329 : vector<64xf32> to vector<64x1x1xf32>
    %squeeze3A_2331 = vector.shape_cast %broadcast_in_dim3A_2330 : vector<64x1x1xf32> to vector<64x1xf32>
    %squeeze3A_2332 = vector.shape_cast %broadcast_in_dim3A_2320 : vector<64x1x1xf32> to vector<64x1xf32>
    %eq3A_2333 = vector.broadcast %broadcast_in_dim3A_2330 : vector<64x1x1xf32> to vector<64x8x144xf32>
    %eq3A_2334 = arith.cmpf oeq, %add3A_1694, %eq3A_2333 : vector<64x8x144xf32>
    %jit3A_2335 = arith.constant -1.000000e+00 : f32
    %broadcast_in_dim3A_2336 = vector.broadcast %jit3A_2335 : f32 to vector<64x8x144xf32>
    %select_n3A_2337 = arith.select %eq3A_2334, %broadcast_in_dim3A_2336, %select_n3A_2315 : vector<64x8x144xi1>, vector<64x8x144xf32>
    %reduce_max3A_2338 = arith.constant dense<0xFF800000> : vector<64x8xf32>
    %reduce_max3A_2339 = vector.multi_reduction <maximumf>, %select_n3A_2337, %reduce_max3A_2338 [2] : vector<64x8x144xf32> to vector<64x8xf32>
    %reduce_max3A_2340 = arith.constant dense<0xFF800000> : vector<64xf32>
    %reduce_max3A_2341 = vector.multi_reduction <maximumf>, %reduce_max3A_2339, %reduce_max3A_2340 [1] : vector<64x8xf32> to vector<64xf32>
    %broadcast_in_dim3A_2342 = vector.shape_cast %reduce_max3A_2341 : vector<64xf32> to vector<64x1x1xf32>
    %eq3A_2343 = vector.broadcast %broadcast_in_dim3A_2342 : vector<64x1x1xf32> to vector<64x8x144xf32>
    %eq3A_2344 = arith.cmpf oeq, %select_n3A_2337, %eq3A_2343 : vector<64x8x144xf32>
    %jit3A_2345 = arith.constant 1.000000e+09 : f32
    %broadcast_in_dim3A_2346 = vector.broadcast %jit3A_2345 : f32 to vector<64x8x144xf32>
    %select_n3A_2347 = arith.select %eq3A_2344, %add3A_1694, %broadcast_in_dim3A_2346 : vector<64x8x144xi1>, vector<64x8x144xf32>
    %reduce_min3A_2348 = arith.constant dense<0x7F800000> : vector<64x8xf32>
    %reduce_min3A_2349 = vector.multi_reduction <minimumf>, %select_n3A_2347, %reduce_min3A_2348 [2] : vector<64x8x144xf32> to vector<64x8xf32>
    %reduce_min3A_2350 = arith.constant dense<0x7F800000> : vector<64xf32>
    %reduce_min3A_2351 = vector.multi_reduction <minimumf>, %reduce_min3A_2349, %reduce_min3A_2350 [1] : vector<64x8xf32> to vector<64xf32>
    %broadcast_in_dim3A_2352 = vector.shape_cast %reduce_min3A_2351 : vector<64xf32> to vector<64x1x1xf32>
    %squeeze3A_2353 = vector.shape_cast %broadcast_in_dim3A_2352 : vector<64x1x1xf32> to vector<64x1xf32>
    %squeeze3A_2354 = vector.shape_cast %broadcast_in_dim3A_2342 : vector<64x1x1xf32> to vector<64x1xf32>
    %eq3A_2355 = vector.broadcast %broadcast_in_dim3A_2352 : vector<64x1x1xf32> to vector<64x8x144xf32>
    %eq3A_2356 = arith.cmpf oeq, %add3A_1694, %eq3A_2355 : vector<64x8x144xf32>
    %jit3A_2357 = arith.constant -1.000000e+00 : f32
    %broadcast_in_dim3A_2358 = vector.broadcast %jit3A_2357 : f32 to vector<64x8x144xf32>
    %select_n3A_2359 = arith.select %eq3A_2356, %broadcast_in_dim3A_2358, %select_n3A_2337 : vector<64x8x144xi1>, vector<64x8x144xf32>
    %reduce_max3A_2360 = arith.constant dense<0xFF800000> : vector<64x8xf32>
    %reduce_max3A_2361 = vector.multi_reduction <maximumf>, %select_n3A_2359, %reduce_max3A_2360 [2] : vector<64x8x144xf32> to vector<64x8xf32>
    %reduce_max3A_2362 = arith.constant dense<0xFF800000> : vector<64xf32>
    %reduce_max3A_2363 = vector.multi_reduction <maximumf>, %reduce_max3A_2361, %reduce_max3A_2362 [1] : vector<64x8xf32> to vector<64xf32>
    %broadcast_in_dim3A_2364 = vector.shape_cast %reduce_max3A_2363 : vector<64xf32> to vector<64x1x1xf32>
    %eq3A_2365 = vector.broadcast %broadcast_in_dim3A_2364 : vector<64x1x1xf32> to vector<64x8x144xf32>
    %eq3A_2366 = arith.cmpf oeq, %select_n3A_2359, %eq3A_2365 : vector<64x8x144xf32>
    %jit3A_2367 = arith.constant 1.000000e+09 : f32
    %broadcast_in_dim3A_2368 = vector.broadcast %jit3A_2367 : f32 to vector<64x8x144xf32>
    %select_n3A_2369 = arith.select %eq3A_2366, %add3A_1694, %broadcast_in_dim3A_2368 : vector<64x8x144xi1>, vector<64x8x144xf32>
    %reduce_min3A_2370 = arith.constant dense<0x7F800000> : vector<64x8xf32>
    %reduce_min3A_2371 = vector.multi_reduction <minimumf>, %select_n3A_2369, %reduce_min3A_2370 [2] : vector<64x8x144xf32> to vector<64x8xf32>
    %reduce_min3A_2372 = arith.constant dense<0x7F800000> : vector<64xf32>
    %reduce_min3A_2373 = vector.multi_reduction <minimumf>, %reduce_min3A_2371, %reduce_min3A_2372 [1] : vector<64x8xf32> to vector<64xf32>
    %broadcast_in_dim3A_2374 = vector.shape_cast %reduce_min3A_2373 : vector<64xf32> to vector<64x1x1xf32>
    %squeeze3A_2375 = vector.shape_cast %broadcast_in_dim3A_2374 : vector<64x1x1xf32> to vector<64x1xf32>
    %squeeze3A_2376 = vector.shape_cast %broadcast_in_dim3A_2364 : vector<64x1x1xf32> to vector<64x1xf32>
    %eq3A_2377 = vector.broadcast %broadcast_in_dim3A_2374 : vector<64x1x1xf32> to vector<64x8x144xf32>
    %eq3A_2378 = arith.cmpf oeq, %add3A_1694, %eq3A_2377 : vector<64x8x144xf32>
    %jit3A_2379 = arith.constant -1.000000e+00 : f32
    %broadcast_in_dim3A_2380 = vector.broadcast %jit3A_2379 : f32 to vector<64x8x144xf32>
    %select_n3A_2381 = arith.select %eq3A_2378, %broadcast_in_dim3A_2380, %select_n3A_2359 : vector<64x8x144xi1>, vector<64x8x144xf32>
    %reduce_max3A_2382 = arith.constant dense<0xFF800000> : vector<64x8xf32>
    %reduce_max3A_2383 = vector.multi_reduction <maximumf>, %select_n3A_2381, %reduce_max3A_2382 [2] : vector<64x8x144xf32> to vector<64x8xf32>
    %reduce_max3A_2384 = arith.constant dense<0xFF800000> : vector<64xf32>
    %reduce_max3A_2385 = vector.multi_reduction <maximumf>, %reduce_max3A_2383, %reduce_max3A_2384 [1] : vector<64x8xf32> to vector<64xf32>
    %broadcast_in_dim3A_2386 = vector.shape_cast %reduce_max3A_2385 : vector<64xf32> to vector<64x1x1xf32>
    %eq3A_2387 = vector.broadcast %broadcast_in_dim3A_2386 : vector<64x1x1xf32> to vector<64x8x144xf32>
    %eq3A_2388 = arith.cmpf oeq, %select_n3A_2381, %eq3A_2387 : vector<64x8x144xf32>
    %jit3A_2389 = arith.constant 1.000000e+09 : f32
    %broadcast_in_dim3A_2390 = vector.broadcast %jit3A_2389 : f32 to vector<64x8x144xf32>
    %select_n3A_2391 = arith.select %eq3A_2388, %add3A_1694, %broadcast_in_dim3A_2390 : vector<64x8x144xi1>, vector<64x8x144xf32>
    %reduce_min3A_2392 = arith.constant dense<0x7F800000> : vector<64x8xf32>
    %reduce_min3A_2393 = vector.multi_reduction <minimumf>, %select_n3A_2391, %reduce_min3A_2392 [2] : vector<64x8x144xf32> to vector<64x8xf32>
    %reduce_min3A_2394 = arith.constant dense<0x7F800000> : vector<64xf32>
    %reduce_min3A_2395 = vector.multi_reduction <minimumf>, %reduce_min3A_2393, %reduce_min3A_2394 [1] : vector<64x8xf32> to vector<64xf32>
    %broadcast_in_dim3A_2396 = vector.shape_cast %reduce_min3A_2395 : vector<64xf32> to vector<64x1x1xf32>
    %squeeze3A_2397 = vector.shape_cast %broadcast_in_dim3A_2396 : vector<64x1x1xf32> to vector<64x1xf32>
    %squeeze3A_2398 = vector.shape_cast %broadcast_in_dim3A_2386 : vector<64x1x1xf32> to vector<64x1xf32>
    %concatenate3A_2399 = tpu.concatenate %squeeze3A_1715, %squeeze3A_1737, %squeeze3A_1759, %squeeze3A_1781, %squeeze3A_1803, %squeeze3A_1825, %squeeze3A_1847, %squeeze3A_1869, %squeeze3A_1891, %squeeze3A_1913, %squeeze3A_1935, %squeeze3A_1957, %squeeze3A_1979, %squeeze3A_2001, %squeeze3A_2023, %squeeze3A_2045, %squeeze3A_2067, %squeeze3A_2089, %squeeze3A_2111, %squeeze3A_2133, %squeeze3A_2155, %squeeze3A_2177, %squeeze3A_2199, %squeeze3A_2221, %squeeze3A_2243, %squeeze3A_2265, %squeeze3A_2287, %squeeze3A_2309, %squeeze3A_2331, %squeeze3A_2353, %squeeze3A_2375, %squeeze3A_2397 in 1 : vector<64x1xf32>, vector<64x1xf32>, vector<64x1xf32>, vector<64x1xf32>, vector<64x1xf32>, vector<64x1xf32>, vector<64x1xf32>, vector<64x1xf32>, vector<64x1xf32>, vector<64x1xf32>, vector<64x1xf32>, vector<64x1xf32>, vector<64x1xf32>, vector<64x1xf32>, vector<64x1xf32>, vector<64x1xf32>, vector<64x1xf32>, vector<64x1xf32>, vector<64x1xf32>, vector<64x1xf32>, vector<64x1xf32>, vector<64x1xf32>, vector<64x1xf32>, vector<64x1xf32>, vector<64x1xf32>, vector<64x1xf32>, vector<64x1xf32>, vector<64x1xf32>, vector<64x1xf32>, vector<64x1xf32>, vector<64x1xf32>, vector<64x1xf32> -> vector<64x32xf32>
    %convert_element_type3A_2400 = arith.fptosi %concatenate3A_2399 : vector<64x32xf32> to vector<64x32xi32>
    %concatenate3A_2401 = tpu.concatenate %squeeze3A_1716, %squeeze3A_1738, %squeeze3A_1760, %squeeze3A_1782, %squeeze3A_1804, %squeeze3A_1826, %squeeze3A_1848, %squeeze3A_1870, %squeeze3A_1892, %squeeze3A_1914, %squeeze3A_1936, %squeeze3A_1958, %squeeze3A_1980, %squeeze3A_2002, %squeeze3A_2024, %squeeze3A_2046, %squeeze3A_2068, %squeeze3A_2090, %squeeze3A_2112, %squeeze3A_2134, %squeeze3A_2156, %squeeze3A_2178, %squeeze3A_2200, %squeeze3A_2222, %squeeze3A_2244, %squeeze3A_2266, %squeeze3A_2288, %squeeze3A_2310, %squeeze3A_2332, %squeeze3A_2354, %squeeze3A_2376, %squeeze3A_2398 in 1 : vector<64x1xf32>, vector<64x1xf32>, vector<64x1xf32>, vector<64x1xf32>, vector<64x1xf32>, vector<64x1xf32>, vector<64x1xf32>, vector<64x1xf32>, vector<64x1xf32>, vector<64x1xf32>, vector<64x1xf32>, vector<64x1xf32>, vector<64x1xf32>, vector<64x1xf32>, vector<64x1xf32>, vector<64x1xf32>, vector<64x1xf32>, vector<64x1xf32>, vector<64x1xf32>, vector<64x1xf32>, vector<64x1xf32>, vector<64x1xf32>, vector<64x1xf32>, vector<64x1xf32>, vector<64x1xf32>, vector<64x1xf32>, vector<64x1xf32>, vector<64x1xf32>, vector<64x1xf32>, vector<64x1xf32>, vector<64x1xf32>, vector<64x1xf32> -> vector<64x32xf32>
    %swap3A = arith.constant 0 : index
    %swap3A_2402 = arith.constant 0 : index
    %swap3A_2403 = vector.load %arg2[%swap3A, %swap3A_2402] : memref<64x32xi32, #tpu.memory_space<vmem>>, vector<64x32xi32>
    tpu.vector_store %arg2[%swap3A, %swap3A_2402], %convert_element_type3A_2400 {strides = array<i32>} : memref<64x32xi32, #tpu.memory_space<vmem>>, vector<64x32xi32>,
    %iota3A_2404 = tpu.iota {dimensions = array<i32: 1>} : vector<32x1024xi32>
    %iota3A_2405 = tpu.iota {dimensions = array<i32: 0>} : vector<32x1024xi32>
    %jit3A_2406 = arith.constant 32 : i32
    %div3A_2407 = vector.broadcast %jit3A_2406 : i32 to vector<32x1024xi32>
    %div3A_2408 = arith.divsi %iota3A_2404, %div3A_2407 : vector<32x1024xi32>
    %sign3A_2409 = arith.constant 0 : i32
    %sign3A_2410 = vector.broadcast %sign3A_2409 : i32 to vector<32x1024xi32>
    %sign3A_2411 = arith.cmpi sgt, %iota3A_2404, %sign3A_2410 : vector<32x1024xi32>
    %sign3A_2412 = arith.extui %sign3A_2411 : vector<32x1024xi1> to vector<32x1024xi32>
    %sign3A_2413 = arith.constant 0 : i32
    %sign3A_2414 = vector.broadcast %sign3A_2413 : i32 to vector<32x1024xi32>
    %sign3A_2415 = arith.cmpi slt, %iota3A_2404, %sign3A_2414 : vector<32x1024xi32>
    %sign3A_2416 = arith.extui %sign3A_2415 : vector<32x1024xi1> to vector<32x1024xi32>
    %sign3A_2417 = arith.subi %sign3A_2412, %sign3A_2416 : vector<32x1024xi32>
    %sign3A_2418 = arith.constant 0 : i32
    %sign3A_2419 = arith.cmpi sgt, %jit3A_2406, %sign3A_2418 : i32
    %sign3A_2420 = arith.extui %sign3A_2419 : i1 to i32
    %sign3A_2421 = arith.constant 0 : i32
    %sign3A_2422 = arith.cmpi slt, %jit3A_2406, %sign3A_2421 : i32
    %sign3A_2423 = arith.extui %sign3A_2422 : i1 to i32
    %sign3A_2424 = arith.subi %sign3A_2420, %sign3A_2423 : i32
    %ne3A_2425 = vector.broadcast %sign3A_2424 : i32 to vector<32x1024xi32>
    %ne3A_2426 = arith.cmpi ne, %sign3A_2417, %ne3A_2425 : vector<32x1024xi32>
    %rem3A_2427 = vector.broadcast %jit3A_2406 : i32 to vector<32x1024xi32>
    %rem3A_2428 = arith.remsi %iota3A_2404, %rem3A_2427 : vector<32x1024xi32>
    %ne3A_2429 = arith.constant 0 : i32
    %ne3A_2430 = vector.broadcast %ne3A_2429 : i32 to vector<32x1024xi32>
    %ne3A_2431 = arith.cmpi ne, %rem3A_2428, %ne3A_2430 : vector<32x1024xi32>
    %and3A_2432 = arith.andi %ne3A_2426, %ne3A_2431 : vector<32x1024xi1>
    %sub3A_2433 = arith.constant 1 : i32
    %sub3A_2434 = vector.broadcast %sub3A_2433 : i32 to vector<32x1024xi32>
    %sub3A_2435 = arith.subi %div3A_2408, %sub3A_2434 : vector<32x1024xi32>
    %select_n3A_2436 = arith.select %and3A_2432, %sub3A_2435, %div3A_2408 : vector<32x1024xi1>, vector<32x1024xi32>
    %eq3A_2437 = arith.cmpi eq, %select_n3A_2436, %iota3A_2405 : vector<32x1024xi32>
    %convert_element_type3A_2438 = arith.extui %eq3A_2437 : vector<32x1024xi1> to vector<32x1024xi32>
    %convert_element_type3A_2439 = arith.sitofp %convert_element_type3A_2438 : vector<32x1024xi32> to vector<32x1024xf32>
    %dot_general3A_2440 = arith.constant dense<0.000000e+00> : vector<64x1024xf32>
    %dot_general3A_2441 = tpu.matmul %concatenate3A_2401, %convert_element_type3A_2439, %dot_general3A_2440 {dimension_numbers = #tpu.dot_dimension_numbers<[1], [0], [0], [1], [0, 0, 1, 1], [], []>, precision = #tpu.contract_precision<fp32>, transpose_lhs_hint = false} : vector<64x32xf32>, vector<32x1024xf32>, vector<64x1024xf32> -> vector<64x1024xf32>
    %swap3A_2442 = arith.constant 0 : index
    %swap3A_2443 = arith.constant 0 : index
    %swap3A_2444 = vector.load %arg3[%swap3A_2442, %swap3A_2443] : memref<64x1024xf32, #tpu.memory_space<vmem>>, vector<64x1024xf32>
    tpu.vector_store %arg3[%swap3A_2442, %swap3A_2443], %dot_general3A_2441 {strides = array<i32>} : memref<64x1024xf32, #tpu.memory_space<vmem>>, vector<64x1024xf32>,
    return
  }
  func.func @transform_0(%arg0: i32) -> (i32, i32) {
    %c0_i32 = arith.constant 0 : i32
    %c0_i32_0 = arith.constant 0 : i32
    return %arg0, %c0_i32 : i32, i32
  }
  func.func @transform_1(%arg0: i32) -> (i32, i32) {
    %c0_i32 = arith.constant 0 : i32
    %c0_i32_0 = arith.constant 0 : i32
    return %arg0, %c0_i32 : i32, i32
  }
  func.func @transform_2(%arg0: i32) -> (i32, i32) {
    %c0_i32 = arith.constant 0 : i32
    %c0_i32_0 = arith.constant 0 : i32
    return %arg0, %c0_i32 : i32, i32
  }
}

</mosaic_0001>

<sc_bundles>
// kernel: kernel.4.cloned.1.call-start
scs
__scs_entry_jumppad:
0x0: {  	(pc) =	sbr.rel $0x88, $3  }
0x1: {  	(tag) =	ssettag $0x0;
	lr =	simm.s32 $0x1  }
0x2: {  	[smem:$0x3F9E] =	sst lr;
	_ =	strace $0xD0000000  }
0x3: {  	_ = 	snop  }
0x4: {  	_ = 	snop  }
0x5: {  	_ = 	snop  }
0x6: {  	_ = 	snop  }
0x7: {  	_ = 	snop  }
__scs_overlays_trampoline_lowered:
0x8: {  	[smem:$0x3FAD] =	sst s0  }
0x9: {  	[smem:$0x3FAE] =	sst s1  }
0xa: {  	[smem:$0x3FAF] =	sst s2  }
0xb: {  	[smem:$0x3FB0] =	sst s3  }
0xc: {  	[smem:$0x3FB1] =	sst s4  }
0xd: {  	[smem:$0x3FB2] =	sst s5  }
0xe: {  	[smem:$0x3FB3] =	sst s6  }
0xf: {  	[smem:$0x3FB4] =	sst s7  }
0x10: {  	[smem:$0x3FB5] =	sst s8  }
0x11: {  	[smem:$0x3FB6] =	sst s9;
	s0 =	simm.s32 @!p0 $0x0  }
0x12: {  	s1 =	sld [smem:$0x3F9C];
	s0 =	simm.s32 @p0 $0x1  }
0x13: {  	[smem:$0x3FB7] =	sst s0;
	s0 =	simm.s32 @!p1 $0x0  }
0x14: {  	s2 =	sld [smem:$0x3F9B];
	s0 =	simm.s32 @p1 $0x1  }
0x15: {  	[smem:$0x3FB8] =	sst s0;
	s0 =	simm.s32 @!p2 $0x0  }
0x16: {  	s3 =	sld [smem:$0x3FDB];
	s0 =	simm.s32 @p2 $0x1  }
0x17: {  	s4 =	simm.s32 $0x1BF5;
	[smem:$0x3FBA] =	sst s0  }
0x18: {  	s0 =	sld [smem:$0x3F9D];
	_ =	swait.ge [sflag:s4], $0x0  }
0x19: {  	s7 =	sld [smem:$0x3F9E]  }
0x1a: {  	s8 =	sadd.s32 $0xFFFFE003, lr  }
0x1b: {  	s9 =	sadd.s32 $0xFFFFFEF7, lr;
	s5 =	simm.s32 $0xFFFFFFFF;
	p2 =	slt.u32 s8, $0xFFFFF086  }
0x1c: {  	p1 =	slt.u32 s9, $0xF7A;
	s5 =	simm.s32 @!p2 $0x0  }
0x1d: {  	s5 =	simm.s32 @p1 $0x1;
	p0 =	seq.s32 s7, s2  }
0x1e: {  	s7 =	smul.u32 @!p0 $0xF7A, s2;
	p2 =	seq.s32 @!p0 s5, $0x0  }
0x1f: {  	s9 =	smul.u32 $0xF7A, s1;
	s8 =	simm.s32 @!p0 $0x1BF5;
	p2 =	por !p2, p0  }
0x20: {  	[sflag:s8] =	ssyncset.s32 @!p0 $0xFFFFF086;
	s6 =	sadd.s32 @!p0 s3, s7;
	s7 =	simm.s32 @!p0 $0x108  }
0x21: {  	s3 =	sadd.s32 s3, s9;
	s6 =	sadd.s32 @!p0 $0x88, s6;
	s7 =	simm.s32 @p2 $0x1082  }
0x22: {  	[simem:s7], [sflag:s8] =	dma.local @!p0 [hbm:s6], $0xF7A  }
0x23: {  	s9 =	sor.u32 $0xD0000000, s2;
	s6 =	simm.s32 $0x108;
	_ =	swait.ge @!p0 [sflag:s8], $0x0  }
0x24: {  	s3 =	sadd.s32 $0x88, s3;
	s6 =	simm.s32 @!p1 $0x1082;
	[sflag:s4] =	ssyncset.s32 $0xFFFFF086  }
0x25: {  	[simem:s6], [sflag:s4] =	dma.local [hbm:s3], $0xF7A  }
0x26: {  	[smem:$0x3F9E] =	sst s1;
	(tag) =	ssettag s2;
	_ =	strace s9  }
0x27: {  	s1 =	sld [smem:$0x3FAE]  }
0x28: {  	s2 =	sld [smem:$0x3FAF]  }
0x29: {  	s4 =	sld [smem:$0x3FB1]  }
0x2a: {  	p0 =	seq.s32 s5, $0x0;
	s5 =	sld [smem:$0x3FB2]  }
0x2b: {  	s6 =	sld [smem:$0x3FB3]  }
0x2c: {  	s7 =	sld [smem:$0x3FB4]  }
0x2d: {  	s3 =	simm.s32 $0x108;
	s8 =	sld [smem:$0x3FB5]  }
0x2e: {  	s3 =	simm.s32 @!p0 $0x1082;
	s9 =	sld [smem:$0x3FB6]  }
0x2f: {  	lr =	sadd.s32 s0, s3;
	s0 =	sld [smem:$0x3FAD]  }
0x30: {  	s3 =	sld [smem:$0x3FB0]  }
0x31: {  	[smem:$0x3FB9] =	sst s10  }
0x32: {  	s10 =	sld [smem:$0x3FB7];
	_ =	sdelay $0x3  }
0x33: {  	p0 =	seq.s32 s10, $0x1;
	s10 =	sld [smem:$0x3FB9];
	_ =	sdelay $0x3  }
0x34: {  	[smem:$0x3FB9] =	sst s10  }
0x35: {  	s10 =	sld [smem:$0x3FB8];
	_ =	sdelay $0x3  }
0x36: {  	p1 =	seq.s32 s10, $0x1;
	s10 =	sld [smem:$0x3FB9];
	_ =	sdelay $0x3  }
0x37: {  	[smem:$0x3FB9] =	sst s10  }
0x38: {  	s10 =	sld [smem:$0x3FBA]  }
0x39: {  	_ = 	snop;
	(pc) =	sbr.ind lr, $3  }
0x3a: {  	_ = 	snop  }
0x3b: {  	_ = 	snop  }
0x3c: {  	p2 =	seq.s32 s10, $0x1;
	s10 =	sld [smem:$0x3FB9]  }
0x3d: {  	_ =	shalt  }
0x3e: {  	_ =	shalt  }
0x3f: {  	_ =	shalt  }
0x40: {  	_ =	shalt  }
0x41: {  	_ =	shalt  }
0x42: {  	_ =	shalt  }
0x43: {  	_ =	shalt  }
0x44: {  	_ =	shalt  }
0x45: {  	_ =	shalt  }
0x46: {  	_ =	shalt  }
0x47: {  	_ =	shalt  }
0x48: {  	_ =	shalt  }
0x49: {  	_ =	shalt  }
0x4a: {  	_ =	shalt  }
0x4b: {  	_ =	shalt  }
0x4c: {  	_ =	shalt  }
0x4d: {  	_ =	shalt  }
0x4e: {  	_ =	shalt  }
0x4f: {  	_ =	shalt  }
0x50: {  	_ =	shalt  }
0x51: {  	_ =	shalt  }
0x52: {  	_ =	shalt  }
0x53: {  	_ =	shalt  }
0x54: {  	_ =	shalt  }
0x55: {  	_ =	shalt  }
0x56: {  	_ =	shalt  }
0x57: {  	_ =	shalt  }
0x58: {  	_ =	shalt  }
0x59: {  	_ =	shalt  }
0x5a: {  	_ =	shalt  }
0x5b: {  	_ =	shalt  }
0x5c: {  	_ =	shalt  }
0x5d: {  	_ =	shalt  }
0x5e: {  	_ =	shalt  }
0x5f: {  	_ =	shalt  }
0x60: {  	_ =	shalt  }
0x61: {  	_ =	shalt  }
0x62: {  	_ =	shalt  }
0x63: {  	_ =	shalt  }
0x64: {  	_ =	shalt  }
0x65: {  	_ =	shalt  }
0x66: {  	_ =	shalt  }
0x67: {  	_ =	shalt  }
0x68: {  	_ =	shalt  }
0x69: {  	_ =	shalt  }
0x6a: {  	_ =	shalt  }
0x6b: {  	_ =	shalt  }
0x6c: {  	_ =	shalt  }
0x6d: {  	_ =	shalt  }
0x6e: {  	_ =	shalt  }
0x6f: {  	_ =	shalt  }
0x70: {  	_ =	shalt  }
0x71: {  	_ =	shalt  }
0x72: {  	_ =	shalt  }
0x73: {  	_ =	shalt  }
0x74: {  	_ =	shalt  }
0x75: {  	_ =	shalt  }
0x76: {  	_ =	shalt  }
0x77: {  	_ =	shalt  }
0x78: {  	_ =	shalt  }
0x79: {  	_ =	shalt  }
0x7a: {  	_ =	shalt  }
0x7b: {  	_ =	shalt  }
0x7c: {  	_ =	shalt  }
0x7d: {  	_ =	shalt  }
0x7e: {  	_ =	shalt  }
0x7f: {  	_ =	shalt  }
0x80: {  	_ =	shalt  }
0x81: {  	_ =	shalt  }
0x82: {  	_ =	shalt  }
0x83: {  	_ =	shalt  }
0x84: {  	_ =	shalt  }
0x85: {  	_ =	shalt  }
0x86: {  	_ =	shalt  }
0x87: {  	_ =	shalt  }
.Lfunc_end0:
.L_simem_size_0:
called_computation_lowered:
.L_overlay_start_0:
0x88: {  	s2 =	sld [smem:$0x3FD9]  }
0x89: {  	s3 =	sld [smem:$0x3FFE];
	_ =	sdelay $0x1  }
0x8a: {  	s1 =	srdreg.scid  }
0x8b: {  	s0 =	sand.u32 $0x1, s1  }
0x8c: {  	s14 =	sshll.u32 s0, $0xA;
	s2 =	sadd.s32 s3, s2  }
0x8d: {  	s2 =	sadd.s32 s2, s14  }
0x8e: {  	[smem:$0x3FC5] =	sst s2  }
0x8f: {  	_ = 	snop  }
0x90: {  	s2 =	sld [smem:$0x3FD0];
	_ =	sdelay $0x2  }
0x91: {  	s15 =	simm.s32 $0xA;
	s4 =	simm.s32 $0x10  }
0x92: {  	[smem:s4], [sflag:s15] =	dma.local [hbm:s2], $0x1  }
0x93: {  	_ =	swait.eq [sflag:s15], $0x1  }
0x94: {  	[sflag:s15] =	ssyncset.done $0x0  }
0x95: {  	[sflag:s15] =	ssyncadd.s32 $0xFFFFFFFF  }
0x96: {  	s16 =	sld [smem:$0x11];
	(tm) =	ssettm $0x1  }
0x97: {  	s17 =	sld [smem:$0x3FFB];
	_ =	sdelay $0x3  }
0x98: {  	_ =	strace s17  }
0x99: {  	s3 =	sld [smem:$0x3FFC];
	_ =	sdelay $0x3  }
0x9a: {  	_ =	strace s3  }
0x9b: {  	s3 =	sld [smem:$0x3FFD];
	_ =	sdelay $0x3  }
0x9c: {  	_ =	strace s3  }
0x9d: {  	_ =	strace $0x8FFFFFFF  }
0x9e: {  	s18 =	sld [smem:$0x3FDB];
	_ =	sdelay $0x1  }
0x9f: {  	s19 =	simm.s32 $_scs_section_size  }
0xa0: {  	s5 =	simm.s32 $_size__tile_overlayer_lowered;
	s6 =	simm.s32 $_tile_overlayer_lowered  }
0xa1: {  	s22 =	simm.s32 $0x1BFF;
	s21 =	sshll.u32 s6, $0x1;
	s3 =	sadd.s32 s19, s18  }
0xa2: {  	s7 =	simm.s32 $0x0;
	s20 =	sshll.u32 s5, $0x1;
	s5 =	sadd.s32 s21, s3  }
0xa3: {  	[timem:s7], [sflag:s22] =	dma.local [hbm:s5], s20  }
0xa4: {  	_ =	swait.ge [sflag:s22], s20  }
0xa5: {  	s4 =	ssub.s32 $0x0, s20;
	[sflag:s22] =	ssyncset.done $0x0  }
0xa6: {  	[sflag:s22] =	ssyncadd.s32 s4;
	_ =	sdelay $0x1  }
0xa7: {  	s23 =	simm.s32 $0x1B8B  }
0xa8: {  	_ =	swait.ge [sflag:s23], $0x1  }
0xa9: {  	[sflag:s23] =	ssyncset.done $0x0  }
0xaa: {  	s25 =	simm.s32 $0x1B8E;
	s24 =	sld [smem:$0x3FFE];
	[sflag:s23] =	ssyncadd.s32 $0xFFFFFFFF  }
0xab: {  	s26 =	simm.s32 $execute0_lowered;
	[smem:$0x3FD2] =	sst s25  }
0xac: {  	s5 =	sshll.u32 s26, $0x1;
	_ =	strace $0x80000046;
	[dreg:$0x1] =	wrdreg $0xFFFFFFFF  }
0xad: {  	s28 =	simm.s32 $_size_execute0_lowered;
	s3 =	sadd.s32 s3, s5;
	[dreg:$0x0] =	wrdreg $0x0  }
0xae: {  	s5 =	sshll.u32 s28, $0x1;
	[dreg:$0x2] =	wrdreg s3  }
0xaf: {  	[dreg:$0x3] =	wrdreg s5  }
0xb0: {  	[dreg:$0x4] =	wrdreg $0xC0  }
0xb1: {  	_ =	task [dreg:s7], $0x5FFFF  }
0xb2: {  	[dreg:$0x1] =	wrdreg $0xFFFFFFFF  }
0xb3: {  	[dreg:$0x0] =	wrdreg $0x60  }
0xb4: {  	[dreg:$0x2] =	wrdreg s16  }
0xb5: {  	[dreg:$0x3] =	wrdreg s24  }
0xb6: {  	[dreg:$0x4] =	wrdreg $0x9  }
0xb7: {  	_ =	task.clear_ibuf [dreg:s7], $0x5FFFF;
	_ =	strace $0x90000046  }
0xb8: {  	s29 =	simm.s32 $0x9;
	_ =	strace $0x80000048  }
0xb9: {  	_ =	swait.ge [sflag:s29], $0x1  }
0xba: {  	[sflag:s29] =	ssyncadd.s32 $0xFFFFFFFF  }
0xbb: {  	_ =	strace $0x90000048  }
0xbc: {  	_ =	sfence  }
0xbd: {  	s30 =	sld [smem:$0x0];
	_ =	sdelay $0x2  }
0xbe: {  	s31 =	sshll.u32 s1, $0xD;
	s1 =	sshrl.u32 s1, $0x2  }
0xbf: {  	s3 =	sand.u32 $0x4000, s31;
	s1 =	sadd.s32 s1, s30  }
0xc0: {  	s0 =	sor.u32 s3, s0;
	s1 =	sshll.u32 s1, $0x11  }
0xc1: {  	s0 =	sor.u32 s1, s0  }
0xc2: {  	s0 =	sadd.s32 $0x8F2B, s0  }
0xc3: {  	[sflag:s0] =	ssyncadd.remote.s32 $0x1  }
0xc4: {  	_ =	sfence.sel $0xFFFF  }
0xc5: {  	[dreg:$0x0] =	wrdreg $0xFFFFFFFF;
	(pc) =	sbr.abs _section_cstart, $3  }
0xc6: {  	[dreg:$0x1] =	wrdreg $0xFFFFFFFF  }
0xc7: {  	_ =	task.clear_ibuf [dreg:s7], $0x2FFFF;
	_ =	strace $0x9FFFFFFF  }
0xc8: {  	(tm) =	ssettm $0x7FFFFFFF  }
0xc9: {  	_ =	shalt  }
tec
execute0_lowered:
.L_overlay_start_1:
0x0: {  	(tag) =	ssettag $0x1  }
0x1: {  	s1 =	srdreg.scid  }
0x2: {  	s0 =	stileid.u32;
	s6 =	sand.u32 $0x1, s1  }
0x3: {  	s2 =	rddreg [dreg:$0x0];
	s30 =	sshll.u32 s0, $0xB;
	s3 =	sshll.u32 s6, $0xA  }
0x4: {  	s8 =	rddreg [dreg:$0x1];
	s7 =	simm.s32 $0x1;
	s9 =	sor.u32 s3, s30  }
0x5: {  	s1 =	rddreg [dreg:$0x2];
	s3 =	simm.s32 $0x0;
	s4 =	sshrl.u32 s9, $0x3  }
0x6: {  	s10 =	ssub.s32 $0x2, s6;
	[smem:$0x7FF] =	sst s3;
	s4 =	sadd.s32 s4, s8  }
0x7: {  	_ =	strace $0x80000047;
	s5 =	sadd.s32 $0x800, s4;
	s4 =	simm.s32 $0x2  }
0x8: {  	[tilespmem:s3], [sflag:$0x2] =	stream.linear.gather [hbm4b:s5+s3], $0x400, $0x38;
	[tilespmem:$0x8400] =	vst v63  }
0x9: {  	s6 =	simm.s32 $0x400;
	s11 =	sshrl.u32 s10, $0x1;
	_ =	swait.ge [sflag:s4], $0x400  }
0xa: {  	s9 =	sshll.u32 s9, $0x2;
	s31 =	ssub.s32 s10, s11;
	[sflag:s4] =	ssyncset.done $0x0  }
0xb: {  	s8 =	sadd.s32 s9, s8;
	s9 =	smax.u32 s31, $0x1;
	[sflag:s4] =	ssyncadd.s32 $0xFFFFFC00  }
0xc: {  	[tilespmem:s6], [sflag:$0x1] =	stream.indirect.gather [hbm4b:s2+s6], $0x20, s3, s6, $0xb8;
	[tilespmem:$0x8400] =	vst v63  }
0xd: {  	p0 =	sne.s32 s9, $0x1;
	_ =	swait.ge [sflag:s7], $0x8000  }
.Ltmp0:
0xe: {  	[sflag:s7] =	ssyncset.done $0x0;
	(pc) =	sbr.rel @!p0 .LBB2_2-.Ltmp0, $4  }
0xf: {  	s8 =	sadd.s32 $0x1800, s8;
	[sflag:s7] =	ssyncadd.s32 $0xFFFF8000  }
0x10: {  	[hbm4b:s8+s3] =	stream.linear.scatter [tilespmem:s6], [sflag:$0x2], $0x8000, $0x38;
	[tilespmem:$0x8400] =	vst v63  }
0x11: {  	_ =	swait.ge [sflag:s4], $0x8000  }
0x12: {  	s9 =	sadd.s32 $0xFFFFFFFF, s9;
	[sflag:s4] =	ssyncset.done $0x0  }
.LBB2_1:
0x13: {  	p0 =	sne.s32 s9, $0x1;
	s9 =	sadd.s32 $0xFFFFFFFF, s9;
	[sflag:s4] =	ssyncadd.s32 $0xFFFF8000  }
0x14: {  	[tilespmem:s3], [sflag:$0x2] =	stream.linear.gather [hbm4b:s5+s3], $0x400, $0x38;
	[tilespmem:$0x8400] =	vst v63  }
0x15: {  	_ =	swait.ge [sflag:s4], $0x400  }
0x16: {  	[sflag:s4] =	ssyncset.done $0x0  }
0x17: {  	[sflag:s4] =	ssyncadd.s32 $0xFFFFFC00  }
0x18: {  	[tilespmem:s6], [sflag:$0x1] =	stream.indirect.gather [hbm4b:s2+s6], $0x20, s3, s6, $0xb8;
	[tilespmem:$0x8400] =	vst v63  }
0x19: {  	_ =	swait.ge [sflag:s7], $0x8000  }
.Ltmp1:
0x1a: {  	[sflag:s7] =	ssyncset.done $0x0;
	(pc) =	sbr.rel @p0 .LBB2_1-.Ltmp1, $4  }
0x1b: {  	[sflag:s7] =	ssyncadd.s32 $0xFFFF8000  }
0x1c: {  	[hbm4b:s8+s3] =	stream.linear.scatter [tilespmem:s6], [sflag:$0x2], $0x8000, $0x38;
	[tilespmem:$0x8400] =	vst v63  }
0x1d: {  	_ =	swait.ge [sflag:s4], $0x8000  }
0x1e: {  	[sflag:s4] =	ssyncset.done $0x0  }
.LBB2_2:
0x1f: {  	[sflag:s4] =	ssyncadd.s32 $0xFFFF8000  }
0x20: {  	_ =	sfence.sel $0x180000  }
0x21: {  	[bflag:$0x0] =	sbarrier.arrive $0xFFFF  }
0x22: {  	p0 =	sne.s32 s0, $0x0;
	_ =	strace $0x90000047  }
0x23: {  	s0 =	sadd.s32 @!p0 $0x100000, s1;
	[bflag:$0x2] =	sbarrier.arrive $0xFFFF  }
0x24: {  	[sflag:s0] =	ssyncadd.tile.s32 @!p0 $0x1;
	_ =	shalt  }
.Lfunc_end2:
_tile_overlayer_lowered:
.L_overlay_start_2:
0x25: {  	(tag) =	ssettag $0x2  }
0x26: {  	s0 =	rddreg [dreg:$0x0];
	s2 =	stileid.u32  }
0x27: {  	s1 =	rddreg [dreg:$0x1];
	p0 =	sne.s32 s2, $0x0  }
0x28: {  	s3 =	rddreg [dreg:$0x2];
	[bflag:$0x3] =	sbarrier.arrive $0xFFFF;
	s2 =	simm.s32 @!p0 $0x1C02  }
0x29: {  	[timem:s3], [sflag:s2] =	dma.local @!p0 [hbm:s0], s1  }
0x2a: {  	s0 =	simm.s32 @!p0 $0x2  }
0x2b: {  	_ =	swait.ge @!p0 [sflag:s0], s1  }
0x2c: {  	s1 =	ssub.s32 @!p0 $0x0, s1;
	[sflag:s0] =	ssyncset.done @!p0 $0x0  }
0x2d: {  	[sflag:s0] =	ssyncadd.s32 @!p0 s1  }
0x2e: {  	[bflag:$0x3] =	sbarrier.arrive $0xFFFF  }
0x2f: {  	_ =	shalt  }

</sc_bundles>
